<compile_context>
chip_gen: v7x
topology: tpu7x:2x2x1
jax: 0.10.2.dev20260603
libtpu: 0.0.44.dev20260713+nightly
codegen_flags: <defaults>
</compile_context>

<pallas_src>
import jax
import jax.numpy as jnp
from jax import lax
from jax.experimental import pallas as pl
from jax.experimental.pallas import tpu as pltpu
from jax.experimental.pallas import tpu_sc as plsc

_ROWS = 8192
_COLS = 2048
_NB1 = 32768
_NB2 = 65536
_NW = 32
_RPW = _ROWS // _NW
_CHUNK = 8
_NCHUNKS = _RPW // _CHUNK
_HC = 8
_HNCHUNKS = _RPW // _HC
_K = (_ROWS * _COLS) // 2

_TCR = 4608
_SCR = _ROWS - _TCR
_SC_RPW = _SCR // _NW
_SC_NCHUNKS = _SC_RPW // _CHUNK


def _colsq_tc(xf):
    def body(x_ref, o_ref):
        i = pl.program_id(0)
        part = jnp.sum(x_ref[...] * x_ref[...], axis=0, keepdims=True)

        @pl.when(i == 0)
        def _():
            o_ref[...] = part

        @pl.when(i != 0)
        def _():
            o_ref[...] += part

    return pl.pallas_call(
        body,
        grid=(_TCR // 256,),
        in_specs=[pl.BlockSpec((256, _COLS), lambda i: (i, 0))],
        out_specs=pl.BlockSpec((1, _COLS), lambda i: (0, 0)),
        out_shape=jax.ShapeDtypeStruct((1, _COLS), jnp.float32),
    )(xf)


def _colsq_sc_body(x_hbm, out_hbm, acc, xb0, xb1, sem0, sem1):
    cid = lax.axis_index("c")
    sid = lax.axis_index("s")
    wid = sid * 2 + cid
    base_row = _TCR + wid * _SC_RPW

    zf = jnp.zeros((16,), jnp.float32)

    @plsc.parallel_loop(0, _COLS // 16, unroll=8)
    def _zero(i):
        acc[pl.ds(i * 16, 16)] = zf

    bufs = (xb0, xb1)
    sems = (sem0, sem1)

    def _start(c, b):
        pltpu.async_copy(
            x_hbm.at[pl.ds(base_row + c * _CHUNK, _CHUNK)], bufs[b], sems[b])

    def _wait(b):
        pltpu.make_async_copy(
            x_hbm.at[pl.ds(base_row, _CHUNK)], bufs[b], sems[b]).wait()

    def _process(b):
        xb = bufs[b]

        @plsc.parallel_loop(0, _COLS // 16, unroll=4)
        def _(g):
            col = g * 16
            s = acc[pl.ds(col, 16)]
            sq = []
            for r in range(_CHUNK):
                x = xb[r, pl.ds(col, 16)]
                sq.append(x * x)
            t0 = (sq[0] + sq[1]) + (sq[2] + sq[3])
            t1 = (sq[4] + sq[5]) + (sq[6] + sq[7])
            acc[pl.ds(col, 16)] = s + (t0 + t1)

    _start(0, 0)

    def _outer2(oi, carry):
        for b in range(2):
            c = oi * 2 + b
            _wait(b)
            nc = c + 1

            @pl.when(nc < _SC_NCHUNKS)
            def _():
                _start(nc, 1 - b)

            _process(b)
        return carry

    lax.fori_loop(0, _SC_NCHUNKS // 2, _outer2, 0)
    if _SC_NCHUNKS % 2:
        _wait(0)
        _process(0)
    pltpu.sync_copy(acc, out_hbm.at[wid])


def _colsq_sc(xf):
    mesh = plsc.VectorSubcoreMesh(core_axis_name="c", subcore_axis_name="s")
    f = pl.kernel(
        _colsq_sc_body,
        out_type=jax.ShapeDtypeStruct((_NW, _COLS), jnp.float32),
        mesh=mesh,
        scratch_types=[
            pltpu.VMEM((_COLS,), jnp.float32),
            pltpu.VMEM((_CHUNK, _COLS), jnp.float32),
            pltpu.VMEM((_CHUNK, _COLS), jnp.float32),
            pltpu.SemaphoreType.DMA,
            pltpu.SemaphoreType.DMA,
        ],
        compiler_params=pltpu.CompilerParams(needs_layout_passes=False),
    )
    return f(xf)


def _mask_pass(w, ss2d, thr):
    def body(w_ref, ss_ref, t_ref, o_ref):
        q = (w_ref[...] * w_ref[...]) * ss_ref[...]
        o_ref[...] = (q >= t_ref[...]).astype(jnp.int8)

    return pl.pallas_call(
        body,
        grid=(32,),
        in_specs=[
            pl.BlockSpec((256, _COLS), lambda i: (i, 0)),
            pl.BlockSpec((1, _COLS), lambda i: (0, 0)),
            pl.BlockSpec((1, 1), lambda i: (0, 0)),
        ],
        out_specs=pl.BlockSpec((256, _COLS), lambda i: (i, 0)),
        out_shape=jax.ShapeDtypeStruct((_ROWS, _COLS), jnp.int8),
    )(w, ss2d, thr.reshape(1, 1))


def _hist_body(low_pass, *refs):
    if low_pass:
        (w_hbm, ss_hbm, sel_hbm, out_hbm,
         ssv, wb0, wb1, hist, selv, sem0, sem1) = refs
    else:
        w_hbm, ss_hbm, out_hbm, ssv, wb0, wb1, hist, sem0, sem1 = refs

    nb = _NB2 if low_pass else _NB1
    cid = lax.axis_index("c")
    sid = lax.axis_index("s")
    wid = sid * 2 + cid
    base_row = wid * _RPW

    zeros16 = jnp.zeros((16,), jnp.int32)

    @plsc.parallel_loop(0, nb // 16, unroll=8)
    def _zero(i):
        hist[pl.ds(i * 16, 16)] = zeros16

    pltpu.sync_copy(ss_hbm, ssv)
    if low_pass:
        pltpu.sync_copy(sel_hbm, selv)
        sel = selv[...]

    ones16 = jnp.ones((16,), jnp.int32)
    shift16 = jnp.full((16,), 16, jnp.int32)
    mask16 = jnp.full((16,), 0xFFFF, jnp.int32)

    bufs = (wb0, wb1)
    sems = (sem0, sem1)

    def _start(c, b):
        pltpu.async_copy(
            w_hbm.at[pl.ds(base_row + c * _HC, _HC)], bufs[b], sems[b])

    def _wait(b):
        pltpu.make_async_copy(
            w_hbm.at[pl.ds(base_row, _HC)], bufs[b], sems[b]).wait()

    def _process(b):
        wb = bufs[b]

        @plsc.parallel_loop(0, _COLS // 16, unroll=4)
        def _(g):
            col = g * 16
            sv = ssv[pl.ds(col, 16)]
            his = []
            for r in range(_HC):
                w = wb[r, pl.ds(col, 16)]
                q = (w * w) * sv
                bits = lax.bitcast_convert_type(q, jnp.int32)
                his.append(bits)
            for bits in his:
                hi = lax.shift_right_logical(bits, shift16)
                if low_pass:
                    lo = jnp.bitwise_and(bits, mask16)
                    plsc.addupdate_scatter(hist, [lo], ones16, mask=hi == sel)
                else:
                    plsc.addupdate_scatter(hist, [hi], ones16)

    _start(0, 0)

    def _outer(oi, carry):
        for b in range(2):
            c = oi * 2 + b
            _wait(b)
            nc = c + 1

            @pl.when(nc < _HNCHUNKS)
            def _():
                _start(nc, 1 - b)

            _process(b)
        return carry

    lax.fori_loop(0, _HNCHUNKS // 2, _outer, 0)
    pltpu.sync_copy(hist, out_hbm.at[wid])


def _run_hist(w, ss, sel=None):
    low_pass = sel is not None
    nb = _NB2 if low_pass else _NB1
    mesh = plsc.VectorSubcoreMesh(core_axis_name="c", subcore_axis_name="s")
    scratch = [
        pltpu.VMEM((_COLS,), jnp.float32),
        pltpu.VMEM((_HC, _COLS), jnp.float32),
        pltpu.VMEM((_HC, _COLS), jnp.float32),
        pltpu.VMEM((nb,), jnp.int32),
    ]
    if low_pass:
        scratch.append(pltpu.VMEM((16,), jnp.int32))
    scratch.append(pltpu.SemaphoreType.DMA)
    scratch.append(pltpu.SemaphoreType.DMA)

    def body(*refs):
        _hist_body(low_pass, *refs)

    f = pl.kernel(
        body,
        out_type=jax.ShapeDtypeStruct((_NW, nb), jnp.int32),
        mesh=mesh,
        scratch_types=scratch,
        compiler_params=pltpu.CompilerParams(needs_layout_passes=False),
    )
    args = (w, ss, sel) if low_pass else (w, ss)
    return f(*args)


def _pick(hist, rank):
    nb = hist.shape[0]
    cnt_ge = jnp.cumsum(hist[::-1])[::-1]
    idx = jnp.arange(nb, dtype=jnp.int32)
    b = jnp.max(jnp.where(cnt_ge >= rank, idx, -1)).astype(jnp.int32)
    cnt_pad = jnp.concatenate([cnt_ge, jnp.zeros((1,), cnt_ge.dtype)])
    above = cnt_pad[b + 1]
    return b, rank - above


def kernel(W, X):
    xf = X.reshape(_ROWS, _COLS)
    ss_tc = _colsq_tc(xf)
    ss_sc = _colsq_sc(xf)
    ss = ss_tc.reshape(_COLS) + jnp.sum(ss_sc, axis=0)
    ss2d = ss.reshape(1, _COLS)

    h1 = jnp.sum(_run_hist(W, ss), axis=0)
    b1, r1 = _pick(h1, jnp.int32(_K))

    sel = jnp.full((16,), b1, jnp.int32)
    h2 = jnp.sum(_run_hist(W, ss, sel), axis=0)
    b2, _ = _pick(h2, r1)

    thr_bits = (b1 << 16) | b2
    thr = lax.bitcast_convert_type(thr_bits, jnp.float32)
    return _mask_pass(W, ss2d, thr).astype(jnp.bool_)

# --- scband reference (transcript-rebuilt; emitter-appended) ---
"""Pipeline reference for scband-pruner-random-40785009443355 (READ-ONLY COPY).

The authoritative reference and input builder live on the scoring server;
editing this copy changes nothing except your own understanding.
"""

import jax, jax.numpy as jnp
import numpy as np

SPARSITY = 0.5
# torch module: descending=False -> self.descending=True -> torch.topk(largest=True)
LARGEST = True

def setup_inputs(seed: int = 0) -> dict:
    key = jax.random.key(seed)
    k1, k2 = jax.random.split(key)
    W = jax.random.normal(k1, (8192, 2048), dtype=jnp.float32)
    X = jax.random.normal(k2, (4, 2048, 2048), dtype=jnp.float32)
    return {"W": W, "X": X}

def reference(W, X):
    N, L, C_in = X.shape
    Xf = X.reshape(N * L, C_in)
    # X.norm(p=2, dim=0) -> per-column L2 norm, shape (C_in,)
    col_norms = jnp.sqrt(jnp.sum(Xf * Xf, axis=0))
    metric = jnp.abs(W) * col_norms  # (C_out, C_in) via broadcast
    flat = metric.reshape(-1)
    k = int(flat.shape[0] * SPARSITY)
    if LARGEST:
        top_k_values, _ = jax.lax.top_k(flat, k)
    else:
        top_k_values, _ = jax.lax.top_k(-flat, k)
        top_k_values = -top_k_values
    threshold = top_k_values[-1]
    random_mask = metric >= threshold
    return random_mask

if __name__ == "__main__":
    import jax
    _d = setup_inputs()
    print(jax.jit(kernel)(*tuple(_d.values())))

</pallas_src>

<mosaic_0001>
#map = affine_map<(d0, d1) -> (0, 0)>
module attributes {stable_mosaic.version = 14 : i64} {
  func.func @_colsq_sc_body(%arg0: i32, %arg1: i32, %arg2: memref<8192x2048xf32, #tpu.memory_space<hbm>>, %arg3: memref<32x2048xf32, #tpu.memory_space<hbm>>, %arg4: memref<2048xf32, #tpu.memory_space<vmem>>, %arg5: memref<8x2048xf32, #tpu.memory_space<vmem>>, %arg6: memref<8x2048xf32, #tpu.memory_space<vmem>>, %arg7: memref<!tpu.dma_semaphore, #tpu.memory_space<semaphore_mem>>, %arg8: memref<!tpu.dma_semaphore, #tpu.memory_space<semaphore_mem>>) attributes {dimension_semantics = [#tpu.dimension_semantics<core_parallel>, #tpu.dimension_semantics<subcore_parallel>], iteration_bounds = array<i64: 2, 16>, scalar_prefetch = 0 : i64, scratch_operands = 5 : i64, tpu.core_type = #tpu.core_type<sc_vector_subcore>, window_params = [{transform_indices = #map}, {transform_indices = #map}]} {
    %mul3A = arith.constant 2 : i32
    %mul3A_0 = arith.muli %arg1, %mul3A : i32
    %add3A = arith.addi %mul3A_0, %arg0 : i32
    %mul3A_1 = arith.constant 112 : i32
    %mul3A_2 = arith.muli %add3A, %mul3A_1 : i32
    %add3A_3 = arith.constant 4608 : i32
    %add3A_4 = arith.addi %add3A_3, %mul3A_2 : i32
    %broadcast_in_dim3A = arith.constant 0.000000e+00 : f32
    %broadcast_in_dim3A_5 = vector.broadcast %broadcast_in_dim3A : f32 to vector<16xf32>
    %parallel_loop3A = arith.constant 0 : i32
    %parallel_loop3A_6 = arith.constant 128 : i32
    %parallel_loop3A_7 = arith.constant 1 : i32
    scf.for %parallel_loop3A_18 = %parallel_loop3A to %parallel_loop3A_6 step %parallel_loop3A_7  : i32 {
      %parallel_loop3A_19 = arith.constant 16 : i32
      %parallel_loop3A_20 = arith.muli %parallel_loop3A_18, %parallel_loop3A_19 : i32
      %parallel_loop3A_21 = arith.index_cast %parallel_loop3A_20 : i32 to index
      %parallel_loop3A_22 = tpu.vector_load %arg4[%parallel_loop3A_21] {strides = array<i32>} : memref<2048xf32, #tpu.memory_space<vmem>>, vector<16xf32>,
      tpu.vector_store %arg4[%parallel_loop3A_21], %broadcast_in_dim3A_5 {strides = array<i32>} : memref<2048xf32, #tpu.memory_space<vmem>>, vector<16xf32>,
    } {sc.loop_unroll_factor = 8 : i64, sc.parallel_access}
    %add3A_8 = arith.constant 0 : i32
    %add3A_9 = arith.addi %add3A_4, %add3A_8 : i32
    %dma_start3A = arith.constant 0 : i32
    %dma_start3A_10 = tpu.memref_slice %arg2[%add3A_9, %dma_start3A] : memref<8192x2048xf32, #tpu.memory_space<hbm>> -> memref<8x2048xf32, #tpu.memory_space<hbm>>
    %dma_start3A_11 = arith.constant 0 : i32
    %dma_start3A_12 = tpu.memref_slice %arg2[%add3A_9, %dma_start3A_11] : memref<8192x2048xf32, #tpu.memory_space<hbm>> -> memref<8x2048xf32, #tpu.memory_space<hbm>>
    tpu.enqueue_dma source(%dma_start3A_12 : memref<8x2048xf32, #tpu.memory_space<hbm>>) target(%arg5 : memref<8x2048xf32, #tpu.memory_space<vmem>>) target_semaphore(%arg7 : memref<!tpu.dma_semaphore, #tpu.memory_space<semaphore_mem>>)
    %scan3A = arith.constant 0 : i32
    %scan3A_13 = arith.constant 0 : i32
    %scan3A_14 = arith.constant 7 : i32
    %scan3A_15 = arith.addi %scan3A_13, %scan3A_14 : i32
    %scan3A_16 = arith.constant 1 : i32
    scf.for %scan3A_18 = %scan3A_13 to %scan3A_15 step %scan3A_16  : i32 {
      %mul3A_19 = arith.constant 2 : i32
      %mul3A_20 = arith.muli %scan3A_18, %mul3A_19 : i32
      %add3A_21 = arith.constant 0 : i32
      %add3A_22 = arith.addi %mul3A_20, %add3A_21 : i32
      %dma_wait3A = arith.constant 0 : i32
      %dma_wait3A_23 = tpu.memref_slice %arg2[%add3A_4, %dma_wait3A] : memref<8192x2048xf32, #tpu.memory_space<hbm>> -> memref<8x2048xf32, #tpu.memory_space<hbm>>
      %dma_wait3A_24 = arith.constant 0 : i32
      %dma_wait3A_25 = tpu.memref_slice %arg2[%add3A_4, %dma_wait3A_24] : memref<8192x2048xf32, #tpu.memory_space<hbm>> -> memref<8x2048xf32, #tpu.memory_space<hbm>>
      tpu.wait_dma2 semaphore(%arg7 : memref<!tpu.dma_semaphore, #tpu.memory_space<semaphore_mem>>) src(%dma_wait3A_25 : memref<8x2048xf32, #tpu.memory_space<hbm>>) dst(%arg5 : memref<8x2048xf32, #tpu.memory_space<vmem>>)
      %add3A_26 = arith.constant 1 : i32
      %add3A_27 = arith.addi %add3A_22, %add3A_26 : i32
      %lt3A = arith.constant 14 : i32
      %lt3A_28 = arith.cmpi slt, %add3A_27, %lt3A : i32
      %convert_element_type3A = arith.extui %lt3A_28 : i1 to i32
      %cond3A = arith.constant 0 : i32
      %cond3A_29 = arith.cmpi ne, %convert_element_type3A, %cond3A : i32
      scf.if %cond3A_29 {
        %mul3A_51 = arith.constant 8 : i32
        %mul3A_52 = arith.muli %add3A_27, %mul3A_51 : i32
        %add3A_53 = arith.addi %add3A_4, %mul3A_52 : i32
        %dma_start3A_54 = arith.constant 0 : i32
        %dma_start3A_55 = tpu.memref_slice %arg2[%add3A_53, %dma_start3A_54] : memref<8192x2048xf32, #tpu.memory_space<hbm>> -> memref<8x2048xf32, #tpu.memory_space<hbm>>
        %dma_start3A_56 = arith.constant 0 : i32
        %dma_start3A_57 = tpu.memref_slice %arg2[%add3A_53, %dma_start3A_56] : memref<8192x2048xf32, #tpu.memory_space<hbm>> -> memref<8x2048xf32, #tpu.memory_space<hbm>>
        tpu.enqueue_dma source(%dma_start3A_57 : memref<8x2048xf32, #tpu.memory_space<hbm>>) target(%arg6 : memref<8x2048xf32, #tpu.memory_space<vmem>>) target_semaphore(%arg8 : memref<!tpu.dma_semaphore, #tpu.memory_space<semaphore_mem>>)
      } else {
      }
      %parallel_loop3A_30 = arith.constant 0 : i32
      %parallel_loop3A_31 = arith.constant 128 : i32
      %parallel_loop3A_32 = arith.constant 1 : i32
      scf.for %parallel_loop3A_51 = %parallel_loop3A_30 to %parallel_loop3A_31 step %parallel_loop3A_32  : i32 {
        %parallel_loop3A_52 = arith.constant 16 : i32
        %parallel_loop3A_53 = arith.muli %parallel_loop3A_51, %parallel_loop3A_52 : i32
        %parallel_loop3A_54 = arith.index_cast %parallel_loop3A_53 : i32 to index
        %parallel_loop3A_55 = tpu.vector_load %arg4[%parallel_loop3A_54] {strides = array<i32>} : memref<2048xf32, #tpu.memory_space<vmem>>, vector<16xf32>,
        %parallel_loop3A_56 = arith.constant 0 : i32
        %parallel_loop3A_57 = arith.index_cast %parallel_loop3A_56 : i32 to index
        %parallel_loop3A_58 = arith.index_cast %parallel_loop3A_53 : i32 to index
        %parallel_loop3A_59 = tpu.vector_load %arg5[%parallel_loop3A_57, %parallel_loop3A_58] {strides = array<i32>} : memref<8x2048xf32, #tpu.memory_space<vmem>>, vector<16xf32>,
        %parallel_loop3A_60 = arith.mulf %parallel_loop3A_59, %parallel_loop3A_59 : vector<16xf32>
        %parallel_loop3A_61 = arith.constant 1 : i32
        %parallel_loop3A_62 = arith.index_cast %parallel_loop3A_61 : i32 to index
        %parallel_loop3A_63 = arith.index_cast %parallel_loop3A_53 : i32 to index
        %parallel_loop3A_64 = tpu.vector_load %arg5[%parallel_loop3A_62, %parallel_loop3A_63] {strides = array<i32>} : memref<8x2048xf32, #tpu.memory_space<vmem>>, vector<16xf32>,
        %parallel_loop3A_65 = arith.mulf %parallel_loop3A_64, %parallel_loop3A_64 : vector<16xf32>
        %parallel_loop3A_66 = arith.constant 2 : i32
        %parallel_loop3A_67 = arith.index_cast %parallel_loop3A_66 : i32 to index
        %parallel_loop3A_68 = arith.index_cast %parallel_loop3A_53 : i32 to index
        %parallel_loop3A_69 = tpu.vector_load %arg5[%parallel_loop3A_67, %parallel_loop3A_68] {strides = array<i32>} : memref<8x2048xf32, #tpu.memory_space<vmem>>, vector<16xf32>,
        %parallel_loop3A_70 = arith.mulf %parallel_loop3A_69, %parallel_loop3A_69 : vector<16xf32>
        %parallel_loop3A_71 = arith.constant 3 : i32
        %parallel_loop3A_72 = arith.index_cast %parallel_loop3A_71 : i32 to index
        %parallel_loop3A_73 = arith.index_cast %parallel_loop3A_53 : i32 to index
        %parallel_loop3A_74 = tpu.vector_load %arg5[%parallel_loop3A_72, %parallel_loop3A_73] {strides = array<i32>} : memref<8x2048xf32, #tpu.memory_space<vmem>>, vector<16xf32>,
        %parallel_loop3A_75 = arith.mulf %parallel_loop3A_74, %parallel_loop3A_74 : vector<16xf32>
        %parallel_loop3A_76 = arith.constant 4 : i32
        %parallel_loop3A_77 = arith.index_cast %parallel_loop3A_76 : i32 to index
        %parallel_loop3A_78 = arith.index_cast %parallel_loop3A_53 : i32 to index
        %parallel_loop3A_79 = tpu.vector_load %arg5[%parallel_loop3A_77, %parallel_loop3A_78] {strides = array<i32>} : memref<8x2048xf32, #tpu.memory_space<vmem>>, vector<16xf32>,
        %parallel_loop3A_80 = arith.mulf %parallel_loop3A_79, %parallel_loop3A_79 : vector<16xf32>
        %parallel_loop3A_81 = arith.constant 5 : i32
        %parallel_loop3A_82 = arith.index_cast %parallel_loop3A_81 : i32 to index
        %parallel_loop3A_83 = arith.index_cast %parallel_loop3A_53 : i32 to index
        %parallel_loop3A_84 = tpu.vector_load %arg5[%parallel_loop3A_82, %parallel_loop3A_83] {strides = array<i32>} : memref<8x2048xf32, #tpu.memory_space<vmem>>, vector<16xf32>,
        %parallel_loop3A_85 = arith.mulf %parallel_loop3A_84, %parallel_loop3A_84 : vector<16xf32>
        %parallel_loop3A_86 = arith.constant 6 : i32
        %parallel_loop3A_87 = arith.index_cast %parallel_loop3A_86 : i32 to index
        %parallel_loop3A_88 = arith.index_cast %parallel_loop3A_53 : i32 to index
        %parallel_loop3A_89 = tpu.vector_load %arg5[%parallel_loop3A_87, %parallel_loop3A_88] {strides = array<i32>} : memref<8x2048xf32, #tpu.memory_space<vmem>>, vector<16xf32>,
        %parallel_loop3A_90 = arith.mulf %parallel_loop3A_89, %parallel_loop3A_89 : vector<16xf32>
        %parallel_loop3A_91 = arith.constant 7 : i32
        %parallel_loop3A_92 = arith.index_cast %parallel_loop3A_91 : i32 to index
        %parallel_loop3A_93 = arith.index_cast %parallel_loop3A_53 : i32 to index
        %parallel_loop3A_94 = tpu.vector_load %arg5[%parallel_loop3A_92, %parallel_loop3A_93] {strides = array<i32>} : memref<8x2048xf32, #tpu.memory_space<vmem>>, vector<16xf32>,
        %parallel_loop3A_95 = arith.mulf %parallel_loop3A_94, %parallel_loop3A_94 : vector<16xf32>
        %parallel_loop3A_96 = arith.addf %parallel_loop3A_60, %parallel_loop3A_65 : vector<16xf32>
        %parallel_loop3A_97 = arith.addf %parallel_loop3A_70, %parallel_loop3A_75 : vector<16xf32>
        %parallel_loop3A_98 = arith.addf %parallel_loop3A_96, %parallel_loop3A_97 : vector<16xf32>
        %parallel_loop3A_99 = arith.addf %parallel_loop3A_80, %parallel_loop3A_85 : vector<16xf32>
        %parallel_loop3A_100 = arith.addf %parallel_loop3A_90, %parallel_loop3A_95 : vector<16xf32>
        %parallel_loop3A_101 = arith.addf %parallel_loop3A_99, %parallel_loop3A_100 : vector<16xf32>
        %parallel_loop3A_102 = arith.addf %parallel_loop3A_98, %parallel_loop3A_101 : vector<16xf32>
        %parallel_loop3A_103 = arith.addf %parallel_loop3A_55, %parallel_loop3A_102 : vector<16xf32>
        %parallel_loop3A_104 = arith.index_cast %parallel_loop3A_53 : i32 to index
        %parallel_loop3A_105 = tpu.vector_load %arg4[%parallel_loop3A_104] {strides = array<i32>} : memref<2048xf32, #tpu.memory_space<vmem>>, vector<16xf32>,
        tpu.vector_store %arg4[%parallel_loop3A_104], %parallel_loop3A_103 {strides = array<i32>} : memref<2048xf32, #tpu.memory_space<vmem>>, vector<16xf32>,
      } {sc.loop_unroll_factor = 4 : i64, sc.parallel_access}
      %mul3A_33 = arith.constant 2 : i32
      %mul3A_34 = arith.muli %scan3A_18, %mul3A_33 : i32
      %add3A_35 = arith.constant 1 : i32
      %add3A_36 = arith.addi %mul3A_34, %add3A_35 : i32
      %dma_wait3A_37 = arith.constant 0 : i32
      %dma_wait3A_38 = tpu.memref_slice %arg2[%add3A_4, %dma_wait3A_37] : memref<8192x2048xf32, #tpu.memory_space<hbm>> -> memref<8x2048xf32, #tpu.memory_space<hbm>>
      %dma_wait3A_39 = arith.constant 0 : i32
      %dma_wait3A_40 = tpu.memref_slice %arg2[%add3A_4, %dma_wait3A_39] : memref<8192x2048xf32, #tpu.memory_space<hbm>> -> memref<8x2048xf32, #tpu.memory_space<hbm>>
      tpu.wait_dma2 semaphore(%arg8 : memref<!tpu.dma_semaphore, #tpu.memory_space<semaphore_mem>>) src(%dma_wait3A_40 : memref<8x2048xf32, #tpu.memory_space<hbm>>) dst(%arg6 : memref<8x2048xf32, #tpu.memory_space<vmem>>)
      %add3A_41 = arith.constant 1 : i32
      %add3A_42 = arith.addi %add3A_36, %add3A_41 : i32
      %lt3A_43 = arith.constant 14 : i32
      %lt3A_44 = arith.cmpi slt, %add3A_42, %lt3A_43 : i32
      %convert_element_type3A_45 = arith.extui %lt3A_44 : i1 to i32
      %cond3A_46 = arith.constant 0 : i32
      %cond3A_47 = arith.cmpi ne, %convert_element_type3A_45, %cond3A_46 : i32
      scf.if %cond3A_47 {
        %mul3A_51 = arith.constant 8 : i32
        %mul3A_52 = arith.muli %add3A_42, %mul3A_51 : i32
        %add3A_53 = arith.addi %add3A_4, %mul3A_52 : i32
        %dma_start3A_54 = arith.constant 0 : i32
        %dma_start3A_55 = tpu.memref_slice %arg2[%add3A_53, %dma_start3A_54] : memref<8192x2048xf32, #tpu.memory_space<hbm>> -> memref<8x2048xf32, #tpu.memory_space<hbm>>
        %dma_start3A_56 = arith.constant 0 : i32
        %dma_start3A_57 = tpu.memref_slice %arg2[%add3A_53, %dma_start3A_56] : memref<8192x2048xf32, #tpu.memory_space<hbm>> -> memref<8x2048xf32, #tpu.memory_space<hbm>>
        tpu.enqueue_dma source(%dma_start3A_57 : memref<8x2048xf32, #tpu.memory_space<hbm>>) target(%arg5 : memref<8x2048xf32, #tpu.memory_space<vmem>>) target_semaphore(%arg7 : memref<!tpu.dma_semaphore, #tpu.memory_space<semaphore_mem>>)
      } else {
      }
      %parallel_loop3A_48 = arith.constant 0 : i32
      %parallel_loop3A_49 = arith.constant 128 : i32
      %parallel_loop3A_50 = arith.constant 1 : i32
      scf.for %parallel_loop3A_51 = %parallel_loop3A_48 to %parallel_loop3A_49 step %parallel_loop3A_50  : i32 {
        %parallel_loop3A_52 = arith.constant 16 : i32
        %parallel_loop3A_53 = arith.muli %parallel_loop3A_51, %parallel_loop3A_52 : i32
        %parallel_loop3A_54 = arith.index_cast %parallel_loop3A_53 : i32 to index
        %parallel_loop3A_55 = tpu.vector_load %arg4[%parallel_loop3A_54] {strides = array<i32>} : memref<2048xf32, #tpu.memory_space<vmem>>, vector<16xf32>,
        %parallel_loop3A_56 = arith.constant 0 : i32
        %parallel_loop3A_57 = arith.index_cast %parallel_loop3A_56 : i32 to index
        %parallel_loop3A_58 = arith.index_cast %parallel_loop3A_53 : i32 to index
        %parallel_loop3A_59 = tpu.vector_load %arg6[%parallel_loop3A_57, %parallel_loop3A_58] {strides = array<i32>} : memref<8x2048xf32, #tpu.memory_space<vmem>>, vector<16xf32>,
        %parallel_loop3A_60 = arith.mulf %parallel_loop3A_59, %parallel_loop3A_59 : vector<16xf32>
        %parallel_loop3A_61 = arith.constant 1 : i32
        %parallel_loop3A_62 = arith.index_cast %parallel_loop3A_61 : i32 to index
        %parallel_loop3A_63 = arith.index_cast %parallel_loop3A_53 : i32 to index
        %parallel_loop3A_64 = tpu.vector_load %arg6[%parallel_loop3A_62, %parallel_loop3A_63] {strides = array<i32>} : memref<8x2048xf32, #tpu.memory_space<vmem>>, vector<16xf32>,
        %parallel_loop3A_65 = arith.mulf %parallel_loop3A_64, %parallel_loop3A_64 : vector<16xf32>
        %parallel_loop3A_66 = arith.constant 2 : i32
        %parallel_loop3A_67 = arith.index_cast %parallel_loop3A_66 : i32 to index
        %parallel_loop3A_68 = arith.index_cast %parallel_loop3A_53 : i32 to index
        %parallel_loop3A_69 = tpu.vector_load %arg6[%parallel_loop3A_67, %parallel_loop3A_68] {strides = array<i32>} : memref<8x2048xf32, #tpu.memory_space<vmem>>, vector<16xf32>,
        %parallel_loop3A_70 = arith.mulf %parallel_loop3A_69, %parallel_loop3A_69 : vector<16xf32>
        %parallel_loop3A_71 = arith.constant 3 : i32
        %parallel_loop3A_72 = arith.index_cast %parallel_loop3A_71 : i32 to index
        %parallel_loop3A_73 = arith.index_cast %parallel_loop3A_53 : i32 to index
        %parallel_loop3A_74 = tpu.vector_load %arg6[%parallel_loop3A_72, %parallel_loop3A_73] {strides = array<i32>} : memref<8x2048xf32, #tpu.memory_space<vmem>>, vector<16xf32>,
        %parallel_loop3A_75 = arith.mulf %parallel_loop3A_74, %parallel_loop3A_74 : vector<16xf32>
        %parallel_loop3A_76 = arith.constant 4 : i32
        %parallel_loop3A_77 = arith.index_cast %parallel_loop3A_76 : i32 to index
        %parallel_loop3A_78 = arith.index_cast %parallel_loop3A_53 : i32 to index
        %parallel_loop3A_79 = tpu.vector_load %arg6[%parallel_loop3A_77, %parallel_loop3A_78] {strides = array<i32>} : memref<8x2048xf32, #tpu.memory_space<vmem>>, vector<16xf32>,
        %parallel_loop3A_80 = arith.mulf %parallel_loop3A_79, %parallel_loop3A_79 : vector<16xf32>
        %parallel_loop3A_81 = arith.constant 5 : i32
        %parallel_loop3A_82 = arith.index_cast %parallel_loop3A_81 : i32 to index
        %parallel_loop3A_83 = arith.index_cast %parallel_loop3A_53 : i32 to index
        %parallel_loop3A_84 = tpu.vector_load %arg6[%parallel_loop3A_82, %parallel_loop3A_83] {strides = array<i32>} : memref<8x2048xf32, #tpu.memory_space<vmem>>, vector<16xf32>,
        %parallel_loop3A_85 = arith.mulf %parallel_loop3A_84, %parallel_loop3A_84 : vector<16xf32>
        %parallel_loop3A_86 = arith.constant 6 : i32
        %parallel_loop3A_87 = arith.index_cast %parallel_loop3A_86 : i32 to index
        %parallel_loop3A_88 = arith.index_cast %parallel_loop3A_53 : i32 to index
        %parallel_loop3A_89 = tpu.vector_load %arg6[%parallel_loop3A_87, %parallel_loop3A_88] {strides = array<i32>} : memref<8x2048xf32, #tpu.memory_space<vmem>>, vector<16xf32>,
        %parallel_loop3A_90 = arith.mulf %parallel_loop3A_89, %parallel_loop3A_89 : vector<16xf32>
        %parallel_loop3A_91 = arith.constant 7 : i32
        %parallel_loop3A_92 = arith.index_cast %parallel_loop3A_91 : i32 to index
        %parallel_loop3A_93 = arith.index_cast %parallel_loop3A_53 : i32 to index
        %parallel_loop3A_94 = tpu.vector_load %arg6[%parallel_loop3A_92, %parallel_loop3A_93] {strides = array<i32>} : memref<8x2048xf32, #tpu.memory_space<vmem>>, vector<16xf32>,
        %parallel_loop3A_95 = arith.mulf %parallel_loop3A_94, %parallel_loop3A_94 : vector<16xf32>
        %parallel_loop3A_96 = arith.addf %parallel_loop3A_60, %parallel_loop3A_65 : vector<16xf32>
        %parallel_loop3A_97 = arith.addf %parallel_loop3A_70, %parallel_loop3A_75 : vector<16xf32>
        %parallel_loop3A_98 = arith.addf %parallel_loop3A_96, %parallel_loop3A_97 : vector<16xf32>
        %parallel_loop3A_99 = arith.addf %parallel_loop3A_80, %parallel_loop3A_85 : vector<16xf32>
        %parallel_loop3A_100 = arith.addf %parallel_loop3A_90, %parallel_loop3A_95 : vector<16xf32>
        %parallel_loop3A_101 = arith.addf %parallel_loop3A_99, %parallel_loop3A_100 : vector<16xf32>
        %parallel_loop3A_102 = arith.addf %parallel_loop3A_98, %parallel_loop3A_101 : vector<16xf32>
        %parallel_loop3A_103 = arith.addf %parallel_loop3A_55, %parallel_loop3A_102 : vector<16xf32>
        %parallel_loop3A_104 = arith.index_cast %parallel_loop3A_53 : i32 to index
        %parallel_loop3A_105 = tpu.vector_load %arg4[%parallel_loop3A_104] {strides = array<i32>} : memref<2048xf32, #tpu.memory_space<vmem>>, vector<16xf32>,
        tpu.vector_store %arg4[%parallel_loop3A_104], %parallel_loop3A_103 {strides = array<i32>} : memref<2048xf32, #tpu.memory_space<vmem>>, vector<16xf32>,
      } {sc.loop_unroll_factor = 4 : i64, sc.parallel_access}
    }
    %scan3A_17 = arith.constant 7 : i32
    "tpu.region"() ({
      %run_scoped3A = tpu.sem_alloc : memref<!tpu.dma_semaphore, #tpu.memory_space<semaphore_mem>>
      %dma_start3A_18 = arith.constant 0 : i32
      %dma_start3A_19 = tpu.memref_slice %arg3[%add3A, %dma_start3A_18] : memref<32x2048xf32, #tpu.memory_space<hbm>> -> memref<1x2048xf32, #tpu.memory_space<hbm>>
      %dma_start3A_20 = tpu.memref_squeeze %dma_start3A_19 : memref<1x2048xf32, #tpu.memory_space<hbm>> -> memref<2048xf32, #tpu.memory_space<hbm>>
      %dma_start3A_21 = arith.constant 0 : i32
      %dma_start3A_22 = tpu.memref_slice %arg3[%add3A, %dma_start3A_21] : memref<32x2048xf32, #tpu.memory_space<hbm>> -> memref<1x2048xf32, #tpu.memory_space<hbm>>
      %dma_start3A_23 = tpu.memref_squeeze %dma_start3A_22 : memref<1x2048xf32, #tpu.memory_space<hbm>> -> memref<2048xf32, #tpu.memory_space<hbm>>
      tpu.enqueue_dma source(%arg4 : memref<2048xf32, #tpu.memory_space<vmem>>) target(%dma_start3A_23 : memref<2048xf32, #tpu.memory_space<hbm>>) target_semaphore(%run_scoped3A : memref<!tpu.dma_semaphore, #tpu.memory_space<semaphore_mem>>)
      %dma_wait3A = arith.constant 0 : i32
      %dma_wait3A_24 = tpu.memref_slice %arg3[%add3A, %dma_wait3A] : memref<32x2048xf32, #tpu.memory_space<hbm>> -> memref<1x2048xf32, #tpu.memory_space<hbm>>
      %dma_wait3A_25 = tpu.memref_squeeze %dma_wait3A_24 : memref<1x2048xf32, #tpu.memory_space<hbm>> -> memref<2048xf32, #tpu.memory_space<hbm>>
      %dma_wait3A_26 = arith.constant 0 : i32
      %dma_wait3A_27 = tpu.memref_slice %arg3[%add3A, %dma_wait3A_26] : memref<32x2048xf32, #tpu.memory_space<hbm>> -> memref<1x2048xf32, #tpu.memory_space<hbm>>
      %dma_wait3A_28 = tpu.memref_squeeze %dma_wait3A_27 : memref<1x2048xf32, #tpu.memory_space<hbm>> -> memref<2048xf32, #tpu.memory_space<hbm>>
      tpu.wait_dma2 semaphore(%run_scoped3A : memref<!tpu.dma_semaphore, #tpu.memory_space<semaphore_mem>>) src(%arg4 : memref<2048xf32, #tpu.memory_space<vmem>>) dst(%dma_wait3A_28 : memref<2048xf32, #tpu.memory_space<hbm>>)
      tpu.yield
    }) : () -> ()
    return
  }
}

#map = affine_map<(d0, d1) -> (0, 0)>
#map1 = affine_map<(d0, d1) -> (0)>
module attributes {stable_mosaic.version = 14 : i64} {
  func.func @body(%arg0: i32, %arg1: i32, %arg2: memref<8192x2048xf32, #tpu.memory_space<hbm>>, %arg3: memref<2048xf32, #tpu.memory_space<hbm>>, %arg4: memref<32x32768xi32, #tpu.memory_space<hbm>>, %arg5: memref<2048xf32, #tpu.memory_space<vmem>>, %arg6: memref<8x2048xf32, #tpu.memory_space<vmem>>, %arg7: memref<8x2048xf32, #tpu.memory_space<vmem>>, %arg8: memref<32768xi32, #tpu.memory_space<vmem>>, %arg9: memref<!tpu.dma_semaphore, #tpu.memory_space<semaphore_mem>>, %arg10: memref<!tpu.dma_semaphore, #tpu.memory_space<semaphore_mem>>) attributes {dimension_semantics = [#tpu.dimension_semantics<core_parallel>, #tpu.dimension_semantics<subcore_parallel>], iteration_bounds = array<i64: 2, 16>, scalar_prefetch = 0 : i64, scratch_operands = 6 : i64, tpu.core_type = #tpu.core_type<sc_vector_subcore>, window_params = [{transform_indices = #map}, {transform_indices = #map1}, {transform_indices = #map}]} {
    %mul3A = arith.constant 2 : i32
    %mul3A_0 = arith.muli %arg1, %mul3A : i32
    %add3A = arith.addi %mul3A_0, %arg0 : i32
    %mul3A_1 = arith.constant 256 : i32
    %mul3A_2 = arith.muli %add3A, %mul3A_1 : i32
    %broadcast_in_dim3A = arith.constant 0 : i32
    %broadcast_in_dim3A_3 = vector.broadcast %broadcast_in_dim3A : i32 to vector<16xi32>
    %parallel_loop3A = arith.constant 0 : i32
    %parallel_loop3A_4 = arith.constant 2048 : i32
    %parallel_loop3A_5 = arith.constant 1 : i32
    scf.for %parallel_loop3A_22 = %parallel_loop3A to %parallel_loop3A_4 step %parallel_loop3A_5  : i32 {
      %parallel_loop3A_23 = arith.constant 16 : i32
      %parallel_loop3A_24 = arith.muli %parallel_loop3A_22, %parallel_loop3A_23 : i32
      %parallel_loop3A_25 = arith.index_cast %parallel_loop3A_24 : i32 to index
      %parallel_loop3A_26 = tpu.vector_load %arg8[%parallel_loop3A_25] {strides = array<i32>} : memref<32768xi32, #tpu.memory_space<vmem>>, vector<16xi32>,
      tpu.vector_store %arg8[%parallel_loop3A_25], %broadcast_in_dim3A_3 {strides = array<i32>} : memref<32768xi32, #tpu.memory_space<vmem>>, vector<16xi32>,
    } {sc.loop_unroll_factor = 8 : i64, sc.parallel_access}
    "tpu.region"() ({
      %run_scoped3A = tpu.sem_alloc : memref<!tpu.dma_semaphore, #tpu.memory_space<semaphore_mem>>
      tpu.enqueue_dma source(%arg3 : memref<2048xf32, #tpu.memory_space<hbm>>) target(%arg5 : memref<2048xf32, #tpu.memory_space<vmem>>) target_semaphore(%run_scoped3A : memref<!tpu.dma_semaphore, #tpu.memory_space<semaphore_mem>>)
      tpu.wait_dma2 semaphore(%run_scoped3A : memref<!tpu.dma_semaphore, #tpu.memory_space<semaphore_mem>>) src(%arg3 : memref<2048xf32, #tpu.memory_space<hbm>>) dst(%arg5 : memref<2048xf32, #tpu.memory_space<vmem>>)
      tpu.yield
    }) : () -> ()
    %broadcast_in_dim3A_6 = arith.constant 1 : i32
    %broadcast_in_dim3A_7 = vector.broadcast %broadcast_in_dim3A_6 : i32 to vector<16xi32>
    %broadcast_in_dim3A_8 = arith.constant 16 : i32
    %broadcast_in_dim3A_9 = vector.broadcast %broadcast_in_dim3A_8 : i32 to vector<16xi32>
    %broadcast_in_dim3A_10 = arith.constant 65535 : i32
    %broadcast_in_dim3A_11 = vector.broadcast %broadcast_in_dim3A_10 : i32 to vector<16xi32>
    %add3A_12 = arith.constant 0 : i32
    %add3A_13 = arith.addi %mul3A_2, %add3A_12 : i32
    %dma_start3A = arith.constant 0 : i32
    %dma_start3A_14 = tpu.memref_slice %arg2[%add3A_13, %dma_start3A] : memref<8192x2048xf32, #tpu.memory_space<hbm>> -> memref<8x2048xf32, #tpu.memory_space<hbm>>
    %dma_start3A_15 = arith.constant 0 : i32
    %dma_start3A_16 = tpu.memref_slice %arg2[%add3A_13, %dma_start3A_15] : memref<8192x2048xf32, #tpu.memory_space<hbm>> -> memref<8x2048xf32, #tpu.memory_space<hbm>>
    tpu.enqueue_dma source(%dma_start3A_16 : memref<8x2048xf32, #tpu.memory_space<hbm>>) target(%arg6 : memref<8x2048xf32, #tpu.memory_space<vmem>>) target_semaphore(%arg9 : memref<!tpu.dma_semaphore, #tpu.memory_space<semaphore_mem>>)
    %scan3A = arith.constant 0 : i32
    %scan3A_17 = arith.constant 0 : i32
    %scan3A_18 = arith.constant 16 : i32
    %scan3A_19 = arith.addi %scan3A_17, %scan3A_18 : i32
    %scan3A_20 = arith.constant 1 : i32
    scf.for %scan3A_22 = %scan3A_17 to %scan3A_19 step %scan3A_20  : i32 {
      %mul3A_23 = arith.constant 2 : i32
      %mul3A_24 = arith.muli %scan3A_22, %mul3A_23 : i32
      %add3A_25 = arith.constant 0 : i32
      %add3A_26 = arith.addi %mul3A_24, %add3A_25 : i32
      %dma_wait3A = arith.constant 0 : i32
      %dma_wait3A_27 = tpu.memref_slice %arg2[%mul3A_2, %dma_wait3A] : memref<8192x2048xf32, #tpu.memory_space<hbm>> -> memref<8x2048xf32, #tpu.memory_space<hbm>>
      %dma_wait3A_28 = arith.constant 0 : i32
      %dma_wait3A_29 = tpu.memref_slice %arg2[%mul3A_2, %dma_wait3A_28] : memref<8192x2048xf32, #tpu.memory_space<hbm>> -> memref<8x2048xf32, #tpu.memory_space<hbm>>
      tpu.wait_dma2 semaphore(%arg9 : memref<!tpu.dma_semaphore, #tpu.memory_space<semaphore_mem>>) src(%dma_wait3A_29 : memref<8x2048xf32, #tpu.memory_space<hbm>>) dst(%arg6 : memref<8x2048xf32, #tpu.memory_space<vmem>>)
      %add3A_30 = arith.constant 1 : i32
      %add3A_31 = arith.addi %add3A_26, %add3A_30 : i32
      %lt3A = arith.constant 32 : i32
      %lt3A_32 = arith.cmpi slt, %add3A_31, %lt3A : i32
      %convert_element_type3A = arith.extui %lt3A_32 : i1 to i32
      %cond3A = arith.constant 0 : i32
      %cond3A_33 = arith.cmpi ne, %convert_element_type3A, %cond3A : i32
      scf.if %cond3A_33 {
        %mul3A_55 = arith.constant 8 : i32
        %mul3A_56 = arith.muli %add3A_31, %mul3A_55 : i32
        %add3A_57 = arith.addi %mul3A_2, %mul3A_56 : i32
        %dma_start3A_58 = arith.constant 0 : i32
        %dma_start3A_59 = tpu.memref_slice %arg2[%add3A_57, %dma_start3A_58] : memref<8192x2048xf32, #tpu.memory_space<hbm>> -> memref<8x2048xf32, #tpu.memory_space<hbm>>
        %dma_start3A_60 = arith.constant 0 : i32
        %dma_start3A_61 = tpu.memref_slice %arg2[%add3A_57, %dma_start3A_60] : memref<8192x2048xf32, #tpu.memory_space<hbm>> -> memref<8x2048xf32, #tpu.memory_space<hbm>>
        tpu.enqueue_dma source(%dma_start3A_61 : memref<8x2048xf32, #tpu.memory_space<hbm>>) target(%arg7 : memref<8x2048xf32, #tpu.memory_space<vmem>>) target_semaphore(%arg10 : memref<!tpu.dma_semaphore, #tpu.memory_space<semaphore_mem>>)
      } else {
      }
      %parallel_loop3A_34 = arith.constant 0 : i32
      %parallel_loop3A_35 = arith.constant 128 : i32
      %parallel_loop3A_36 = arith.constant 1 : i32
      scf.for %parallel_loop3A_55 = %parallel_loop3A_34 to %parallel_loop3A_35 step %parallel_loop3A_36  : i32 {
        %parallel_loop3A_56 = arith.constant 16 : i32
        %parallel_loop3A_57 = arith.muli %parallel_loop3A_55, %parallel_loop3A_56 : i32
        %parallel_loop3A_58 = arith.index_cast %parallel_loop3A_57 : i32 to index
        %parallel_loop3A_59 = tpu.vector_load %arg5[%parallel_loop3A_58] {strides = array<i32>} : memref<2048xf32, #tpu.memory_space<vmem>>, vector<16xf32>,
        %parallel_loop3A_60 = arith.constant 0 : i32
        %parallel_loop3A_61 = arith.index_cast %parallel_loop3A_60 : i32 to index
        %parallel_loop3A_62 = arith.index_cast %parallel_loop3A_57 : i32 to index
        %parallel_loop3A_63 = tpu.vector_load %arg6[%parallel_loop3A_61, %parallel_loop3A_62] {strides = array<i32>} : memref<8x2048xf32, #tpu.memory_space<vmem>>, vector<16xf32>,
        %parallel_loop3A_64 = arith.mulf %parallel_loop3A_63, %parallel_loop3A_63 : vector<16xf32>
        %parallel_loop3A_65 = arith.mulf %parallel_loop3A_64, %parallel_loop3A_59 : vector<16xf32>
        %parallel_loop3A_66 = tpu.bitcast %parallel_loop3A_65 : vector<16xf32> -> vector<16xi32>
        %parallel_loop3A_67 = arith.constant 1 : i32
        %parallel_loop3A_68 = arith.index_cast %parallel_loop3A_67 : i32 to index
        %parallel_loop3A_69 = arith.index_cast %parallel_loop3A_57 : i32 to index
        %parallel_loop3A_70 = tpu.vector_load %arg6[%parallel_loop3A_68, %parallel_loop3A_69] {strides = array<i32>} : memref<8x2048xf32, #tpu.memory_space<vmem>>, vector<16xf32>,
        %parallel_loop3A_71 = arith.mulf %parallel_loop3A_70, %parallel_loop3A_70 : vector<16xf32>
        %parallel_loop3A_72 = arith.mulf %parallel_loop3A_71, %parallel_loop3A_59 : vector<16xf32>
        %parallel_loop3A_73 = tpu.bitcast %parallel_loop3A_72 : vector<16xf32> -> vector<16xi32>
        %parallel_loop3A_74 = arith.constant 2 : i32
        %parallel_loop3A_75 = arith.index_cast %parallel_loop3A_74 : i32 to index
        %parallel_loop3A_76 = arith.index_cast %parallel_loop3A_57 : i32 to index
        %parallel_loop3A_77 = tpu.vector_load %arg6[%parallel_loop3A_75, %parallel_loop3A_76] {strides = array<i32>} : memref<8x2048xf32, #tpu.memory_space<vmem>>, vector<16xf32>,
        %parallel_loop3A_78 = arith.mulf %parallel_loop3A_77, %parallel_loop3A_77 : vector<16xf32>
        %parallel_loop3A_79 = arith.mulf %parallel_loop3A_78, %parallel_loop3A_59 : vector<16xf32>
        %parallel_loop3A_80 = tpu.bitcast %parallel_loop3A_79 : vector<16xf32> -> vector<16xi32>
        %parallel_loop3A_81 = arith.constant 3 : i32
        %parallel_loop3A_82 = arith.index_cast %parallel_loop3A_81 : i32 to index
        %parallel_loop3A_83 = arith.index_cast %parallel_loop3A_57 : i32 to index
        %parallel_loop3A_84 = tpu.vector_load %arg6[%parallel_loop3A_82, %parallel_loop3A_83] {strides = array<i32>} : memref<8x2048xf32, #tpu.memory_space<vmem>>, vector<16xf32>,
        %parallel_loop3A_85 = arith.mulf %parallel_loop3A_84, %parallel_loop3A_84 : vector<16xf32>
        %parallel_loop3A_86 = arith.mulf %parallel_loop3A_85, %parallel_loop3A_59 : vector<16xf32>
        %parallel_loop3A_87 = tpu.bitcast %parallel_loop3A_86 : vector<16xf32> -> vector<16xi32>
        %parallel_loop3A_88 = arith.constant 4 : i32
        %parallel_loop3A_89 = arith.index_cast %parallel_loop3A_88 : i32 to index
        %parallel_loop3A_90 = arith.index_cast %parallel_loop3A_57 : i32 to index
        %parallel_loop3A_91 = tpu.vector_load %arg6[%parallel_loop3A_89, %parallel_loop3A_90] {strides = array<i32>} : memref<8x2048xf32, #tpu.memory_space<vmem>>, vector<16xf32>,
        %parallel_loop3A_92 = arith.mulf %parallel_loop3A_91, %parallel_loop3A_91 : vector<16xf32>
        %parallel_loop3A_93 = arith.mulf %parallel_loop3A_92, %parallel_loop3A_59 : vector<16xf32>
        %parallel_loop3A_94 = tpu.bitcast %parallel_loop3A_93 : vector<16xf32> -> vector<16xi32>
        %parallel_loop3A_95 = arith.constant 5 : i32
        %parallel_loop3A_96 = arith.index_cast %parallel_loop3A_95 : i32 to index
        %parallel_loop3A_97 = arith.index_cast %parallel_loop3A_57 : i32 to index
        %parallel_loop3A_98 = tpu.vector_load %arg6[%parallel_loop3A_96, %parallel_loop3A_97] {strides = array<i32>} : memref<8x2048xf32, #tpu.memory_space<vmem>>, vector<16xf32>,
        %parallel_loop3A_99 = arith.mulf %parallel_loop3A_98, %parallel_loop3A_98 : vector<16xf32>
        %parallel_loop3A_100 = arith.mulf %parallel_loop3A_99, %parallel_loop3A_59 : vector<16xf32>
        %parallel_loop3A_101 = tpu.bitcast %parallel_loop3A_100 : vector<16xf32> -> vector<16xi32>
        %parallel_loop3A_102 = arith.constant 6 : i32
        %parallel_loop3A_103 = arith.index_cast %parallel_loop3A_102 : i32 to index
        %parallel_loop3A_104 = arith.index_cast %parallel_loop3A_57 : i32 to index
        %parallel_loop3A_105 = tpu.vector_load %arg6[%parallel_loop3A_103, %parallel_loop3A_104] {strides = array<i32>} : memref<8x2048xf32, #tpu.memory_space<vmem>>, vector<16xf32>,
        %parallel_loop3A_106 = arith.mulf %parallel_loop3A_105, %parallel_loop3A_105 : vector<16xf32>
        %parallel_loop3A_107 = arith.mulf %parallel_loop3A_106, %parallel_loop3A_59 : vector<16xf32>
        %parallel_loop3A_108 = tpu.bitcast %parallel_loop3A_107 : vector<16xf32> -> vector<16xi32>
        %parallel_loop3A_109 = arith.constant 7 : i32
        %parallel_loop3A_110 = arith.index_cast %parallel_loop3A_109 : i32 to index
        %parallel_loop3A_111 = arith.index_cast %parallel_loop3A_57 : i32 to index
        %parallel_loop3A_112 = tpu.vector_load %arg6[%parallel_loop3A_110, %parallel_loop3A_111] {strides = array<i32>} : memref<8x2048xf32, #tpu.memory_space<vmem>>, vector<16xf32>,
        %parallel_loop3A_113 = arith.mulf %parallel_loop3A_112, %parallel_loop3A_112 : vector<16xf32>
        %parallel_loop3A_114 = arith.mulf %parallel_loop3A_113, %parallel_loop3A_59 : vector<16xf32>
        %parallel_loop3A_115 = tpu.bitcast %parallel_loop3A_114 : vector<16xf32> -> vector<16xi32>
        %parallel_loop3A_116 = arith.shrui %parallel_loop3A_66, %broadcast_in_dim3A_9 : vector<16xi32>
        tpu.vector_store_idx %arg8[%parallel_loop3A_116], %broadcast_in_dim3A_7 {add = true} : memref<32768xi32, #tpu.memory_space<vmem>>[vector<16xi32>], vector<16xi32>,
        %parallel_loop3A_117 = arith.shrui %parallel_loop3A_73, %broadcast_in_dim3A_9 : vector<16xi32>
        tpu.vector_store_idx %arg8[%parallel_loop3A_117], %broadcast_in_dim3A_7 {add = true} : memref<32768xi32, #tpu.memory_space<vmem>>[vector<16xi32>], vector<16xi32>,
        %parallel_loop3A_118 = arith.shrui %parallel_loop3A_80, %broadcast_in_dim3A_9 : vector<16xi32>
        tpu.vector_store_idx %arg8[%parallel_loop3A_118], %broadcast_in_dim3A_7 {add = true} : memref<32768xi32, #tpu.memory_space<vmem>>[vector<16xi32>], vector<16xi32>,
        %parallel_loop3A_119 = arith.shrui %parallel_loop3A_87, %broadcast_in_dim3A_9 : vector<16xi32>
        tpu.vector_store_idx %arg8[%parallel_loop3A_119], %broadcast_in_dim3A_7 {add = true} : memref<32768xi32, #tpu.memory_space<vmem>>[vector<16xi32>], vector<16xi32>,
        %parallel_loop3A_120 = arith.shrui %parallel_loop3A_94, %broadcast_in_dim3A_9 : vector<16xi32>
        tpu.vector_store_idx %arg8[%parallel_loop3A_120], %broadcast_in_dim3A_7 {add = true} : memref<32768xi32, #tpu.memory_space<vmem>>[vector<16xi32>], vector<16xi32>,
        %parallel_loop3A_121 = arith.shrui %parallel_loop3A_101, %broadcast_in_dim3A_9 : vector<16xi32>
        tpu.vector_store_idx %arg8[%parallel_loop3A_121], %broadcast_in_dim3A_7 {add = true} : memref<32768xi32, #tpu.memory_space<vmem>>[vector<16xi32>], vector<16xi32>,
        %parallel_loop3A_122 = arith.shrui %parallel_loop3A_108, %broadcast_in_dim3A_9 : vector<16xi32>
        tpu.vector_store_idx %arg8[%parallel_loop3A_122], %broadcast_in_dim3A_7 {add = true} : memref<32768xi32, #tpu.memory_space<vmem>>[vector<16xi32>], vector<16xi32>,
        %parallel_loop3A_123 = arith.shrui %parallel_loop3A_115, %broadcast_in_dim3A_9 : vector<16xi32>
        tpu.vector_store_idx %arg8[%parallel_loop3A_123], %broadcast_in_dim3A_7 {add = true} : memref<32768xi32, #tpu.memory_space<vmem>>[vector<16xi32>], vector<16xi32>,
      } {sc.loop_unroll_factor = 4 : i64, sc.parallel_access}
      %mul3A_37 = arith.constant 2 : i32
      %mul3A_38 = arith.muli %scan3A_22, %mul3A_37 : i32
      %add3A_39 = arith.constant 1 : i32
      %add3A_40 = arith.addi %mul3A_38, %add3A_39 : i32
      %dma_wait3A_41 = arith.constant 0 : i32
      %dma_wait3A_42 = tpu.memref_slice %arg2[%mul3A_2, %dma_wait3A_41] : memref<8192x2048xf32, #tpu.memory_space<hbm>> -> memref<8x2048xf32, #tpu.memory_space<hbm>>
      %dma_wait3A_43 = arith.constant 0 : i32
      %dma_wait3A_44 = tpu.memref_slice %arg2[%mul3A_2, %dma_wait3A_43] : memref<8192x2048xf32, #tpu.memory_space<hbm>> -> memref<8x2048xf32, #tpu.memory_space<hbm>>
      tpu.wait_dma2 semaphore(%arg10 : memref<!tpu.dma_semaphore, #tpu.memory_space<semaphore_mem>>) src(%dma_wait3A_44 : memref<8x2048xf32, #tpu.memory_space<hbm>>) dst(%arg7 : memref<8x2048xf32, #tpu.memory_space<vmem>>)
      %add3A_45 = arith.constant 1 : i32
      %add3A_46 = arith.addi %add3A_40, %add3A_45 : i32
      %lt3A_47 = arith.constant 32 : i32
      %lt3A_48 = arith.cmpi slt, %add3A_46, %lt3A_47 : i32
      %convert_element_type3A_49 = arith.extui %lt3A_48 : i1 to i32
      %cond3A_50 = arith.constant 0 : i32
      %cond3A_51 = arith.cmpi ne, %convert_element_type3A_49, %cond3A_50 : i32
      scf.if %cond3A_51 {
        %mul3A_55 = arith.constant 8 : i32
        %mul3A_56 = arith.muli %add3A_46, %mul3A_55 : i32
        %add3A_57 = arith.addi %mul3A_2, %mul3A_56 : i32
        %dma_start3A_58 = arith.constant 0 : i32
        %dma_start3A_59 = tpu.memref_slice %arg2[%add3A_57, %dma_start3A_58] : memref<8192x2048xf32, #tpu.memory_space<hbm>> -> memref<8x2048xf32, #tpu.memory_space<hbm>>
        %dma_start3A_60 = arith.constant 0 : i32
        %dma_start3A_61 = tpu.memref_slice %arg2[%add3A_57, %dma_start3A_60] : memref<8192x2048xf32, #tpu.memory_space<hbm>> -> memref<8x2048xf32, #tpu.memory_space<hbm>>
        tpu.enqueue_dma source(%dma_start3A_61 : memref<8x2048xf32, #tpu.memory_space<hbm>>) target(%arg6 : memref<8x2048xf32, #tpu.memory_space<vmem>>) target_semaphore(%arg9 : memref<!tpu.dma_semaphore, #tpu.memory_space<semaphore_mem>>)
      } else {
      }
      %parallel_loop3A_52 = arith.constant 0 : i32
      %parallel_loop3A_53 = arith.constant 128 : i32
      %parallel_loop3A_54 = arith.constant 1 : i32
      scf.for %parallel_loop3A_55 = %parallel_loop3A_52 to %parallel_loop3A_53 step %parallel_loop3A_54  : i32 {
        %parallel_loop3A_56 = arith.constant 16 : i32
        %parallel_loop3A_57 = arith.muli %parallel_loop3A_55, %parallel_loop3A_56 : i32
        %parallel_loop3A_58 = arith.index_cast %parallel_loop3A_57 : i32 to index
        %parallel_loop3A_59 = tpu.vector_load %arg5[%parallel_loop3A_58] {strides = array<i32>} : memref<2048xf32, #tpu.memory_space<vmem>>, vector<16xf32>,
        %parallel_loop3A_60 = arith.constant 0 : i32
        %parallel_loop3A_61 = arith.index_cast %parallel_loop3A_60 : i32 to index
        %parallel_loop3A_62 = arith.index_cast %parallel_loop3A_57 : i32 to index
        %parallel_loop3A_63 = tpu.vector_load %arg7[%parallel_loop3A_61, %parallel_loop3A_62] {strides = array<i32>} : memref<8x2048xf32, #tpu.memory_space<vmem>>, vector<16xf32>,
        %parallel_loop3A_64 = arith.mulf %parallel_loop3A_63, %parallel_loop3A_63 : vector<16xf32>
        %parallel_loop3A_65 = arith.mulf %parallel_loop3A_64, %parallel_loop3A_59 : vector<16xf32>
        %parallel_loop3A_66 = tpu.bitcast %parallel_loop3A_65 : vector<16xf32> -> vector<16xi32>
        %parallel_loop3A_67 = arith.constant 1 : i32
        %parallel_loop3A_68 = arith.index_cast %parallel_loop3A_67 : i32 to index
        %parallel_loop3A_69 = arith.index_cast %parallel_loop3A_57 : i32 to index
        %parallel_loop3A_70 = tpu.vector_load %arg7[%parallel_loop3A_68, %parallel_loop3A_69] {strides = array<i32>} : memref<8x2048xf32, #tpu.memory_space<vmem>>, vector<16xf32>,
        %parallel_loop3A_71 = arith.mulf %parallel_loop3A_70, %parallel_loop3A_70 : vector<16xf32>
        %parallel_loop3A_72 = arith.mulf %parallel_loop3A_71, %parallel_loop3A_59 : vector<16xf32>
        %parallel_loop3A_73 = tpu.bitcast %parallel_loop3A_72 : vector<16xf32> -> vector<16xi32>
        %parallel_loop3A_74 = arith.constant 2 : i32
        %parallel_loop3A_75 = arith.index_cast %parallel_loop3A_74 : i32 to index
        %parallel_loop3A_76 = arith.index_cast %parallel_loop3A_57 : i32 to index
        %parallel_loop3A_77 = tpu.vector_load %arg7[%parallel_loop3A_75, %parallel_loop3A_76] {strides = array<i32>} : memref<8x2048xf32, #tpu.memory_space<vmem>>, vector<16xf32>,
        %parallel_loop3A_78 = arith.mulf %parallel_loop3A_77, %parallel_loop3A_77 : vector<16xf32>
        %parallel_loop3A_79 = arith.mulf %parallel_loop3A_78, %parallel_loop3A_59 : vector<16xf32>
        %parallel_loop3A_80 = tpu.bitcast %parallel_loop3A_79 : vector<16xf32> -> vector<16xi32>
        %parallel_loop3A_81 = arith.constant 3 : i32
        %parallel_loop3A_82 = arith.index_cast %parallel_loop3A_81 : i32 to index
        %parallel_loop3A_83 = arith.index_cast %parallel_loop3A_57 : i32 to index
        %parallel_loop3A_84 = tpu.vector_load %arg7[%parallel_loop3A_82, %parallel_loop3A_83] {strides = array<i32>} : memref<8x2048xf32, #tpu.memory_space<vmem>>, vector<16xf32>,
        %parallel_loop3A_85 = arith.mulf %parallel_loop3A_84, %parallel_loop3A_84 : vector<16xf32>
        %parallel_loop3A_86 = arith.mulf %parallel_loop3A_85, %parallel_loop3A_59 : vector<16xf32>
        %parallel_loop3A_87 = tpu.bitcast %parallel_loop3A_86 : vector<16xf32> -> vector<16xi32>
        %parallel_loop3A_88 = arith.constant 4 : i32
        %parallel_loop3A_89 = arith.index_cast %parallel_loop3A_88 : i32 to index
        %parallel_loop3A_90 = arith.index_cast %parallel_loop3A_57 : i32 to index
        %parallel_loop3A_91 = tpu.vector_load %arg7[%parallel_loop3A_89, %parallel_loop3A_90] {strides = array<i32>} : memref<8x2048xf32, #tpu.memory_space<vmem>>, vector<16xf32>,
        %parallel_loop3A_92 = arith.mulf %parallel_loop3A_91, %parallel_loop3A_91 : vector<16xf32>
        %parallel_loop3A_93 = arith.mulf %parallel_loop3A_92, %parallel_loop3A_59 : vector<16xf32>
        %parallel_loop3A_94 = tpu.bitcast %parallel_loop3A_93 : vector<16xf32> -> vector<16xi32>
        %parallel_loop3A_95 = arith.constant 5 : i32
        %parallel_loop3A_96 = arith.index_cast %parallel_loop3A_95 : i32 to index
        %parallel_loop3A_97 = arith.index_cast %parallel_loop3A_57 : i32 to index
        %parallel_loop3A_98 = tpu.vector_load %arg7[%parallel_loop3A_96, %parallel_loop3A_97] {strides = array<i32>} : memref<8x2048xf32, #tpu.memory_space<vmem>>, vector<16xf32>,
        %parallel_loop3A_99 = arith.mulf %parallel_loop3A_98, %parallel_loop3A_98 : vector<16xf32>
        %parallel_loop3A_100 = arith.mulf %parallel_loop3A_99, %parallel_loop3A_59 : vector<16xf32>
        %parallel_loop3A_101 = tpu.bitcast %parallel_loop3A_100 : vector<16xf32> -> vector<16xi32>
        %parallel_loop3A_102 = arith.constant 6 : i32
        %parallel_loop3A_103 = arith.index_cast %parallel_loop3A_102 : i32 to index
        %parallel_loop3A_104 = arith.index_cast %parallel_loop3A_57 : i32 to index
        %parallel_loop3A_105 = tpu.vector_load %arg7[%parallel_loop3A_103, %parallel_loop3A_104] {strides = array<i32>} : memref<8x2048xf32, #tpu.memory_space<vmem>>, vector<16xf32>,
        %parallel_loop3A_106 = arith.mulf %parallel_loop3A_105, %parallel_loop3A_105 : vector<16xf32>
        %parallel_loop3A_107 = arith.mulf %parallel_loop3A_106, %parallel_loop3A_59 : vector<16xf32>
        %parallel_loop3A_108 = tpu.bitcast %parallel_loop3A_107 : vector<16xf32> -> vector<16xi32>
        %parallel_loop3A_109 = arith.constant 7 : i32
        %parallel_loop3A_110 = arith.index_cast %parallel_loop3A_109 : i32 to index
        %parallel_loop3A_111 = arith.index_cast %parallel_loop3A_57 : i32 to index
        %parallel_loop3A_112 = tpu.vector_load %arg7[%parallel_loop3A_110, %parallel_loop3A_111] {strides = array<i32>} : memref<8x2048xf32, #tpu.memory_space<vmem>>, vector<16xf32>,
        %parallel_loop3A_113 = arith.mulf %parallel_loop3A_112, %parallel_loop3A_112 : vector<16xf32>
        %parallel_loop3A_114 = arith.mulf %parallel_loop3A_113, %parallel_loop3A_59 : vector<16xf32>
        %parallel_loop3A_115 = tpu.bitcast %parallel_loop3A_114 : vector<16xf32> -> vector<16xi32>
        %parallel_loop3A_116 = arith.shrui %parallel_loop3A_66, %broadcast_in_dim3A_9 : vector<16xi32>
        tpu.vector_store_idx %arg8[%parallel_loop3A_116], %broadcast_in_dim3A_7 {add = true} : memref<32768xi32, #tpu.memory_space<vmem>>[vector<16xi32>], vector<16xi32>,
        %parallel_loop3A_117 = arith.shrui %parallel_loop3A_73, %broadcast_in_dim3A_9 : vector<16xi32>
        tpu.vector_store_idx %arg8[%parallel_loop3A_117], %broadcast_in_dim3A_7 {add = true} : memref<32768xi32, #tpu.memory_space<vmem>>[vector<16xi32>], vector<16xi32>,
        %parallel_loop3A_118 = arith.shrui %parallel_loop3A_80, %broadcast_in_dim3A_9 : vector<16xi32>
        tpu.vector_store_idx %arg8[%parallel_loop3A_118], %broadcast_in_dim3A_7 {add = true} : memref<32768xi32, #tpu.memory_space<vmem>>[vector<16xi32>], vector<16xi32>,
        %parallel_loop3A_119 = arith.shrui %parallel_loop3A_87, %broadcast_in_dim3A_9 : vector<16xi32>
        tpu.vector_store_idx %arg8[%parallel_loop3A_119], %broadcast_in_dim3A_7 {add = true} : memref<32768xi32, #tpu.memory_space<vmem>>[vector<16xi32>], vector<16xi32>,
        %parallel_loop3A_120 = arith.shrui %parallel_loop3A_94, %broadcast_in_dim3A_9 : vector<16xi32>
        tpu.vector_store_idx %arg8[%parallel_loop3A_120], %broadcast_in_dim3A_7 {add = true} : memref<32768xi32, #tpu.memory_space<vmem>>[vector<16xi32>], vector<16xi32>,
        %parallel_loop3A_121 = arith.shrui %parallel_loop3A_101, %broadcast_in_dim3A_9 : vector<16xi32>
        tpu.vector_store_idx %arg8[%parallel_loop3A_121], %broadcast_in_dim3A_7 {add = true} : memref<32768xi32, #tpu.memory_space<vmem>>[vector<16xi32>], vector<16xi32>,
        %parallel_loop3A_122 = arith.shrui %parallel_loop3A_108, %broadcast_in_dim3A_9 : vector<16xi32>
        tpu.vector_store_idx %arg8[%parallel_loop3A_122], %broadcast_in_dim3A_7 {add = true} : memref<32768xi32, #tpu.memory_space<vmem>>[vector<16xi32>], vector<16xi32>,
        %parallel_loop3A_123 = arith.shrui %parallel_loop3A_115, %broadcast_in_dim3A_9 : vector<16xi32>
        tpu.vector_store_idx %arg8[%parallel_loop3A_123], %broadcast_in_dim3A_7 {add = true} : memref<32768xi32, #tpu.memory_space<vmem>>[vector<16xi32>], vector<16xi32>,
      } {sc.loop_unroll_factor = 4 : i64, sc.parallel_access}
    }
    %scan3A_21 = arith.constant 16 : i32
    "tpu.region"() ({
      %run_scoped3A = tpu.sem_alloc : memref<!tpu.dma_semaphore, #tpu.memory_space<semaphore_mem>>
      %dma_start3A_22 = arith.constant 0 : i32
      %dma_start3A_23 = tpu.memref_slice %arg4[%add3A, %dma_start3A_22] : memref<32x32768xi32, #tpu.memory_space<hbm>> -> memref<1x32768xi32, #tpu.memory_space<hbm>>
      %dma_start3A_24 = tpu.memref_squeeze %dma_start3A_23 : memref<1x32768xi32, #tpu.memory_space<hbm>> -> memref<32768xi32, #tpu.memory_space<hbm>>
      %dma_start3A_25 = arith.constant 0 : i32
      %dma_start3A_26 = tpu.memref_slice %arg4[%add3A, %dma_start3A_25] : memref<32x32768xi32, #tpu.memory_space<hbm>> -> memref<1x32768xi32, #tpu.memory_space<hbm>>
      %dma_start3A_27 = tpu.memref_squeeze %dma_start3A_26 : memref<1x32768xi32, #tpu.memory_space<hbm>> -> memref<32768xi32, #tpu.memory_space<hbm>>
      tpu.enqueue_dma source(%arg8 : memref<32768xi32, #tpu.memory_space<vmem>>) target(%dma_start3A_27 : memref<32768xi32, #tpu.memory_space<hbm>>) target_semaphore(%run_scoped3A : memref<!tpu.dma_semaphore, #tpu.memory_space<semaphore_mem>>)
      %dma_wait3A = arith.constant 0 : i32
      %dma_wait3A_28 = tpu.memref_slice %arg4[%add3A, %dma_wait3A] : memref<32x32768xi32, #tpu.memory_space<hbm>> -> memref<1x32768xi32, #tpu.memory_space<hbm>>
      %dma_wait3A_29 = tpu.memref_squeeze %dma_wait3A_28 : memref<1x32768xi32, #tpu.memory_space<hbm>> -> memref<32768xi32, #tpu.memory_space<hbm>>
      %dma_wait3A_30 = arith.constant 0 : i32
      %dma_wait3A_31 = tpu.memref_slice %arg4[%add3A, %dma_wait3A_30] : memref<32x32768xi32, #tpu.memory_space<hbm>> -> memref<1x32768xi32, #tpu.memory_space<hbm>>
      %dma_wait3A_32 = tpu.memref_squeeze %dma_wait3A_31 : memref<1x32768xi32, #tpu.memory_space<hbm>> -> memref<32768xi32, #tpu.memory_space<hbm>>
      tpu.wait_dma2 semaphore(%run_scoped3A : memref<!tpu.dma_semaphore, #tpu.memory_space<semaphore_mem>>) src(%arg8 : memref<32768xi32, #tpu.memory_space<vmem>>) dst(%dma_wait3A_32 : memref<32768xi32, #tpu.memory_space<hbm>>)
      tpu.yield
    }) : () -> ()
    return
  }
}

#map = affine_map<(d0, d1) -> (0, 0)>
#map1 = affine_map<(d0, d1) -> (0)>
module attributes {stable_mosaic.version = 14 : i64} {
  func.func @body(%arg0: i32, %arg1: i32, %arg2: memref<8192x2048xf32, #tpu.memory_space<hbm>>, %arg3: memref<2048xf32, #tpu.memory_space<hbm>>, %arg4: memref<16xi32, #tpu.memory_space<hbm>>, %arg5: memref<32x65536xi32, #tpu.memory_space<hbm>>, %arg6: memref<2048xf32, #tpu.memory_space<vmem>>, %arg7: memref<8x2048xf32, #tpu.memory_space<vmem>>, %arg8: memref<8x2048xf32, #tpu.memory_space<vmem>>, %arg9: memref<65536xi32, #tpu.memory_space<vmem>>, %arg10: memref<16xi32, #tpu.memory_space<vmem>>, %arg11: memref<!tpu.dma_semaphore, #tpu.memory_space<semaphore_mem>>, %arg12: memref<!tpu.dma_semaphore, #tpu.memory_space<semaphore_mem>>) attributes {dimension_semantics = [#tpu.dimension_semantics<core_parallel>, #tpu.dimension_semantics<subcore_parallel>], iteration_bounds = array<i64: 2, 16>, scalar_prefetch = 0 : i64, scratch_operands = 7 : i64, tpu.core_type = #tpu.core_type<sc_vector_subcore>, window_params = [{transform_indices = #map}, {transform_indices = #map1}, {transform_indices = #map1}, {transform_indices = #map}]} {
    %mul3A = arith.constant 2 : i32
    %mul3A_0 = arith.muli %arg1, %mul3A : i32
    %add3A = arith.addi %mul3A_0, %arg0 : i32
    %mul3A_1 = arith.constant 256 : i32
    %mul3A_2 = arith.muli %add3A, %mul3A_1 : i32
    %broadcast_in_dim3A = arith.constant 0 : i32
    %broadcast_in_dim3A_3 = vector.broadcast %broadcast_in_dim3A : i32 to vector<16xi32>
    %parallel_loop3A = arith.constant 0 : i32
    %parallel_loop3A_4 = arith.constant 4096 : i32
    %parallel_loop3A_5 = arith.constant 1 : i32
    scf.for %parallel_loop3A_23 = %parallel_loop3A to %parallel_loop3A_4 step %parallel_loop3A_5  : i32 {
      %parallel_loop3A_24 = arith.constant 16 : i32
      %parallel_loop3A_25 = arith.muli %parallel_loop3A_23, %parallel_loop3A_24 : i32
      %parallel_loop3A_26 = arith.index_cast %parallel_loop3A_25 : i32 to index
      %parallel_loop3A_27 = tpu.vector_load %arg9[%parallel_loop3A_26] {strides = array<i32>} : memref<65536xi32, #tpu.memory_space<vmem>>, vector<16xi32>,
      tpu.vector_store %arg9[%parallel_loop3A_26], %broadcast_in_dim3A_3 {strides = array<i32>} : memref<65536xi32, #tpu.memory_space<vmem>>, vector<16xi32>,
    } {sc.loop_unroll_factor = 8 : i64, sc.parallel_access}
    "tpu.region"() ({
      %run_scoped3A = tpu.sem_alloc : memref<!tpu.dma_semaphore, #tpu.memory_space<semaphore_mem>>
      tpu.enqueue_dma source(%arg3 : memref<2048xf32, #tpu.memory_space<hbm>>) target(%arg6 : memref<2048xf32, #tpu.memory_space<vmem>>) target_semaphore(%run_scoped3A : memref<!tpu.dma_semaphore, #tpu.memory_space<semaphore_mem>>)
      tpu.wait_dma2 semaphore(%run_scoped3A : memref<!tpu.dma_semaphore, #tpu.memory_space<semaphore_mem>>) src(%arg3 : memref<2048xf32, #tpu.memory_space<hbm>>) dst(%arg6 : memref<2048xf32, #tpu.memory_space<vmem>>)
      tpu.yield
    }) : () -> ()
    "tpu.region"() ({
      %run_scoped3A = tpu.sem_alloc : memref<!tpu.dma_semaphore, #tpu.memory_space<semaphore_mem>>
      tpu.enqueue_dma source(%arg4 : memref<16xi32, #tpu.memory_space<hbm>>) target(%arg10 : memref<16xi32, #tpu.memory_space<vmem>>) target_semaphore(%run_scoped3A : memref<!tpu.dma_semaphore, #tpu.memory_space<semaphore_mem>>)
      tpu.wait_dma2 semaphore(%run_scoped3A : memref<!tpu.dma_semaphore, #tpu.memory_space<semaphore_mem>>) src(%arg4 : memref<16xi32, #tpu.memory_space<hbm>>) dst(%arg10 : memref<16xi32, #tpu.memory_space<vmem>>)
      tpu.yield
    }) : () -> ()
    %get3A = arith.constant 0 : index
    %get3A_6 = tpu.vector_load %arg10[%get3A] {strides = array<i32>} : memref<16xi32, #tpu.memory_space<vmem>>, vector<16xi32>,
    %broadcast_in_dim3A_7 = arith.constant 1 : i32
    %broadcast_in_dim3A_8 = vector.broadcast %broadcast_in_dim3A_7 : i32 to vector<16xi32>
    %broadcast_in_dim3A_9 = arith.constant 16 : i32
    %broadcast_in_dim3A_10 = vector.broadcast %broadcast_in_dim3A_9 : i32 to vector<16xi32>
    %broadcast_in_dim3A_11 = arith.constant 65535 : i32
    %broadcast_in_dim3A_12 = vector.broadcast %broadcast_in_dim3A_11 : i32 to vector<16xi32>
    %add3A_13 = arith.constant 0 : i32
    %add3A_14 = arith.addi %mul3A_2, %add3A_13 : i32
    %dma_start3A = arith.constant 0 : i32
    %dma_start3A_15 = tpu.memref_slice %arg2[%add3A_14, %dma_start3A] : memref<8192x2048xf32, #tpu.memory_space<hbm>> -> memref<8x2048xf32, #tpu.memory_space<hbm>>
    %dma_start3A_16 = arith.constant 0 : i32
    %dma_start3A_17 = tpu.memref_slice %arg2[%add3A_14, %dma_start3A_16] : memref<8192x2048xf32, #tpu.memory_space<hbm>> -> memref<8x2048xf32, #tpu.memory_space<hbm>>
    tpu.enqueue_dma source(%dma_start3A_17 : memref<8x2048xf32, #tpu.memory_space<hbm>>) target(%arg7 : memref<8x2048xf32, #tpu.memory_space<vmem>>) target_semaphore(%arg11 : memref<!tpu.dma_semaphore, #tpu.memory_space<semaphore_mem>>)
    %scan3A = arith.constant 0 : i32
    %scan3A_18 = arith.constant 0 : i32
    %scan3A_19 = arith.constant 16 : i32
    %scan3A_20 = arith.addi %scan3A_18, %scan3A_19 : i32
    %scan3A_21 = arith.constant 1 : i32
    scf.for %scan3A_23 = %scan3A_18 to %scan3A_20 step %scan3A_21  : i32 {
      %mul3A_24 = arith.constant 2 : i32
      %mul3A_25 = arith.muli %scan3A_23, %mul3A_24 : i32
      %add3A_26 = arith.constant 0 : i32
      %add3A_27 = arith.addi %mul3A_25, %add3A_26 : i32
      %dma_wait3A = arith.constant 0 : i32
      %dma_wait3A_28 = tpu.memref_slice %arg2[%mul3A_2, %dma_wait3A] : memref<8192x2048xf32, #tpu.memory_space<hbm>> -> memref<8x2048xf32, #tpu.memory_space<hbm>>
      %dma_wait3A_29 = arith.constant 0 : i32
      %dma_wait3A_30 = tpu.memref_slice %arg2[%mul3A_2, %dma_wait3A_29] : memref<8192x2048xf32, #tpu.memory_space<hbm>> -> memref<8x2048xf32, #tpu.memory_space<hbm>>
      tpu.wait_dma2 semaphore(%arg11 : memref<!tpu.dma_semaphore, #tpu.memory_space<semaphore_mem>>) src(%dma_wait3A_30 : memref<8x2048xf32, #tpu.memory_space<hbm>>) dst(%arg7 : memref<8x2048xf32, #tpu.memory_space<vmem>>)
      %add3A_31 = arith.constant 1 : i32
      %add3A_32 = arith.addi %add3A_27, %add3A_31 : i32
      %lt3A = arith.constant 32 : i32
      %lt3A_33 = arith.cmpi slt, %add3A_32, %lt3A : i32
      %convert_element_type3A = arith.extui %lt3A_33 : i1 to i32
      %cond3A = arith.constant 0 : i32
      %cond3A_34 = arith.cmpi ne, %convert_element_type3A, %cond3A : i32
      scf.if %cond3A_34 {
        %mul3A_56 = arith.constant 8 : i32
        %mul3A_57 = arith.muli %add3A_32, %mul3A_56 : i32
        %add3A_58 = arith.addi %mul3A_2, %mul3A_57 : i32
        %dma_start3A_59 = arith.constant 0 : i32
        %dma_start3A_60 = tpu.memref_slice %arg2[%add3A_58, %dma_start3A_59] : memref<8192x2048xf32, #tpu.memory_space<hbm>> -> memref<8x2048xf32, #tpu.memory_space<hbm>>
        %dma_start3A_61 = arith.constant 0 : i32
        %dma_start3A_62 = tpu.memref_slice %arg2[%add3A_58, %dma_start3A_61] : memref<8192x2048xf32, #tpu.memory_space<hbm>> -> memref<8x2048xf32, #tpu.memory_space<hbm>>
        tpu.enqueue_dma source(%dma_start3A_62 : memref<8x2048xf32, #tpu.memory_space<hbm>>) target(%arg8 : memref<8x2048xf32, #tpu.memory_space<vmem>>) target_semaphore(%arg12 : memref<!tpu.dma_semaphore, #tpu.memory_space<semaphore_mem>>)
      } else {
      }
      %parallel_loop3A_35 = arith.constant 0 : i32
      %parallel_loop3A_36 = arith.constant 128 : i32
      %parallel_loop3A_37 = arith.constant 1 : i32
      scf.for %parallel_loop3A_56 = %parallel_loop3A_35 to %parallel_loop3A_36 step %parallel_loop3A_37  : i32 {
        %parallel_loop3A_57 = arith.constant 16 : i32
        %parallel_loop3A_58 = arith.muli %parallel_loop3A_56, %parallel_loop3A_57 : i32
        %parallel_loop3A_59 = arith.index_cast %parallel_loop3A_58 : i32 to index
        %parallel_loop3A_60 = tpu.vector_load %arg6[%parallel_loop3A_59] {strides = array<i32>} : memref<2048xf32, #tpu.memory_space<vmem>>, vector<16xf32>,
        %parallel_loop3A_61 = arith.constant 0 : i32
        %parallel_loop3A_62 = arith.index_cast %parallel_loop3A_61 : i32 to index
        %parallel_loop3A_63 = arith.index_cast %parallel_loop3A_58 : i32 to index
        %parallel_loop3A_64 = tpu.vector_load %arg7[%parallel_loop3A_62, %parallel_loop3A_63] {strides = array<i32>} : memref<8x2048xf32, #tpu.memory_space<vmem>>, vector<16xf32>,
        %parallel_loop3A_65 = arith.mulf %parallel_loop3A_64, %parallel_loop3A_64 : vector<16xf32>
        %parallel_loop3A_66 = arith.mulf %parallel_loop3A_65, %parallel_loop3A_60 : vector<16xf32>
        %parallel_loop3A_67 = tpu.bitcast %parallel_loop3A_66 : vector<16xf32> -> vector<16xi32>
        %parallel_loop3A_68 = arith.constant 1 : i32
        %parallel_loop3A_69 = arith.index_cast %parallel_loop3A_68 : i32 to index
        %parallel_loop3A_70 = arith.index_cast %parallel_loop3A_58 : i32 to index
        %parallel_loop3A_71 = tpu.vector_load %arg7[%parallel_loop3A_69, %parallel_loop3A_70] {strides = array<i32>} : memref<8x2048xf32, #tpu.memory_space<vmem>>, vector<16xf32>,
        %parallel_loop3A_72 = arith.mulf %parallel_loop3A_71, %parallel_loop3A_71 : vector<16xf32>
        %parallel_loop3A_73 = arith.mulf %parallel_loop3A_72, %parallel_loop3A_60 : vector<16xf32>
        %parallel_loop3A_74 = tpu.bitcast %parallel_loop3A_73 : vector<16xf32> -> vector<16xi32>
        %parallel_loop3A_75 = arith.constant 2 : i32
        %parallel_loop3A_76 = arith.index_cast %parallel_loop3A_75 : i32 to index
        %parallel_loop3A_77 = arith.index_cast %parallel_loop3A_58 : i32 to index
        %parallel_loop3A_78 = tpu.vector_load %arg7[%parallel_loop3A_76, %parallel_loop3A_77] {strides = array<i32>} : memref<8x2048xf32, #tpu.memory_space<vmem>>, vector<16xf32>,
        %parallel_loop3A_79 = arith.mulf %parallel_loop3A_78, %parallel_loop3A_78 : vector<16xf32>
        %parallel_loop3A_80 = arith.mulf %parallel_loop3A_79, %parallel_loop3A_60 : vector<16xf32>
        %parallel_loop3A_81 = tpu.bitcast %parallel_loop3A_80 : vector<16xf32> -> vector<16xi32>
        %parallel_loop3A_82 = arith.constant 3 : i32
        %parallel_loop3A_83 = arith.index_cast %parallel_loop3A_82 : i32 to index
        %parallel_loop3A_84 = arith.index_cast %parallel_loop3A_58 : i32 to index
        %parallel_loop3A_85 = tpu.vector_load %arg7[%parallel_loop3A_83, %parallel_loop3A_84] {strides = array<i32>} : memref<8x2048xf32, #tpu.memory_space<vmem>>, vector<16xf32>,
        %parallel_loop3A_86 = arith.mulf %parallel_loop3A_85, %parallel_loop3A_85 : vector<16xf32>
        %parallel_loop3A_87 = arith.mulf %parallel_loop3A_86, %parallel_loop3A_60 : vector<16xf32>
        %parallel_loop3A_88 = tpu.bitcast %parallel_loop3A_87 : vector<16xf32> -> vector<16xi32>
        %parallel_loop3A_89 = arith.constant 4 : i32
        %parallel_loop3A_90 = arith.index_cast %parallel_loop3A_89 : i32 to index
        %parallel_loop3A_91 = arith.index_cast %parallel_loop3A_58 : i32 to index
        %parallel_loop3A_92 = tpu.vector_load %arg7[%parallel_loop3A_90, %parallel_loop3A_91] {strides = array<i32>} : memref<8x2048xf32, #tpu.memory_space<vmem>>, vector<16xf32>,
        %parallel_loop3A_93 = arith.mulf %parallel_loop3A_92, %parallel_loop3A_92 : vector<16xf32>
        %parallel_loop3A_94 = arith.mulf %parallel_loop3A_93, %parallel_loop3A_60 : vector<16xf32>
        %parallel_loop3A_95 = tpu.bitcast %parallel_loop3A_94 : vector<16xf32> -> vector<16xi32>
        %parallel_loop3A_96 = arith.constant 5 : i32
        %parallel_loop3A_97 = arith.index_cast %parallel_loop3A_96 : i32 to index
        %parallel_loop3A_98 = arith.index_cast %parallel_loop3A_58 : i32 to index
        %parallel_loop3A_99 = tpu.vector_load %arg7[%parallel_loop3A_97, %parallel_loop3A_98] {strides = array<i32>} : memref<8x2048xf32, #tpu.memory_space<vmem>>, vector<16xf32>,
        %parallel_loop3A_100 = arith.mulf %parallel_loop3A_99, %parallel_loop3A_99 : vector<16xf32>
        %parallel_loop3A_101 = arith.mulf %parallel_loop3A_100, %parallel_loop3A_60 : vector<16xf32>
        %parallel_loop3A_102 = tpu.bitcast %parallel_loop3A_101 : vector<16xf32> -> vector<16xi32>
        %parallel_loop3A_103 = arith.constant 6 : i32
        %parallel_loop3A_104 = arith.index_cast %parallel_loop3A_103 : i32 to index
        %parallel_loop3A_105 = arith.index_cast %parallel_loop3A_58 : i32 to index
        %parallel_loop3A_106 = tpu.vector_load %arg7[%parallel_loop3A_104, %parallel_loop3A_105] {strides = array<i32>} : memref<8x2048xf32, #tpu.memory_space<vmem>>, vector<16xf32>,
        %parallel_loop3A_107 = arith.mulf %parallel_loop3A_106, %parallel_loop3A_106 : vector<16xf32>
        %parallel_loop3A_108 = arith.mulf %parallel_loop3A_107, %parallel_loop3A_60 : vector<16xf32>
        %parallel_loop3A_109 = tpu.bitcast %parallel_loop3A_108 : vector<16xf32> -> vector<16xi32>
        %parallel_loop3A_110 = arith.constant 7 : i32
        %parallel_loop3A_111 = arith.index_cast %parallel_loop3A_110 : i32 to index
        %parallel_loop3A_112 = arith.index_cast %parallel_loop3A_58 : i32 to index
        %parallel_loop3A_113 = tpu.vector_load %arg7[%parallel_loop3A_111, %parallel_loop3A_112] {strides = array<i32>} : memref<8x2048xf32, #tpu.memory_space<vmem>>, vector<16xf32>,
        %parallel_loop3A_114 = arith.mulf %parallel_loop3A_113, %parallel_loop3A_113 : vector<16xf32>
        %parallel_loop3A_115 = arith.mulf %parallel_loop3A_114, %parallel_loop3A_60 : vector<16xf32>
        %parallel_loop3A_116 = tpu.bitcast %parallel_loop3A_115 : vector<16xf32> -> vector<16xi32>
        %parallel_loop3A_117 = arith.shrui %parallel_loop3A_67, %broadcast_in_dim3A_10 : vector<16xi32>
        %parallel_loop3A_118 = arith.andi %parallel_loop3A_67, %broadcast_in_dim3A_12 : vector<16xi32>
        %parallel_loop3A_119 = arith.cmpi eq, %parallel_loop3A_117, %get3A_6 : vector<16xi32>
        tpu.vector_store_idx %arg9[%parallel_loop3A_118], %broadcast_in_dim3A_8 masked %parallel_loop3A_119 {add = true} : memref<65536xi32, #tpu.memory_space<vmem>>[vector<16xi32>], vector<16xi32>, vector<16xi1>
        %parallel_loop3A_120 = arith.shrui %parallel_loop3A_74, %broadcast_in_dim3A_10 : vector<16xi32>
        %parallel_loop3A_121 = arith.andi %parallel_loop3A_74, %broadcast_in_dim3A_12 : vector<16xi32>
        %parallel_loop3A_122 = arith.cmpi eq, %parallel_loop3A_120, %get3A_6 : vector<16xi32>
        tpu.vector_store_idx %arg9[%parallel_loop3A_121], %broadcast_in_dim3A_8 masked %parallel_loop3A_122 {add = true} : memref<65536xi32, #tpu.memory_space<vmem>>[vector<16xi32>], vector<16xi32>, vector<16xi1>
        %parallel_loop3A_123 = arith.shrui %parallel_loop3A_81, %broadcast_in_dim3A_10 : vector<16xi32>
        %parallel_loop3A_124 = arith.andi %parallel_loop3A_81, %broadcast_in_dim3A_12 : vector<16xi32>
        %parallel_loop3A_125 = arith.cmpi eq, %parallel_loop3A_123, %get3A_6 : vector<16xi32>
        tpu.vector_store_idx %arg9[%parallel_loop3A_124], %broadcast_in_dim3A_8 masked %parallel_loop3A_125 {add = true} : memref<65536xi32, #tpu.memory_space<vmem>>[vector<16xi32>], vector<16xi32>, vector<16xi1>
        %parallel_loop3A_126 = arith.shrui %parallel_loop3A_88, %broadcast_in_dim3A_10 : vector<16xi32>
        %parallel_loop3A_127 = arith.andi %parallel_loop3A_88, %broadcast_in_dim3A_12 : vector<16xi32>
        %parallel_loop3A_128 = arith.cmpi eq, %parallel_loop3A_126, %get3A_6 : vector<16xi32>
        tpu.vector_store_idx %arg9[%parallel_loop3A_127], %broadcast_in_dim3A_8 masked %parallel_loop3A_128 {add = true} : memref<65536xi32, #tpu.memory_space<vmem>>[vector<16xi32>], vector<16xi32>, vector<16xi1>
        %parallel_loop3A_129 = arith.shrui %parallel_loop3A_95, %broadcast_in_dim3A_10 : vector<16xi32>
        %parallel_loop3A_130 = arith.andi %parallel_loop3A_95, %broadcast_in_dim3A_12 : vector<16xi32>
        %parallel_loop3A_131 = arith.cmpi eq, %parallel_loop3A_129, %get3A_6 : vector<16xi32>
        tpu.vector_store_idx %arg9[%parallel_loop3A_130], %broadcast_in_dim3A_8 masked %parallel_loop3A_131 {add = true} : memref<65536xi32, #tpu.memory_space<vmem>>[vector<16xi32>], vector<16xi32>, vector<16xi1>
        %parallel_loop3A_132 = arith.shrui %parallel_loop3A_102, %broadcast_in_dim3A_10 : vector<16xi32>
        %parallel_loop3A_133 = arith.andi %parallel_loop3A_102, %broadcast_in_dim3A_12 : vector<16xi32>
        %parallel_loop3A_134 = arith.cmpi eq, %parallel_loop3A_132, %get3A_6 : vector<16xi32>
        tpu.vector_store_idx %arg9[%parallel_loop3A_133], %broadcast_in_dim3A_8 masked %parallel_loop3A_134 {add = true} : memref<65536xi32, #tpu.memory_space<vmem>>[vector<16xi32>], vector<16xi32>, vector<16xi1>
        %parallel_loop3A_135 = arith.shrui %parallel_loop3A_109, %broadcast_in_dim3A_10 : vector<16xi32>
        %parallel_loop3A_136 = arith.andi %parallel_loop3A_109, %broadcast_in_dim3A_12 : vector<16xi32>
        %parallel_loop3A_137 = arith.cmpi eq, %parallel_loop3A_135, %get3A_6 : vector<16xi32>
        tpu.vector_store_idx %arg9[%parallel_loop3A_136], %broadcast_in_dim3A_8 masked %parallel_loop3A_137 {add = true} : memref<65536xi32, #tpu.memory_space<vmem>>[vector<16xi32>], vector<16xi32>, vector<16xi1>
        %parallel_loop3A_138 = arith.shrui %parallel_loop3A_116, %broadcast_in_dim3A_10 : vector<16xi32>
        %parallel_loop3A_139 = arith.andi %parallel_loop3A_116, %broadcast_in_dim3A_12 : vector<16xi32>
        %parallel_loop3A_140 = arith.cmpi eq, %parallel_loop3A_138, %get3A_6 : vector<16xi32>
        tpu.vector_store_idx %arg9[%parallel_loop3A_139], %broadcast_in_dim3A_8 masked %parallel_loop3A_140 {add = true} : memref<65536xi32, #tpu.memory_space<vmem>>[vector<16xi32>], vector<16xi32>, vector<16xi1>
      } {sc.loop_unroll_factor = 4 : i64, sc.parallel_access}
      %mul3A_38 = arith.constant 2 : i32
      %mul3A_39 = arith.muli %scan3A_23, %mul3A_38 : i32
      %add3A_40 = arith.constant 1 : i32
      %add3A_41 = arith.addi %mul3A_39, %add3A_40 : i32
      %dma_wait3A_42 = arith.constant 0 : i32
      %dma_wait3A_43 = tpu.memref_slice %arg2[%mul3A_2, %dma_wait3A_42] : memref<8192x2048xf32, #tpu.memory_space<hbm>> -> memref<8x2048xf32, #tpu.memory_space<hbm>>
      %dma_wait3A_44 = arith.constant 0 : i32
      %dma_wait3A_45 = tpu.memref_slice %arg2[%mul3A_2, %dma_wait3A_44] : memref<8192x2048xf32, #tpu.memory_space<hbm>> -> memref<8x2048xf32, #tpu.memory_space<hbm>>
      tpu.wait_dma2 semaphore(%arg12 : memref<!tpu.dma_semaphore, #tpu.memory_space<semaphore_mem>>) src(%dma_wait3A_45 : memref<8x2048xf32, #tpu.memory_space<hbm>>) dst(%arg8 : memref<8x2048xf32, #tpu.memory_space<vmem>>)
      %add3A_46 = arith.constant 1 : i32
      %add3A_47 = arith.addi %add3A_41, %add3A_46 : i32
      %lt3A_48 = arith.constant 32 : i32
      %lt3A_49 = arith.cmpi slt, %add3A_47, %lt3A_48 : i32
      %convert_element_type3A_50 = arith.extui %lt3A_49 : i1 to i32
      %cond3A_51 = arith.constant 0 : i32
      %cond3A_52 = arith.cmpi ne, %convert_element_type3A_50, %cond3A_51 : i32
      scf.if %cond3A_52 {
        %mul3A_56 = arith.constant 8 : i32
        %mul3A_57 = arith.muli %add3A_47, %mul3A_56 : i32
        %add3A_58 = arith.addi %mul3A_2, %mul3A_57 : i32
        %dma_start3A_59 = arith.constant 0 : i32
        %dma_start3A_60 = tpu.memref_slice %arg2[%add3A_58, %dma_start3A_59] : memref<8192x2048xf32, #tpu.memory_space<hbm>> -> memref<8x2048xf32, #tpu.memory_space<hbm>>
        %dma_start3A_61 = arith.constant 0 : i32
        %dma_start3A_62 = tpu.memref_slice %arg2[%add3A_58, %dma_start3A_61] : memref<8192x2048xf32, #tpu.memory_space<hbm>> -> memref<8x2048xf32, #tpu.memory_space<hbm>>
        tpu.enqueue_dma source(%dma_start3A_62 : memref<8x2048xf32, #tpu.memory_space<hbm>>) target(%arg7 : memref<8x2048xf32, #tpu.memory_space<vmem>>) target_semaphore(%arg11 : memref<!tpu.dma_semaphore, #tpu.memory_space<semaphore_mem>>)
      } else {
      }
      %parallel_loop3A_53 = arith.constant 0 : i32
      %parallel_loop3A_54 = arith.constant 128 : i32
      %parallel_loop3A_55 = arith.constant 1 : i32
      scf.for %parallel_loop3A_56 = %parallel_loop3A_53 to %parallel_loop3A_54 step %parallel_loop3A_55  : i32 {
        %parallel_loop3A_57 = arith.constant 16 : i32
        %parallel_loop3A_58 = arith.muli %parallel_loop3A_56, %parallel_loop3A_57 : i32
        %parallel_loop3A_59 = arith.index_cast %parallel_loop3A_58 : i32 to index
        %parallel_loop3A_60 = tpu.vector_load %arg6[%parallel_loop3A_59] {strides = array<i32>} : memref<2048xf32, #tpu.memory_space<vmem>>, vector<16xf32>,
        %parallel_loop3A_61 = arith.constant 0 : i32
        %parallel_loop3A_62 = arith.index_cast %parallel_loop3A_61 : i32 to index
        %parallel_loop3A_63 = arith.index_cast %parallel_loop3A_58 : i32 to index
        %parallel_loop3A_64 = tpu.vector_load %arg8[%parallel_loop3A_62, %parallel_loop3A_63] {strides = array<i32>} : memref<8x2048xf32, #tpu.memory_space<vmem>>, vector<16xf32>,
        %parallel_loop3A_65 = arith.mulf %parallel_loop3A_64, %parallel_loop3A_64 : vector<16xf32>
        %parallel_loop3A_66 = arith.mulf %parallel_loop3A_65, %parallel_loop3A_60 : vector<16xf32>
        %parallel_loop3A_67 = tpu.bitcast %parallel_loop3A_66 : vector<16xf32> -> vector<16xi32>
        %parallel_loop3A_68 = arith.constant 1 : i32
        %parallel_loop3A_69 = arith.index_cast %parallel_loop3A_68 : i32 to index
        %parallel_loop3A_70 = arith.index_cast %parallel_loop3A_58 : i32 to index
        %parallel_loop3A_71 = tpu.vector_load %arg8[%parallel_loop3A_69, %parallel_loop3A_70] {strides = array<i32>} : memref<8x2048xf32, #tpu.memory_space<vmem>>, vector<16xf32>,
        %parallel_loop3A_72 = arith.mulf %parallel_loop3A_71, %parallel_loop3A_71 : vector<16xf32>
        %parallel_loop3A_73 = arith.mulf %parallel_loop3A_72, %parallel_loop3A_60 : vector<16xf32>
        %parallel_loop3A_74 = tpu.bitcast %parallel_loop3A_73 : vector<16xf32> -> vector<16xi32>
        %parallel_loop3A_75 = arith.constant 2 : i32
        %parallel_loop3A_76 = arith.index_cast %parallel_loop3A_75 : i32 to index
        %parallel_loop3A_77 = arith.index_cast %parallel_loop3A_58 : i32 to index
        %parallel_loop3A_78 = tpu.vector_load %arg8[%parallel_loop3A_76, %parallel_loop3A_77] {strides = array<i32>} : memref<8x2048xf32, #tpu.memory_space<vmem>>, vector<16xf32>,
        %parallel_loop3A_79 = arith.mulf %parallel_loop3A_78, %parallel_loop3A_78 : vector<16xf32>
        %parallel_loop3A_80 = arith.mulf %parallel_loop3A_79, %parallel_loop3A_60 : vector<16xf32>
        %parallel_loop3A_81 = tpu.bitcast %parallel_loop3A_80 : vector<16xf32> -> vector<16xi32>
        %parallel_loop3A_82 = arith.constant 3 : i32
        %parallel_loop3A_83 = arith.index_cast %parallel_loop3A_82 : i32 to index
        %parallel_loop3A_84 = arith.index_cast %parallel_loop3A_58 : i32 to index
        %parallel_loop3A_85 = tpu.vector_load %arg8[%parallel_loop3A_83, %parallel_loop3A_84] {strides = array<i32>} : memref<8x2048xf32, #tpu.memory_space<vmem>>, vector<16xf32>,
        %parallel_loop3A_86 = arith.mulf %parallel_loop3A_85, %parallel_loop3A_85 : vector<16xf32>
        %parallel_loop3A_87 = arith.mulf %parallel_loop3A_86, %parallel_loop3A_60 : vector<16xf32>
        %parallel_loop3A_88 = tpu.bitcast %parallel_loop3A_87 : vector<16xf32> -> vector<16xi32>
        %parallel_loop3A_89 = arith.constant 4 : i32
        %parallel_loop3A_90 = arith.index_cast %parallel_loop3A_89 : i32 to index
        %parallel_loop3A_91 = arith.index_cast %parallel_loop3A_58 : i32 to index
        %parallel_loop3A_92 = tpu.vector_load %arg8[%parallel_loop3A_90, %parallel_loop3A_91] {strides = array<i32>} : memref<8x2048xf32, #tpu.memory_space<vmem>>, vector<16xf32>,
        %parallel_loop3A_93 = arith.mulf %parallel_loop3A_92, %parallel_loop3A_92 : vector<16xf32>
        %parallel_loop3A_94 = arith.mulf %parallel_loop3A_93, %parallel_loop3A_60 : vector<16xf32>
        %parallel_loop3A_95 = tpu.bitcast %parallel_loop3A_94 : vector<16xf32> -> vector<16xi32>
        %parallel_loop3A_96 = arith.constant 5 : i32
        %parallel_loop3A_97 = arith.index_cast %parallel_loop3A_96 : i32 to index
        %parallel_loop3A_98 = arith.index_cast %parallel_loop3A_58 : i32 to index
        %parallel_loop3A_99 = tpu.vector_load %arg8[%parallel_loop3A_97, %parallel_loop3A_98] {strides = array<i32>} : memref<8x2048xf32, #tpu.memory_space<vmem>>, vector<16xf32>,
        %parallel_loop3A_100 = arith.mulf %parallel_loop3A_99, %parallel_loop3A_99 : vector<16xf32>
        %parallel_loop3A_101 = arith.mulf %parallel_loop3A_100, %parallel_loop3A_60 : vector<16xf32>
        %parallel_loop3A_102 = tpu.bitcast %parallel_loop3A_101 : vector<16xf32> -> vector<16xi32>
        %parallel_loop3A_103 = arith.constant 6 : i32
        %parallel_loop3A_104 = arith.index_cast %parallel_loop3A_103 : i32 to index
        %parallel_loop3A_105 = arith.index_cast %parallel_loop3A_58 : i32 to index
        %parallel_loop3A_106 = tpu.vector_load %arg8[%parallel_loop3A_104, %parallel_loop3A_105] {strides = array<i32>} : memref<8x2048xf32, #tpu.memory_space<vmem>>, vector<16xf32>,
        %parallel_loop3A_107 = arith.mulf %parallel_loop3A_106, %parallel_loop3A_106 : vector<16xf32>
        %parallel_loop3A_108 = arith.mulf %parallel_loop3A_107, %parallel_loop3A_60 : vector<16xf32>
        %parallel_loop3A_109 = tpu.bitcast %parallel_loop3A_108 : vector<16xf32> -> vector<16xi32>
        %parallel_loop3A_110 = arith.constant 7 : i32
        %parallel_loop3A_111 = arith.index_cast %parallel_loop3A_110 : i32 to index
        %parallel_loop3A_112 = arith.index_cast %parallel_loop3A_58 : i32 to index
        %parallel_loop3A_113 = tpu.vector_load %arg8[%parallel_loop3A_111, %parallel_loop3A_112] {strides = array<i32>} : memref<8x2048xf32, #tpu.memory_space<vmem>>, vector<16xf32>,
        %parallel_loop3A_114 = arith.mulf %parallel_loop3A_113, %parallel_loop3A_113 : vector<16xf32>
        %parallel_loop3A_115 = arith.mulf %parallel_loop3A_114, %parallel_loop3A_60 : vector<16xf32>
        %parallel_loop3A_116 = tpu.bitcast %parallel_loop3A_115 : vector<16xf32> -> vector<16xi32>
        %parallel_loop3A_117 = arith.shrui %parallel_loop3A_67, %broadcast_in_dim3A_10 : vector<16xi32>
        %parallel_loop3A_118 = arith.andi %parallel_loop3A_67, %broadcast_in_dim3A_12 : vector<16xi32>
        %parallel_loop3A_119 = arith.cmpi eq, %parallel_loop3A_117, %get3A_6 : vector<16xi32>
        tpu.vector_store_idx %arg9[%parallel_loop3A_118], %broadcast_in_dim3A_8 masked %parallel_loop3A_119 {add = true} : memref<65536xi32, #tpu.memory_space<vmem>>[vector<16xi32>], vector<16xi32>, vector<16xi1>
        %parallel_loop3A_120 = arith.shrui %parallel_loop3A_74, %broadcast_in_dim3A_10 : vector<16xi32>
        %parallel_loop3A_121 = arith.andi %parallel_loop3A_74, %broadcast_in_dim3A_12 : vector<16xi32>
        %parallel_loop3A_122 = arith.cmpi eq, %parallel_loop3A_120, %get3A_6 : vector<16xi32>
        tpu.vector_store_idx %arg9[%parallel_loop3A_121], %broadcast_in_dim3A_8 masked %parallel_loop3A_122 {add = true} : memref<65536xi32, #tpu.memory_space<vmem>>[vector<16xi32>], vector<16xi32>, vector<16xi1>
        %parallel_loop3A_123 = arith.shrui %parallel_loop3A_81, %broadcast_in_dim3A_10 : vector<16xi32>
        %parallel_loop3A_124 = arith.andi %parallel_loop3A_81, %broadcast_in_dim3A_12 : vector<16xi32>
        %parallel_loop3A_125 = arith.cmpi eq, %parallel_loop3A_123, %get3A_6 : vector<16xi32>
        tpu.vector_store_idx %arg9[%parallel_loop3A_124], %broadcast_in_dim3A_8 masked %parallel_loop3A_125 {add = true} : memref<65536xi32, #tpu.memory_space<vmem>>[vector<16xi32>], vector<16xi32>, vector<16xi1>
        %parallel_loop3A_126 = arith.shrui %parallel_loop3A_88, %broadcast_in_dim3A_10 : vector<16xi32>
        %parallel_loop3A_127 = arith.andi %parallel_loop3A_88, %broadcast_in_dim3A_12 : vector<16xi32>
        %parallel_loop3A_128 = arith.cmpi eq, %parallel_loop3A_126, %get3A_6 : vector<16xi32>
        tpu.vector_store_idx %arg9[%parallel_loop3A_127], %broadcast_in_dim3A_8 masked %parallel_loop3A_128 {add = true} : memref<65536xi32, #tpu.memory_space<vmem>>[vector<16xi32>], vector<16xi32>, vector<16xi1>
        %parallel_loop3A_129 = arith.shrui %parallel_loop3A_95, %broadcast_in_dim3A_10 : vector<16xi32>
        %parallel_loop3A_130 = arith.andi %parallel_loop3A_95, %broadcast_in_dim3A_12 : vector<16xi32>
        %parallel_loop3A_131 = arith.cmpi eq, %parallel_loop3A_129, %get3A_6 : vector<16xi32>
        tpu.vector_store_idx %arg9[%parallel_loop3A_130], %broadcast_in_dim3A_8 masked %parallel_loop3A_131 {add = true} : memref<65536xi32, #tpu.memory_space<vmem>>[vector<16xi32>], vector<16xi32>, vector<16xi1>
        %parallel_loop3A_132 = arith.shrui %parallel_loop3A_102, %broadcast_in_dim3A_10 : vector<16xi32>
        %parallel_loop3A_133 = arith.andi %parallel_loop3A_102, %broadcast_in_dim3A_12 : vector<16xi32>
        %parallel_loop3A_134 = arith.cmpi eq, %parallel_loop3A_132, %get3A_6 : vector<16xi32>
        tpu.vector_store_idx %arg9[%parallel_loop3A_133], %broadcast_in_dim3A_8 masked %parallel_loop3A_134 {add = true} : memref<65536xi32, #tpu.memory_space<vmem>>[vector<16xi32>], vector<16xi32>, vector<16xi1>
        %parallel_loop3A_135 = arith.shrui %parallel_loop3A_109, %broadcast_in_dim3A_10 : vector<16xi32>
        %parallel_loop3A_136 = arith.andi %parallel_loop3A_109, %broadcast_in_dim3A_12 : vector<16xi32>
        %parallel_loop3A_137 = arith.cmpi eq, %parallel_loop3A_135, %get3A_6 : vector<16xi32>
        tpu.vector_store_idx %arg9[%parallel_loop3A_136], %broadcast_in_dim3A_8 masked %parallel_loop3A_137 {add = true} : memref<65536xi32, #tpu.memory_space<vmem>>[vector<16xi32>], vector<16xi32>, vector<16xi1>
        %parallel_loop3A_138 = arith.shrui %parallel_loop3A_116, %broadcast_in_dim3A_10 : vector<16xi32>
        %parallel_loop3A_139 = arith.andi %parallel_loop3A_116, %broadcast_in_dim3A_12 : vector<16xi32>
        %parallel_loop3A_140 = arith.cmpi eq, %parallel_loop3A_138, %get3A_6 : vector<16xi32>
        tpu.vector_store_idx %arg9[%parallel_loop3A_139], %broadcast_in_dim3A_8 masked %parallel_loop3A_140 {add = true} : memref<65536xi32, #tpu.memory_space<vmem>>[vector<16xi32>], vector<16xi32>, vector<16xi1>
      } {sc.loop_unroll_factor = 4 : i64, sc.parallel_access}
    }
    %scan3A_22 = arith.constant 16 : i32
    "tpu.region"() ({
      %run_scoped3A = tpu.sem_alloc : memref<!tpu.dma_semaphore, #tpu.memory_space<semaphore_mem>>
      %dma_start3A_23 = arith.constant 0 : i32
      %dma_start3A_24 = tpu.memref_slice %arg5[%add3A, %dma_start3A_23] : memref<32x65536xi32, #tpu.memory_space<hbm>> -> memref<1x65536xi32, #tpu.memory_space<hbm>>
      %dma_start3A_25 = tpu.memref_squeeze %dma_start3A_24 : memref<1x65536xi32, #tpu.memory_space<hbm>> -> memref<65536xi32, #tpu.memory_space<hbm>>
      %dma_start3A_26 = arith.constant 0 : i32
      %dma_start3A_27 = tpu.memref_slice %arg5[%add3A, %dma_start3A_26] : memref<32x65536xi32, #tpu.memory_space<hbm>> -> memref<1x65536xi32, #tpu.memory_space<hbm>>
      %dma_start3A_28 = tpu.memref_squeeze %dma_start3A_27 : memref<1x65536xi32, #tpu.memory_space<hbm>> -> memref<65536xi32, #tpu.memory_space<hbm>>
      tpu.enqueue_dma source(%arg9 : memref<65536xi32, #tpu.memory_space<vmem>>) target(%dma_start3A_28 : memref<65536xi32, #tpu.memory_space<hbm>>) target_semaphore(%run_scoped3A : memref<!tpu.dma_semaphore, #tpu.memory_space<semaphore_mem>>)
      %dma_wait3A = arith.constant 0 : i32
      %dma_wait3A_29 = tpu.memref_slice %arg5[%add3A, %dma_wait3A] : memref<32x65536xi32, #tpu.memory_space<hbm>> -> memref<1x65536xi32, #tpu.memory_space<hbm>>
      %dma_wait3A_30 = tpu.memref_squeeze %dma_wait3A_29 : memref<1x65536xi32, #tpu.memory_space<hbm>> -> memref<65536xi32, #tpu.memory_space<hbm>>
      %dma_wait3A_31 = arith.constant 0 : i32
      %dma_wait3A_32 = tpu.memref_slice %arg5[%add3A, %dma_wait3A_31] : memref<32x65536xi32, #tpu.memory_space<hbm>> -> memref<1x65536xi32, #tpu.memory_space<hbm>>
      %dma_wait3A_33 = tpu.memref_squeeze %dma_wait3A_32 : memref<1x65536xi32, #tpu.memory_space<hbm>> -> memref<65536xi32, #tpu.memory_space<hbm>>
      tpu.wait_dma2 semaphore(%run_scoped3A : memref<!tpu.dma_semaphore, #tpu.memory_space<semaphore_mem>>) src(%arg9 : memref<65536xi32, #tpu.memory_space<vmem>>) dst(%dma_wait3A_33 : memref<65536xi32, #tpu.memory_space<hbm>>)
      tpu.yield
    }) : () -> ()
    return
  }
}

module attributes {stable_mosaic.version = 14 : i64} {
  func.func @body(%arg0: i32, %arg1: memref<256x2048xf32, #tpu.memory_space<vmem>>, %arg2: memref<1x2048xf32, #tpu.memory_space<vmem>>) attributes {dimension_semantics = [#tpu.dimension_semantics<arbitrary>], iteration_bounds = array<i64: 18>, scalar_prefetch = 0 : i64, scratch_operands = 0 : i64, tpu.core_type = #tpu.core_type<tc>, window_params = [{transform_indices = @transform_0, window_bounds = array<i64: 256, 2048>}, {pipeline_mode = #tpu.pipeline_mode<synchronous>, transform_indices = @transform_1, window_bounds = array<i64: 1, 2048>}]} {
    %get3A = arith.constant 0 : index
    %get3A_0 = arith.constant 0 : index
    %get3A_1 = vector.load %arg1[%get3A, %get3A_0] : memref<256x2048xf32, #tpu.memory_space<vmem>>, vector<256x2048xf32>
    %get3A_2 = arith.constant 0 : index
    %get3A_3 = arith.constant 0 : index
    %get3A_4 = vector.load %arg1[%get3A_2, %get3A_3] : memref<256x2048xf32, #tpu.memory_space<vmem>>, vector<256x2048xf32>
    %mul3A = arith.mulf %get3A_1, %get3A_4 : vector<256x2048xf32>
    %reduce_sum3A = arith.constant dense<0.000000e+00> : vector<2048xf32>
    %reduce_sum3A_5 = vector.multi_reduction <add>, %mul3A, %reduce_sum3A [0] : vector<256x2048xf32> to vector<2048xf32>
    %broadcast_in_dim3A = vector.shape_cast %reduce_sum3A_5 : vector<2048xf32> to vector<1x2048xf32>
    %eq3A = arith.constant 0 : i32
    %eq3A_6 = arith.cmpi eq, %arg0, %eq3A : i32
    %convert_element_type3A = arith.extui %eq3A_6 : i1 to i32
    %cond3A = arith.constant 0 : i32
    %cond3A_7 = arith.cmpi ne, %convert_element_type3A, %cond3A : i32
    scf.if %cond3A_7 {
      %swap3A = arith.constant 0 : index
      %swap3A_12 = arith.constant 0 : index
      %swap3A_13 = vector.load %arg2[%swap3A, %swap3A_12] : memref<1x2048xf32, #tpu.memory_space<vmem>>, vector<1x2048xf32>
      tpu.vector_store %arg2[%swap3A, %swap3A_12], %broadcast_in_dim3A {strides = array<i32>} : memref<1x2048xf32, #tpu.memory_space<vmem>>, vector<1x2048xf32>,
    } else {
    }
    %ne3A = arith.constant 0 : i32
    %ne3A_8 = arith.cmpi ne, %arg0, %ne3A : i32
    %convert_element_type3A_9 = arith.extui %ne3A_8 : i1 to i32
    %cond3A_10 = arith.constant 0 : i32
    %cond3A_11 = arith.cmpi ne, %convert_element_type3A_9, %cond3A_10 : i32
    scf.if %cond3A_11 {
      %get3A_12 = arith.constant 0 : index
      %get3A_13 = arith.constant 0 : index
      %get3A_14 = vector.load %arg2[%get3A_12, %get3A_13] : memref<1x2048xf32, #tpu.memory_space<vmem>>, vector<1x2048xf32>
      %add3A = arith.addf %get3A_14, %broadcast_in_dim3A : vector<1x2048xf32>
      %swap3A = arith.constant 0 : index
      %swap3A_15 = arith.constant 0 : index
      %swap3A_16 = vector.load %arg2[%swap3A, %swap3A_15] : memref<1x2048xf32, #tpu.memory_space<vmem>>, vector<1x2048xf32>
      tpu.vector_store %arg2[%swap3A, %swap3A_15], %add3A {strides = array<i32>} : memref<1x2048xf32, #tpu.memory_space<vmem>>, vector<1x2048xf32>,
    } else {
    }
    return
  }
  func.func @transform_0(%arg0: i32) -> (i32, i32) {
    %c0_i32 = arith.constant 0 : i32
    %c0_i32_0 = arith.constant 0 : i32
    return %arg0, %c0_i32 : i32, i32
  }
  func.func @transform_1(%arg0: i32) -> (i32, i32) {
    %c0_i32 = arith.constant 0 : i32
    %c0_i32_0 = arith.constant 0 : i32
    %c0_i32_1 = arith.constant 0 : i32
    return %c0_i32, %c0_i32_0 : i32, i32
  }
}

module attributes {stable_mosaic.version = 14 : i64} {
  func.func @body(%arg0: i32, %arg1: memref<256x2048xf32, #tpu.memory_space<vmem>>, %arg2: memref<1x2048xf32, #tpu.memory_space<vmem>>, %arg3: memref<1x1xf32, #tpu.memory_space<vmem>>, %arg4: memref<256x2048xi8, #tpu.memory_space<vmem>>) attributes {dimension_semantics = [#tpu.dimension_semantics<arbitrary>], iteration_bounds = array<i64: 32>, scalar_prefetch = 0 : i64, scratch_operands = 0 : i64, tpu.core_type = #tpu.core_type<tc>, window_params = [{transform_indices = @transform_0, window_bounds = array<i64: 256, 2048>}, {pipeline_mode = #tpu.pipeline_mode<synchronous>, transform_indices = @transform_1, window_bounds = array<i64: 1, 2048>}, {pipeline_mode = #tpu.pipeline_mode<synchronous>, transform_indices = @transform_2, window_bounds = array<i64: 1, 1>}, {transform_indices = @transform_3, window_bounds = array<i64: 256, 2048>}]} {
    %get3A = arith.constant 0 : index
    %get3A_0 = arith.constant 0 : index
    %get3A_1 = vector.load %arg1[%get3A, %get3A_0] : memref<256x2048xf32, #tpu.memory_space<vmem>>, vector<256x2048xf32>
    %get3A_2 = arith.constant 0 : index
    %get3A_3 = arith.constant 0 : index
    %get3A_4 = vector.load %arg1[%get3A_2, %get3A_3] : memref<256x2048xf32, #tpu.memory_space<vmem>>, vector<256x2048xf32>
    %mul3A = arith.mulf %get3A_1, %get3A_4 : vector<256x2048xf32>
    %get3A_5 = arith.constant 0 : index
    %get3A_6 = arith.constant 0 : index
    %get3A_7 = vector.load %arg2[%get3A_5, %get3A_6] : memref<1x2048xf32, #tpu.memory_space<vmem>>, vector<1x2048xf32>
    %mul3A_8 = vector.broadcast %get3A_7 : vector<1x2048xf32> to vector<256x2048xf32>
    %mul3A_9 = arith.mulf %mul3A, %mul3A_8 : vector<256x2048xf32>
    %get3A_10 = arith.constant 0 : index
    %get3A_11 = arith.constant 0 : index
    %get3A_12 = vector.load %arg3[%get3A_10, %get3A_11] : memref<1x1xf32, #tpu.memory_space<vmem>>, vector<1x1xf32>
    %ge3A = vector.broadcast %get3A_12 : vector<1x1xf32> to vector<256x2048xf32>
    %ge3A_13 = arith.cmpf oge, %mul3A_9, %ge3A : vector<256x2048xf32>
    %convert_element_type3A = arith.extui %ge3A_13 : vector<256x2048xi1> to vector<256x2048xi8>
    %swap3A = arith.constant 0 : index
    %swap3A_14 = arith.constant 0 : index
    %swap3A_15 = vector.load %arg4[%swap3A, %swap3A_14] : memref<256x2048xi8, #tpu.memory_space<vmem>>, vector<256x2048xi8>
    tpu.vector_store %arg4[%swap3A, %swap3A_14], %convert_element_type3A {strides = array<i32>} : memref<256x2048xi8, #tpu.memory_space<vmem>>, vector<256x2048xi8>,
    return
  }
  func.func @transform_0(%arg0: i32) -> (i32, i32) {
    %c0_i32 = arith.constant 0 : i32
    %c0_i32_0 = arith.constant 0 : i32
    return %arg0, %c0_i32 : i32, i32
  }
  func.func @transform_1(%arg0: i32) -> (i32, i32) {
    %c0_i32 = arith.constant 0 : i32
    %c0_i32_0 = arith.constant 0 : i32
    %c0_i32_1 = arith.constant 0 : i32
    return %c0_i32, %c0_i32_0 : i32, i32
  }
  func.func @transform_2(%arg0: i32) -> (i32, i32) {
    %c0_i32 = arith.constant 0 : i32
    %c0_i32_0 = arith.constant 0 : i32
    %c0_i32_1 = arith.constant 0 : i32
    return %c0_i32, %c0_i32_0 : i32, i32
  }
  func.func @transform_3(%arg0: i32) -> (i32, i32) {
    %c0_i32 = arith.constant 0 : i32
    %c0_i32_0 = arith.constant 0 : i32
    return %arg0, %c0_i32 : i32, i32
  }
}

</mosaic_0001>

<sc_bundles>
// kernel: kernel.10.cloned.1.call-start
scs
__scs_entry_jumppad:
0x0: {  	(pc) =	sbr.rel $0x88, $3  }
0x1: {  	(tag) =	ssettag $0x0;
	lr =	simm.s32 $0x1  }
0x2: {  	[smem:$0x3F9F] =	sst lr;
	_ =	strace $0xD0000000  }
0x3: {  	_ = 	snop  }
0x4: {  	_ = 	snop  }
0x5: {  	_ = 	snop  }
0x6: {  	_ = 	snop  }
0x7: {  	_ = 	snop  }
__scs_overlays_trampoline_lowered:
0x8: {  	[smem:$0x3FAE] =	sst s0  }
0x9: {  	[smem:$0x3FAF] =	sst s1  }
0xa: {  	[smem:$0x3FB0] =	sst s2  }
0xb: {  	[smem:$0x3FB1] =	sst s3  }
0xc: {  	[smem:$0x3FB2] =	sst s4  }
0xd: {  	[smem:$0x3FB3] =	sst s5  }
0xe: {  	[smem:$0x3FB4] =	sst s6  }
0xf: {  	[smem:$0x3FB5] =	sst s7  }
0x10: {  	[smem:$0x3FB6] =	sst s8  }
0x11: {  	[smem:$0x3FB7] =	sst s9;
	s0 =	simm.s32 @!p0 $0x0  }
0x12: {  	s1 =	sld [smem:$0x3F9D];
	s0 =	simm.s32 @p0 $0x1  }
0x13: {  	[smem:$0x3FB8] =	sst s0;
	s0 =	simm.s32 @!p1 $0x0  }
0x14: {  	s2 =	sld [smem:$0x3F9C];
	s0 =	simm.s32 @p1 $0x1  }
0x15: {  	[smem:$0x3FB9] =	sst s0;
	s0 =	simm.s32 @!p2 $0x0  }
0x16: {  	s3 =	sld [smem:$0x3FDB];
	s0 =	simm.s32 @p2 $0x1  }
0x17: {  	s4 =	simm.s32 $0x1BF5;
	[smem:$0x3FBB] =	sst s0  }
0x18: {  	s0 =	sld [smem:$0x3F9E];
	_ =	swait.ge [sflag:s4], $0x0  }
0x19: {  	s7 =	sld [smem:$0x3F9F]  }
0x1a: {  	s8 =	sadd.s32 $0xFFFFE003, lr  }
0x1b: {  	s9 =	sadd.s32 $0xFFFFFEF7, lr;
	s5 =	simm.s32 $0xFFFFFFFF;
	p2 =	slt.u32 s8, $0xFFFFF086  }
0x1c: {  	p1 =	slt.u32 s9, $0xF7A;
	s5 =	simm.s32 @!p2 $0x0  }
0x1d: {  	s5 =	simm.s32 @p1 $0x1;
	p0 =	seq.s32 s7, s2  }
0x1e: {  	s7 =	smul.u32 @!p0 $0xF7A, s2;
	p2 =	seq.s32 @!p0 s5, $0x0  }
0x1f: {  	s9 =	smul.u32 $0xF7A, s1;
	s8 =	simm.s32 @!p0 $0x1BF5;
	p2 =	por !p2, p0  }
0x20: {  	[sflag:s8] =	ssyncset.s32 @!p0 $0xFFFFF086;
	s6 =	sadd.s32 @!p0 s3, s7;
	s7 =	simm.s32 @!p0 $0x108  }
0x21: {  	s3 =	sadd.s32 s3, s9;
	s6 =	sadd.s32 @!p0 $0x88, s6;
	s7 =	simm.s32 @p2 $0x1082  }
0x22: {  	[simem:s7], [sflag:s8] =	dma.local @!p0 [hbm:s6], $0xF7A  }
0x23: {  	s9 =	sor.u32 $0xD0000000, s2;
	s6 =	simm.s32 $0x108;
	_ =	swait.ge @!p0 [sflag:s8], $0x0  }
0x24: {  	s3 =	sadd.s32 $0x88, s3;
	s6 =	simm.s32 @!p1 $0x1082;
	[sflag:s4] =	ssyncset.s32 $0xFFFFF086  }
0x25: {  	[simem:s6], [sflag:s4] =	dma.local [hbm:s3], $0xF7A  }
0x26: {  	[smem:$0x3F9F] =	sst s1;
	(tag) =	ssettag s2;
	_ =	strace s9  }
0x27: {  	s1 =	sld [smem:$0x3FAF]  }
0x28: {  	s2 =	sld [smem:$0x3FB0]  }
0x29: {  	s4 =	sld [smem:$0x3FB2]  }
0x2a: {  	p0 =	seq.s32 s5, $0x0;
	s5 =	sld [smem:$0x3FB3]  }
0x2b: {  	s6 =	sld [smem:$0x3FB4]  }
0x2c: {  	s7 =	sld [smem:$0x3FB5]  }
0x2d: {  	s3 =	simm.s32 $0x108;
	s8 =	sld [smem:$0x3FB6]  }
0x2e: {  	s3 =	simm.s32 @!p0 $0x1082;
	s9 =	sld [smem:$0x3FB7]  }
0x2f: {  	lr =	sadd.s32 s0, s3;
	s0 =	sld [smem:$0x3FAE]  }
0x30: {  	s3 =	sld [smem:$0x3FB1]  }
0x31: {  	[smem:$0x3FBA] =	sst s10  }
0x32: {  	s10 =	sld [smem:$0x3FB8];
	_ =	sdelay $0x3  }
0x33: {  	p0 =	seq.s32 s10, $0x1;
	s10 =	sld [smem:$0x3FBA];
	_ =	sdelay $0x3  }
0x34: {  	[smem:$0x3FBA] =	sst s10  }
0x35: {  	s10 =	sld [smem:$0x3FB9];
	_ =	sdelay $0x3  }
0x36: {  	p1 =	seq.s32 s10, $0x1;
	s10 =	sld [smem:$0x3FBA];
	_ =	sdelay $0x3  }
0x37: {  	[smem:$0x3FBA] =	sst s10  }
0x38: {  	s10 =	sld [smem:$0x3FBB]  }
0x39: {  	_ = 	snop;
	(pc) =	sbr.ind lr, $3  }
0x3a: {  	_ = 	snop  }
0x3b: {  	_ = 	snop  }
0x3c: {  	p2 =	seq.s32 s10, $0x1;
	s10 =	sld [smem:$0x3FBA]  }
0x3d: {  	_ =	shalt  }
0x3e: {  	_ =	shalt  }
0x3f: {  	_ =	shalt  }
0x40: {  	_ =	shalt  }
0x41: {  	_ =	shalt  }
0x42: {  	_ =	shalt  }
0x43: {  	_ =	shalt  }
0x44: {  	_ =	shalt  }
0x45: {  	_ =	shalt  }
0x46: {  	_ =	shalt  }
0x47: {  	_ =	shalt  }
0x48: {  	_ =	shalt  }
0x49: {  	_ =	shalt  }
0x4a: {  	_ =	shalt  }
0x4b: {  	_ =	shalt  }
0x4c: {  	_ =	shalt  }
0x4d: {  	_ =	shalt  }
0x4e: {  	_ =	shalt  }
0x4f: {  	_ =	shalt  }
0x50: {  	_ =	shalt  }
0x51: {  	_ =	shalt  }
0x52: {  	_ =	shalt  }
0x53: {  	_ =	shalt  }
0x54: {  	_ =	shalt  }
0x55: {  	_ =	shalt  }
0x56: {  	_ =	shalt  }
0x57: {  	_ =	shalt  }
0x58: {  	_ =	shalt  }
0x59: {  	_ =	shalt  }
0x5a: {  	_ =	shalt  }
0x5b: {  	_ =	shalt  }
0x5c: {  	_ =	shalt  }
0x5d: {  	_ =	shalt  }
0x5e: {  	_ =	shalt  }
0x5f: {  	_ =	shalt  }
0x60: {  	_ =	shalt  }
0x61: {  	_ =	shalt  }
0x62: {  	_ =	shalt  }
0x63: {  	_ =	shalt  }
0x64: {  	_ =	shalt  }
0x65: {  	_ =	shalt  }
0x66: {  	_ =	shalt  }
0x67: {  	_ =	shalt  }
0x68: {  	_ =	shalt  }
0x69: {  	_ =	shalt  }
0x6a: {  	_ =	shalt  }
0x6b: {  	_ =	shalt  }
0x6c: {  	_ =	shalt  }
0x6d: {  	_ =	shalt  }
0x6e: {  	_ =	shalt  }
0x6f: {  	_ =	shalt  }
0x70: {  	_ =	shalt  }
0x71: {  	_ =	shalt  }
0x72: {  	_ =	shalt  }
0x73: {  	_ =	shalt  }
0x74: {  	_ =	shalt  }
0x75: {  	_ =	shalt  }
0x76: {  	_ =	shalt  }
0x77: {  	_ =	shalt  }
0x78: {  	_ =	shalt  }
0x79: {  	_ =	shalt  }
0x7a: {  	_ =	shalt  }
0x7b: {  	_ =	shalt  }
0x7c: {  	_ =	shalt  }
0x7d: {  	_ =	shalt  }
0x7e: {  	_ =	shalt  }
0x7f: {  	_ =	shalt  }
0x80: {  	_ =	shalt  }
0x81: {  	_ =	shalt  }
0x82: {  	_ =	shalt  }
0x83: {  	_ =	shalt  }
0x84: {  	_ =	shalt  }
0x85: {  	_ =	shalt  }
0x86: {  	_ =	shalt  }
0x87: {  	_ =	shalt  }
.Lfunc_end0:
.L_simem_size_0:
called_computation.1_lowered:
.L_overlay_start_0:
0x88: {  	s2 =	sld [smem:$0x3FD9]  }
0x89: {  	s3 =	sld [smem:$0x3FFE];
	_ =	sdelay $0x1  }
0x8a: {  	s1 =	srdreg.scid  }
0x8b: {  	s0 =	sand.u32 $0x1, s1  }
0x8c: {  	s17 =	sshll.u32 s0, $0xA;
	s2 =	sadd.s32 s3, s2  }
0x8d: {  	s2 =	sadd.s32 s2, s17  }
0x8e: {  	[smem:$0x3FC6] =	sst s2  }
0x8f: {  	_ = 	snop  }
0x90: {  	s2 =	sld [smem:$0x3FC9]  }
0x91: {  	s18 =	sld [smem:$0x3FD0];
	(tm) =	ssettm $0x1  }
0x92: {  	s4 =	sld [smem:$0x3FFB];
	_ =	sdelay $0x3  }
0x93: {  	_ =	strace s4  }
0x94: {  	s4 =	sld [smem:$0x3FFC];
	_ =	sdelay $0x3  }
0x95: {  	_ =	strace s4  }
0x96: {  	s4 =	sld [smem:$0x3FFD];
	_ =	sdelay $0x3  }
0x97: {  	_ =	strace s4  }
0x98: {  	_ =	strace $0x8FFFFFFF  }
0x99: {  	s19 =	sld [smem:$0x3FDB];
	_ =	sdelay $0x1  }
0x9a: {  	s5 =	simm.s32 $_scs_section_size  }
0x9b: {  	s6 =	simm.s32 $_size__tile_overlayer_lowered;
	s7 =	simm.s32 $_tile_overlayer_lowered  }
0x9c: {  	s22 =	simm.s32 $0x1BFF;
	s21 =	sshll.u32 s7, $0x1;
	s4 =	sadd.s32 s5, s19  }
0x9d: {  	s8 =	simm.s32 $0x0;
	s20 =	sshll.u32 s6, $0x1;
	s6 =	sadd.s32 s21, s4  }
0x9e: {  	[timem:s8], [sflag:s22] =	dma.local [hbm:s6], s20  }
0x9f: {  	_ =	swait.ge [sflag:s22], s20  }
0xa0: {  	s5 =	ssub.s32 $0x0, s20;
	[sflag:s22] =	ssyncset.done $0x0  }
0xa1: {  	[sflag:s22] =	ssyncadd.s32 s5;
	_ =	sdelay $0x1  }
0xa2: {  	s23 =	simm.s32 $0x1B8B  }
0xa3: {  	_ =	swait.ge [sflag:s23], $0x1  }
0xa4: {  	[sflag:s23] =	ssyncset.done $0x0  }
0xa5: {  	s25 =	simm.s32 $0x1B8E;
	s24 =	sld [smem:$0x3FFE];
	[sflag:s23] =	ssyncadd.s32 $0xFFFFFFFF  }
0xa6: {  	s26 =	simm.s32 $execute0_lowered;
	[smem:$0x3FD2] =	sst s25  }
0xa7: {  	s6 =	sshll.u32 s26, $0x1;
	_ =	strace $0x80000049;
	[dreg:$0x1] =	wrdreg $0xFFFFFFFF  }
0xa8: {  	s28 =	simm.s32 $_size_execute0_lowered;
	s4 =	sadd.s32 s4, s6;
	[dreg:$0x0] =	wrdreg $0x0  }
0xa9: {  	s6 =	sshll.u32 s28, $0x1;
	[dreg:$0x2] =	wrdreg s4  }
0xaa: {  	[dreg:$0x3] =	wrdreg s6  }
0xab: {  	[dreg:$0x4] =	wrdreg $0xC0  }
0xac: {  	_ =	task [dreg:s8], $0x5FFFF  }
0xad: {  	[dreg:$0x1] =	wrdreg $0xFFFFFFFF  }
0xae: {  	[dreg:$0x0] =	wrdreg $0x60  }
0xaf: {  	[dreg:$0x2] =	wrdreg s2  }
0xb0: {  	[dreg:$0x3] =	wrdreg s24  }
0xb1: {  	[dreg:$0x4] =	wrdreg s18  }
0xb2: {  	[dreg:$0x5] =	wrdreg $0x9  }
0xb3: {  	_ =	task.clear_ibuf [dreg:s8], $0x6FFFF;
	_ =	strace $0x90000049  }
0xb4: {  	s29 =	simm.s32 $0x9;
	_ =	strace $0x8000004B  }
0xb5: {  	_ =	swait.ge [sflag:s29], $0x1  }
0xb6: {  	[sflag:s29] =	ssyncadd.s32 $0xFFFFFFFF  }
0xb7: {  	_ =	strace $0x9000004B  }
0xb8: {  	_ =	sfence  }
0xb9: {  	s30 =	sld [smem:$0x0];
	_ =	sdelay $0x2  }
0xba: {  	s31 =	sshll.u32 s1, $0xD;
	s1 =	sshrl.u32 s1, $0x2  }
0xbb: {  	s3 =	sand.u32 $0x4000, s31;
	s1 =	sadd.s32 s1, s30  }
0xbc: {  	s0 =	sor.u32 s3, s0;
	s1 =	sshll.u32 s1, $0x11  }
0xbd: {  	s0 =	sor.u32 s1, s0  }
0xbe: {  	s0 =	sadd.s32 $0x8F2B, s0  }
0xbf: {  	[sflag:s0] =	ssyncadd.remote.s32 $0x1  }
0xc0: {  	_ =	sfence.sel $0xFFFF  }
0xc1: {  	[dreg:$0x0] =	wrdreg $0xFFFFFFFF;
	(pc) =	sbr.abs _section_cstart, $3  }
0xc2: {  	[dreg:$0x1] =	wrdreg $0xFFFFFFFF  }
0xc3: {  	_ =	task.clear_ibuf [dreg:s8], $0x2FFFF;
	_ =	strace $0x9FFFFFFF  }
0xc4: {  	(tm) =	ssettm $0x7FFFFFFF  }
0xc5: {  	_ =	shalt  }
tec
execute0_lowered:
.L_overlay_start_1:
0x0: {  	(tag) =	ssettag $0x1  }
0x1: {  	s4 =	rddreg [dreg:$0x0]  }
0x2: {  	s5 =	rddreg [dreg:$0x2];
	s3 =	simm.s32 $0x0  }
0x3: {  	s6 =	srdreg.scid;
	s0 =	stileid.u32;
	s11 =	simm.s32 $0x4800  }
0x4: {  	s12 =	simm.s32 $0x8800;
	s13 =	simm.s32 $0x2;
	[smem:$0x7FF] =	sst s3  }
0x5: {  	s6 =	sand.u32 $0x1, s6;
	s8 =	sshll.u32 s0, $0x1;
	s29 =	sshll.u32 s0, $0xD  }
0x6: {  	_ =	strace $0x8000004A;
	s7 =	ssub.s32 $0x2, s6;
	s6 =	sor.u32 s6, s8  }
0x7: {  	s8 =	sand.u32 $0x18000, s29;
	s10 =	sshll.u32 s6, $0x10;
	s6 =	sshll.u32 s6, $0x4  }
0x8: {  	s9 =	sshrl.u32 s7, $0x1;
	s8 =	sadd.s32 s5, s8;
	s6 =	sand.u32 $0x70, s6  }
0x9: {  	s4 =	sadd.s32 s4, s10;
	s7 =	ssub.s32 s7, s9;
	s30 =	sadd.s32 s6, s8  }
0xa: {  	s10 =	simm.s32 $0x1;
	s31 =	smax.u32 s7, $0x1;
	[dreg:$0x4] =	wrdreg s30  }
0xb: {  	v0 =	vimm.s32 $0x0;
	v1 =	vimm.s32 $0x1;
	s5 =	sadd.s32 $0x1000, s4;
	s8 =	simm.s32 $0x3;
	[dreg:$0x5] =	wrdreg s31  }
.LBB2_1:
0xc: {  	s16 =	simm.s32 $0x8840  }
0xd: {  	[tilespmem:s16+$0xFFFFFFC0] =	vst v0  }
0xe: {  	[tilespmem:s16+$0x30] =	vst v0  }
0xf: {  	[tilespmem:s16+$0x20] =	vst v0  }
0x10: {  	[tilespmem:s16+$0x10] =	vst v0  }
0x11: {  	[tilespmem:s16+$0x0] =	vst v0  }
0x12: {  	[tilespmem:s16+$0xFFFFFFF0] =	vst v0  }
0x13: {  	s17 =	simm.s32 $0x0;
	[tilespmem:s16+$0xFFFFFFE0] =	vst v0  }
.LBB2_2:
0x14: {  	s17 =	sadd.s32 $0x8, s17;
	[tilespmem:s16+$0xFFFFFFD0] =	vst v0;
	s16 =	sadd.s32 $0x80, s16  }
0x15: {  	[tilespmem:s16+$0xFFFFFFC0] =	vst v0;
	p0 =	slt.u32 s17, $0x7F8  }
0x16: {  	[tilespmem:s16+$0x30] =	vst v0  }
.Ltmp0:
0x17: {  	[tilespmem:s16+$0x20] =	vst v0;
	(pc) =	sbr.rel @p0 .LBB2_2-.Ltmp0, $4  }
0x18: {  	[tilespmem:s16+$0x10] =	vst v0  }
0x19: {  	[tilespmem:s16+$0x0] =	vst v0  }
0x1a: {  	[tilespmem:s16+$0xFFFFFFF0] =	vst v0  }
0x1b: {  	[tilespmem:s16+$0xFFFFFFE0] =	vst v0  }
0x1c: {  	[tilespmem:s16+$0xFFFFFFD0] =	vst v0;
	s16 =	simm.s32 $0x0;
	s0 =	rddreg [dreg:$0x1]  }
0x1d: {  	[tilespmem:s16], [sflag:$0x3] =	stream.linear.gather [hbm4b:s0+s16], $0x800, $0x38;
	[tilespmem:$0x10800] =	vst v63  }
0x1e: {  	_ =	swait.ge [sflag:s8], $0x800  }
0x1f: {  	[sflag:s8] =	ssyncset.done $0x0  }
0x20: {  	s31 =	simm.s32 $0x800;
	s17 =	simm.s32 $0x0;
	[sflag:s8] =	ssyncadd.s32 $0xFFFFF800  }
0x21: {  	[tilespmem:s31], [sflag:$0x1] =	stream.linear.gather [hbm4b:s4+s16], $0x4000, $0x38;
	[tilespmem:$0x10800] =	vst v63  }
.LBB2_4:
0x22: {  	s18 =	sshll.u32 s17, $0xC;
	_ =	swait.ge [sflag:s10], $0x4000;
	s20 =	sand.u32 $0x3C00, s16  }
0x23: {  	s21 =	sand.u32 $0x40, s16;
	[sflag:s10] =	ssyncset.done $0x0;
	s19 =	sadd.s32 s18, s4  }
0x24: {  	s22 =	sadd.s32 $0x800, s20;
	[sflag:s10] =	ssyncadd.s32 $0xFFFFC000;
	s19 =	sadd.s32 $0x800, s19  }
0x25: {  	[tilespmem:s11], [sflag:$0x2] =	stream.linear.gather [hbm4b:s19+s16], $0x4000, $0x38;
	[tilespmem:$0x10800] =	vst v63  }
0x26: {  	s24 =	sor.u32 s21, s22;
	v2 =	vld [tilespmem:s16+$0x0]  }
0x27: {  	s15 =	sor.u32 $0x10, s21;
	v8 =	vld [tilespmem:s24+$0x180]  }
0x28: {  	s26 =	sor.u32 $0x30, s21;
	s28 =	sor.u32 s15, s22;
	v5 =	vld [tilespmem:s24+$0x80]  }
0x29: {  	s31 =	sor.u32 s26, s22;
	v11 =	vld [tilespmem:s28+$0x180]  }
0x2a: {  	v12 =	vld [tilespmem:s31+$0x100]  }
0x2b: {  	v13 =	vld [tilespmem:s28+$0x100]  }
0x2c: {  	s21 =	sor.u32 $0x20, s21;
	v14 =	vld [tilespmem:s24+$0x0]  }
0x2d: {  	s22 =	sor.u32 s21, s22;
	v15 =	vld [tilespmem:s28+$0x0]  }
0x2e: {  	v16 =	vld [tilespmem:s22+$0x80]  }
0x2f: {  	v17 =	vld [tilespmem:s22+$0x180]  }
0x30: {  	v18 =	vld [tilespmem:s24+$0x100]  }
0x31: {  	v19 =	vld [tilespmem:s28+$0x80]  }
0x32: {  	s29 =	sand.u32 $0x780, s16;
	v20 =	vld [tilespmem:s22+$0x100]  }
0x33: {  	p0 =	por $0x0, $0x0;
	s19 =	simm.s32 $0x1;
	s21 =	sor.u32 s21, s29;
	v25 =	vld [tilespmem:s22+$0x0]  }
0x34: {  	s19 =	simm.s32 @!p0 $0x0;
	v26 =	vld [tilespmem:s21+$0x0]  }
0x35: {  	v60 =	vld [tilespmem:s31+$0x0];
	s19 =	sshll.u32 s19, $0x6  }
0x36: {  	v61 =	vld [tilespmem:s31+$0x80];
	s23 =	sadd.s32 $0x0, s19  }
0x37: {  	v30 =	vld [tilespmem:s31+$0x180];
	s19 =	sadd.s32 $0x30, s23;
	s1 =	sor.u32 $0x280, s23  }
0x38: {  	s14 =	sor.u32 $0x280, s19;
	v6 =	vld [tilespmem:s1+$0x800]  }
0x39: {  	s25 =	sor.u32 $0x200, s19;
	v9 =	vld [tilespmem:s14+$0x800]  }
0x3a: {  	s20 =	sadd.s32 $0x10, s23;
	s30 =	sor.u32 $0x380, s19;
	v10 =	vld [tilespmem:s25+$0x800]  }
0x3b: {  	s2 =	sadd.s32 $0x20, s23;
	s0 =	sor.u32 $0x380, s20;
	v7 =	vld [tilespmem:s30+$0x800]  }
0x3c: {  	s6 =	sor.u32 $0x380, s2;
	v4 =	vld [tilespmem:s0+$0x800]  }
0x3d: {  	s7 =	sor.u32 $0x200, s2;
	v21 =	vld [tilespmem:s6+$0x800]  }
0x3e: {  	s9 =	sor.u32 $0x280, s2;
	v22 =	vld [tilespmem:s7+$0x800]  }
0x3f: {  	s24 =	sor.u32 $0x280, s20;
	v14 =	vmul.f32 v14, v14;
	v23 =	vld [tilespmem:s9+$0x800]  }
0x40: {  	s31 =	sor.u32 $0x200, s20;
	v5 =	vmul.f32 v5, v5;
	v18 =	vmul.f32 v18, v18;
	v29 =	vld [tilespmem:s24+$0x800]  }
0x41: {  	s20 =	sor.u32 $0x300, s20;
	v8 =	vmul.f32 v8, v8;
	v59 =	vmul.f32 v25, v25;
	v33 =	vld [tilespmem:s31+$0x800]  }
0x42: {  	s19 =	sor.u32 $0x300, s19;
	v15 =	vmul.f32 v15, v15;
	v19 =	vmul.f32 v19, v19;
	v35 =	vld [tilespmem:s20+$0x800]  }
0x43: {  	s30 =	sor.u32 s15, s29;
	v16 =	vmul.f32 v16, v16;
	v39 =	vld [tilespmem:s19+$0x800];
	v14 =	vmul.f32 v14, v2  }
0x44: {  	s29 =	sor.u32 s26, s29;
	v3 =	vld [tilespmem:s30+$0x0];
	v58 =	vmul.f32 v18, v2;
	v18 =	vmul.f32 v59, v26  }
0x45: {  	s15 =	sor.u32 $0x300, s23;
	v20 =	vmul.f32 v20, v20;
	v31 =	vld [tilespmem:s29+$0x0];
	v24 =	vmul.f32 v5, v2;
	v14 =	vshrl.u32 v14, $0x10  }
0x46: {  	s14 =	sor.u32 $0x380, s23;
	s23 =	sor.u32 $0x200, s23;
	v17 =	vmul.f32 v17, v17;
	v27 =	vld [tilespmem:s15+$0x800];
	v63 =	vmul.f32 v16, v26;
	v18 =	vshrl.u32 v18, $0x10  }
0x47: {  	v13 =	vmul.f32 v13, v13;
	v28 =	vld [tilespmem:s23+$0x800];
	v34 =	vmul.f32 v20, v26;
	v24 =	vshrl.u32 v24, $0x10  }
0x48: {  	v42 =	vmul.f32 v60, v60;
	s30 =	sor.u32 $0x300, s2;
	v5 =	vld [tilespmem:s14+$0x800];
	v17 =	vmul.f32 v17, v26;
	v36 =	vshrl.u32 v63, $0x10  }
0x49: {  	v11 =	vmul.f32 v11, v11;
	v32 =	vld [tilespmem:s30+$0x800];
	v16 =	vshrl.u32 v34, $0x10;
	v15 =	vmul.f32 v15, v3  }
0x4a: {  	v43 =	vmul.f32 v61, v61;
	v41 =	vshrl.u32 v17, $0x10;
	v17 =	vmul.f32 v42, v31;
	[tilespmem:v14+s12+$0x0] =	vst.idx.add.s32.msk $0xffff, v1  }
0x4b: {  	v12 =	vmul.f32 v12, v12;
	v47 =	vmul.f32 v30, v30;
	v62 =	vshrl.u32 v15, $0x10;
	[tilespmem:v18+s12+$0x0] =	vst.idx.add.s32.msk $0xffff, v1  }
0x4c: {  	v8 =	vmul.f32 v8, v2;
	v19 =	vmul.f32 v19, v3;
	v17 =	vshrl.u32 v17, $0x10;
	[tilespmem:v24+s12+$0x0] =	vst.idx.add.s32.msk $0xffff, v1  }
0x4d: {  	v6 =	vmul.f32 v6, v6;
	v48 =	vmul.f32 v43, v31;
	v14 =	vshrl.u32 v58, $0x10;
	[tilespmem:v36+s12+$0x0] =	vst.idx.add.s32.msk $0xffff, v1  }
0x4e: {  	v37 =	vmul.f32 v22, v22;
	v40 =	vmul.f32 v33, v33;
	v19 =	vshrl.u32 v19, $0x10;
	[tilespmem:v16+s12+$0x0] =	vst.idx.add.s32.msk $0xffff, v1  }
0x4f: {  	v10 =	vmul.f32 v10, v10;
	v13 =	vmul.f32 v13, v3;
	v51 =	vshrl.u32 v48, $0x10;
	[tilespmem:v41+s12+$0x0] =	vst.idx.add.s32.msk $0xffff, v1  }
0x50: {  	v8 =	vshrl.u32 v8, $0x10;
	v50 =	vmul.f32 v29, v29;
	v15 =	vmul.f32 v37, v26;
	[tilespmem:v62+s12+$0x0] =	vst.idx.add.s32.msk $0xffff, v1  }
0x51: {  	v38 =	vmul.f32 v28, v28;
	v12 =	vmul.f32 v12, v31;
	v13 =	vshrl.u32 v13, $0x10;
	[tilespmem:v17+s12+$0x0] =	vst.idx.add.s32.msk $0xffff, v1  }
0x52: {  	v4 =	vmul.f32 v4, v4;
	v11 =	vmul.f32 v11, v3;
	v45 =	vshrl.u32 v15, $0x10;
	[tilespmem:v14+s12+$0x0] =	vst.idx.add.s32.msk $0xffff, v1  }
0x53: {  	v61 =	vmul.f32 v27, v27;
	v12 =	vshrl.u32 v12, $0x10;
	v18 =	vmul.f32 v38, v2;
	[tilespmem:v19+s12+$0x0] =	vst.idx.add.s32.msk $0xffff, v1  }
0x54: {  	v44 =	vmul.f32 v40, v3;
	v11 =	vshrl.u32 v11, $0x10;
	v58 =	vmul.f32 v35, v35;
	[tilespmem:v51+s12+$0x0] =	vst.idx.add.s32.msk $0xffff, v1  }
0x55: {  	v6 =	vmul.f32 v6, v2;
	v52 =	vmul.f32 v50, v3;
	v46 =	vshrl.u32 v18, $0x10;
	[tilespmem:v8+s12+$0x0] =	vst.idx.add.s32.msk $0xffff, v1  }
0x56: {  	v49 =	vshrl.u32 v44, $0x10;
	v16 =	vmul.f32 v47, v31;
	v59 =	vmul.f32 v58, v3;
	[tilespmem:v13+s12+$0x0] =	vst.idx.add.s32.msk $0xffff, v1  }
0x57: {  	v6 =	vshrl.u32 v6, $0x10;
	v3 =	vmul.f32 v4, v3;
	v4 =	vmul.f32 v61, v2;
	[tilespmem:v45+s12+$0x0] =	vst.idx.add.s32.msk $0xffff, v1  }
0x58: {  	v9 =	vmul.f32 v9, v9;
	v10 =	vmul.f32 v10, v31;
	v16 =	vshrl.u32 v16, $0x10;
	[tilespmem:v12+s12+$0x0] =	vst.idx.add.s32.msk $0xffff, v1  }
0x59: {  	v4 =	vshrl.u32 v4, $0x10;
	[tilespmem:v11+s12+$0x0] =	vst.idx.add.s32.msk $0xffff, v1  }
0x5a: {  	v54 =	vmul.f32 v23, v23;
	v9 =	vmul.f32 v9, v31;
	v10 =	vshrl.u32 v10, $0x10;
	[tilespmem:v46+s12+$0x0] =	vst.idx.add.s32.msk $0xffff, v1  }
0x5b: {  	v8 =	vshrl.u32 v52, $0x10;
	[tilespmem:v49+s12+$0x0] =	vst.idx.add.s32.msk $0xffff, v1  }
0x5c: {  	v53 =	vmul.f32 v39, v39;
	v9 =	vshrl.u32 v9, $0x10;
	v13 =	vmul.f32 v54, v26;
	[tilespmem:v6+s12+$0x0] =	vst.idx.add.s32.msk $0xffff, v1  }
0x5d: {  	v55 =	vmul.f32 v32, v32;
	v63 =	vshrl.u32 v59, $0x10;
	[tilespmem:v16+s12+$0x0] =	vst.idx.add.s32.msk $0xffff, v1  }
0x5e: {  	v7 =	vmul.f32 v7, v7;
	v11 =	vmul.f32 v53, v31;
	v13 =	vshrl.u32 v13, $0x10;
	[tilespmem:v4+s12+$0x0] =	vst.idx.add.s32.msk $0xffff, v1  }
0x5f: {  	v56 =	vmul.f32 v21, v21;
	v57 =	vmul.f32 v55, v26;
	v3 =	vshrl.u32 v3, $0x10;
	[tilespmem:v10+s12+$0x0] =	vst.idx.add.s32.msk $0xffff, v1  }
0x60: {  	v7 =	vmul.f32 v7, v31;
	v11 =	vshrl.u32 v11, $0x10;
	[tilespmem:v8+s12+$0x0] =	vst.idx.add.s32.msk $0xffff, v1  }
0x61: {  	v5 =	vmul.f32 v5, v5;
	v60 =	vshrl.u32 v57, $0x10;
	v14 =	vmul.f32 v56, v26;
	[tilespmem:v9+s12+$0x0] =	vst.idx.add.s32.msk $0xffff, v1  }
0x62: {  	v7 =	vshrl.u32 v7, $0x10;
	[tilespmem:v63+s12+$0x0] =	vst.idx.add.s32.msk $0xffff, v1  }
0x63: {  	v2 =	vmul.f32 v5, v2;
	v62 =	vshrl.u32 v14, $0x10;
	[tilespmem:v13+s12+$0x0] =	vst.idx.add.s32.msk $0xffff, v1  }
0x64: {  	[tilespmem:v3+s12+$0x0] =	vst.idx.add.s32.msk $0xffff, v1  }
0x65: {  	v2 =	vshrl.u32 v2, $0x10;
	[tilespmem:v11+s12+$0x0] =	vst.idx.add.s32.msk $0xffff, v1  }
0x66: {  	[tilespmem:v60+s12+$0x0] =	vst.idx.add.s32.msk $0xffff, v1  }
0x67: {  	s21 =	simm.s32 $0x200;
	p0 =	por !p0, !p0;
	[tilespmem:v7+s12+$0x0] =	vst.idx.add.s32.msk $0xffff, v1  }
0x68: {  	s22 =	simm.s32 $0x40;
	s19 =	simm.s32 $0x0;
	s20 =	simm.s32 $0x40;
	[tilespmem:v62+s12+$0x0] =	vst.idx.add.s32.msk $0xffff, v1  }
.LBB2_5:
0x69: {  	s23 =	simm.s32 $0x1  }
0x6a: {  	s24 =	sand.u32 $0x3C00, s21;
	s19 =	sadd.s32 $0x4, s19;
	[tilespmem:v2+s12+$0x0] =	vst.idx.add.s32.msk $0xffff, v1;
	s23 =	simm.s32 @!p0 $0x0  }
0x6b: {  	s25 =	sand.u32 $0x40, s22;
	s24 =	sadd.s32 $0x800, s24;
	s23 =	sshll.u32 s23, $0x6  }
0x6c: {  	s26 =	sor.u32 $0x30, s25;
	s0 =	sor.u32 s25, s24;
	s28 =	sadd.s32 s23, s21;
	v2 =	vld [tilespmem:s20+$0x0]  }
0x6d: {  	s2 =	sor.u32 $0x10, s25;
	v5 =	vld [tilespmem:s0+$0x180];
	s31 =	sor.u32 $0x280, s28;
	s23 =	sadd.s32 $0x30, s28  }
0x6e: {  	s29 =	sor.u32 $0x20, s25;
	s1 =	sor.u32 s2, s24;
	v3 =	vld [tilespmem:s0+$0x80];
	s30 =	sor.u32 $0x280, s23  }
0x6f: {  	s25 =	sor.u32 s26, s24;
	s9 =	sadd.s32 $0x20, s28;
	s14 =	sor.u32 $0x200, s23;
	v6 =	vld [tilespmem:s30+$0x800]  }
0x70: {  	s15 =	sand.u32 $0x780, s22;
	s30 =	sor.u32 s29, s24;
	v7 =	vld [tilespmem:s14+$0x800];
	s14 =	sor.u32 $0x380, s23  }
0x71: {  	s26 =	sor.u32 s26, s15;
	s24 =	sadd.s32 $0x10, s28;
	s29 =	sor.u32 s29, s15;
	v8 =	vld [tilespmem:s14+$0x800]  }
0x72: {  	s2 =	sor.u32 s2, s15;
	s15 =	sor.u32 $0x280, s9;
	s14 =	sor.u32 $0x200, s9;
	v9 =	vld [tilespmem:s1+$0x180]  }
0x73: {  	p1 =	slt.u32 s19, $0x7C;
	s6 =	sor.u32 $0x380, s28;
	v10 =	vld [tilespmem:s25+$0x100]  }
0x74: {  	s7 =	sor.u32 $0x300, s28;
	v11 =	vld [tilespmem:s1+$0x100]  }
0x75: {  	v4 =	vld [tilespmem:s2+$0x0]  }
0x76: {  	s2 =	sor.u32 $0x200, s28;
	s28 =	sor.u32 $0x380, s24;
	v12 =	vld [tilespmem:s0+$0x0]  }
0x77: {  	v13 =	vld [tilespmem:s28+$0x800];
	s28 =	sor.u32 $0x300, s9;
	s9 =	sor.u32 $0x380, s9  }
0x78: {  	v14 =	vld [tilespmem:s1+$0x0]  }
0x79: {  	v11 =	vmul.f32 v11, v11;
	v15 =	vld [tilespmem:s30+$0x80]  }
0x7a: {  	v16 =	vld [tilespmem:s30+$0x180]  }
0x7b: {  	v12 =	vmul.f32 v12, v12;
	v17 =	vld [tilespmem:s0+$0x100];
	v11 =	vmul.f32 v11, v4  }
0x7c: {  	v18 =	vld [tilespmem:s1+$0x80];
	v13 =	vmul.f32 v13, v13  }
0x7d: {  	v12 =	vmul.f32 v12, v2;
	v19 =	vld [tilespmem:s30+$0x100]  }
0x7e: {  	v20 =	vmul.f32 v3, v3;
	v21 =	vld [tilespmem:s31+$0x800];
	v3 =	vmul.f32 v13, v4  }
0x7f: {  	v5 =	vmul.f32 v5, v5;
	v13 =	vld [tilespmem:s9+$0x800]  }
0x80: {  	v20 =	vmul.f32 v20, v2;
	v17 =	vmul.f32 v17, v17;
	v22 =	vld [tilespmem:s14+$0x800]  }
0x81: {  	v5 =	vmul.f32 v5, v2;
	v23 =	vld [tilespmem:s15+$0x800]  }
0x82: {  	v20 =	vshrl.u32 v20, $0x10;
	v12 =	vshrl.u32 v12, $0x10;
	v17 =	vmul.f32 v17, v2;
	v24 =	vld [tilespmem:s30+$0x0]  }
0x83: {  	v16 =	vmul.f32 v16, v16;
	v21 =	vmul.f32 v21, v21;
	v25 =	vld [tilespmem:s6+$0x800]  }
0x84: {  	v26 =	vshrl.u32 v5, $0x10;
	v19 =	vmul.f32 v19, v19;
	v27 =	vld [tilespmem:s29+$0x0]  }
0x85: {  	v15 =	vmul.f32 v15, v15;
	v5 =	vmul.f32 v21, v2;
	v21 =	vld [tilespmem:s7+$0x800]  }
0x86: {  	v8 =	vmul.f32 v8, v8;
	s0 =	sor.u32 $0x280, s24;
	v22 =	vmul.f32 v22, v22;
	v28 =	vld [tilespmem:s2+$0x800]  }
0x87: {  	v14 =	vmul.f32 v14, v14;
	v13 =	vmul.f32 v13, v13;
	v29 =	vld [tilespmem:s0+$0x800]  }
0x88: {  	v23 =	vmul.f32 v23, v23;
	[tilespmem:v12+s12+$0x0] =	vst.idx.add.s32.msk $0xffff, v1;
	v12 =	vmul.f32 v24, v24  }
0x89: {  	v9 =	vmul.f32 v9, v9;
	[tilespmem:v20+s12+$0x0] =	vst.idx.add.s32.msk $0xffff, v1;
	v16 =	vmul.f32 v16, v27  }
0x8a: {  	v18 =	vmul.f32 v18, v18;
	v12 =	vmul.f32 v12, v27;
	v20 =	vld [tilespmem:s25+$0x0]  }
0x8b: {  	v14 =	vmul.f32 v14, v4;
	v17 =	vshrl.u32 v17, $0x10;
	v22 =	vmul.f32 v22, v27;
	v24 =	vld [tilespmem:s25+$0x80]  }
0x8c: {  	v18 =	vmul.f32 v18, v4;
	v19 =	vmul.f32 v19, v27;
	v12 =	vshrl.u32 v12, $0x10;
	v30 =	vld [tilespmem:s25+$0x180]  }
0x8d: {  	v23 =	vmul.f32 v23, v27;
	v28 =	vmul.f32 v28, v28;
	v31 =	vld [tilespmem:s26+$0x0]  }
0x8e: {  	v9 =	vmul.f32 v9, v4;
	s0 =	sor.u32 $0x200, s24;
	v16 =	vshrl.u32 v16, $0x10;
	v29 =	vmul.f32 v29, v29;
	v32 =	vld [tilespmem:s28+$0x800]  }
0x8f: {  	v7 =	vmul.f32 v7, v7;
	v19 =	vshrl.u32 v19, $0x10;
	v33 =	vld [tilespmem:s0+$0x800];
	v20 =	vmul.f32 v20, v20  }
0x90: {  	v10 =	vmul.f32 v10, v10;
	v14 =	vshrl.u32 v14, $0x10;
	v15 =	vmul.f32 v15, v27;
	s0 =	sor.u32 $0x300, s24;
	[tilespmem:v17+s12+$0x0] =	vst.idx.add.s32.msk $0xffff, v1  }
0x91: {  	v6 =	vmul.f32 v6, v6;
	v18 =	vshrl.u32 v18, $0x10;
	v17 =	vld [tilespmem:s0+$0x800];
	v30 =	vmul.f32 v30, v30  }
0x92: {  	v11 =	vshrl.u32 v11, $0x10;
	v15 =	vshrl.u32 v15, $0x10;
	[tilespmem:v26+s12+$0x0] =	vst.idx.add.s32.msk $0xffff, v1;
	v10 =	vmul.f32 v10, v31  }
0x93: {  	v9 =	vshrl.u32 v9, $0x10;
	s0 =	sor.u32 $0x300, s23;
	v26 =	vmul.f32 v28, v2;
	[tilespmem:v12+s12+$0x0] =	vst.idx.add.s32.msk $0xffff, v1;
	v12 =	vmul.f32 v30, v31  }
0x94: {  	v24 =	vmul.f32 v24, v24;
	v6 =	vmul.f32 v6, v31;
	v28 =	vld [tilespmem:s0+$0x800]  }
0x95: {  	v8 =	vmul.f32 v8, v31;
	v30 =	vmul.f32 v33, v33;
	[tilespmem:v14+s12+$0x0] =	vst.idx.add.s32.msk $0xffff, v1  }
0x96: {  	v20 =	vmul.f32 v20, v31;
	v14 =	vshrl.u32 v26, $0x10;
	[tilespmem:v18+s12+$0x0] =	vst.idx.add.s32.msk $0xffff, v1;
	v18 =	vmul.f32 v32, v32  }
0x97: {  	v26 =	vmul.f32 v30, v4;
	[tilespmem:v15+s12+$0x0] =	vst.idx.add.s32.msk $0xffff, v1;
	v15 =	vshrl.u32 v22, $0x10;
	v22 =	vmul.f32 v24, v31  }
0x98: {  	v7 =	vmul.f32 v7, v31;
	v18 =	vmul.f32 v18, v27;
	[tilespmem:v19+s12+$0x0] =	vst.idx.add.s32.msk $0xffff, v1;
	v19 =	vshrl.u32 v20, $0x10  }
0x99: {  	v17 =	vmul.f32 v17, v17;
	v20 =	vmul.f32 v29, v4;
	[tilespmem:v11+s12+$0x0] =	vst.idx.add.s32.msk $0xffff, v1;
	v11 =	vshrl.u32 v26, $0x10  }
0x9a: {  	v10 =	vshrl.u32 v10, $0x10;
	[tilespmem:v9+s12+$0x0] =	vst.idx.add.s32.msk $0xffff, v1;
	v9 =	vmul.f32 v13, v27;
	v13 =	vmul.f32 v28, v28  }
0x9b: {  	v12 =	vshrl.u32 v12, $0x10;
	v4 =	vmul.f32 v17, v4;
	[tilespmem:v16+s12+$0x0] =	vst.idx.add.s32.msk $0xffff, v1;
	v16 =	vshrl.u32 v22, $0x10  }
0x9c: {  	v7 =	vshrl.u32 v7, $0x10;
	v17 =	vmul.f32 v21, v21;
	[tilespmem:v15+s12+$0x0] =	vst.idx.add.s32.msk $0xffff, v1;
	v13 =	vmul.f32 v13, v31  }
0x9d: {  	v6 =	vshrl.u32 v6, $0x10;
	v15 =	vmul.f32 v25, v25;
	[tilespmem:v14+s12+$0x0] =	vst.idx.add.s32.msk $0xffff, v1  }
0x9e: {  	v14 =	vmul.f32 v17, v2;
	[tilespmem:v11+s12+$0x0] =	vst.idx.add.s32.msk $0xffff, v1;
	v11 =	vshrl.u32 v13, $0x10  }
0x9f: {  	v8 =	vshrl.u32 v8, $0x10;
	v2 =	vmul.f32 v15, v2;
	v13 =	vshrl.u32 v20, $0x10;
	[tilespmem:v19+s12+$0x0] =	vst.idx.add.s32.msk $0xffff, v1  }
0xa0: {  	[tilespmem:v16+s12+$0x0] =	vst.idx.add.s32.msk $0xffff, v1  }
0xa1: {  	[tilespmem:v10+s12+$0x0] =	vst.idx.add.s32.msk $0xffff, v1  }
0xa2: {  	[tilespmem:v12+s12+$0x0] =	vst.idx.add.s32.msk $0xffff, v1  }
0xa3: {  	v10 =	vshrl.u32 v23, $0x10;
	[tilespmem:v7+s12+$0x0] =	vst.idx.add.s32.msk $0xffff, v1  }
0xa4: {  	v7 =	vshrl.u32 v18, $0x10;
	[tilespmem:v13+s12+$0x0] =	vst.idx.add.s32.msk $0xffff, v1  }
0xa5: {  	v9 =	vshrl.u32 v9, $0x10;
	[tilespmem:v6+s12+$0x0] =	vst.idx.add.s32.msk $0xffff, v1  }
0xa6: {  	v4 =	vshrl.u32 v4, $0x10;
	[tilespmem:v11+s12+$0x0] =	vst.idx.add.s32.msk $0xffff, v1  }
0xa7: {  	v3 =	vshrl.u32 v3, $0x10;
	[tilespmem:v8+s12+$0x0] =	vst.idx.add.s32.msk $0xffff, v1  }
0xa8: {  	v5 =	vshrl.u32 v5, $0x10;
	[tilespmem:v10+s12+$0x0] =	vst.idx.add.s32.msk $0xffff, v1  }
0xa9: {  	v6 =	vshrl.u32 v14, $0x10;
	[tilespmem:v7+s12+$0x0] =	vst.idx.add.s32.msk $0xffff, v1  }
.Ltmp1:
0xaa: {  	v2 =	vshrl.u32 v2, $0x10;
	[tilespmem:v9+s12+$0x0] =	vst.idx.add.s32.msk $0xffff, v1;
	(pc) =	sbr.rel @p1 .LBB2_5-.Ltmp1, $4  }
0xab: {  	[tilespmem:v4+s12+$0x0] =	vst.idx.add.s32.msk $0xffff, v1  }
0xac: {  	[tilespmem:v3+s12+$0x0] =	vst.idx.add.s32.msk $0xffff, v1  }
0xad: {  	s20 =	sadd.s32 $0x40, s20;
	[tilespmem:v5+s12+$0x0] =	vst.idx.add.s32.msk $0xffff, v1  }
0xae: {  	s22 =	sadd.s32 $0x40, s22;
	p0 =	por !p0, !p0;
	s21 =	sadd.s32 $0x200, s21;
	[tilespmem:v6+s12+$0x0] =	vst.idx.add.s32.msk $0xffff, v1  }
0xaf: {  	_ =	sdelay $0x3  }
0xb0: {  	[tilespmem:v2+s12+$0x0] =	vst.idx.add.s32.msk $0xffff, v1  }
0xb1: {  	p0 =	seq.s32 s17, $0xF;
	s23 =	simm.s32 $0x0;
	_ =	swait.ge [sflag:s13], $0x4000  }
0xb2: {  	s0 =	sadd.s32 @!p0 s18, s5;
	s1 =	simm.s32 @!p0 $0x0;
	[sflag:s13] =	ssyncset.done $0x0  }
0xb3: {  	s2 =	simm.s32 @!p0 $0x800;
	s24 =	sand.u32 $0x3C00, s23;
	[sflag:s13] =	ssyncadd.s32 $0xFFFFC000  }
0xb4: {  	[tilespmem:s2], [sflag:$0x1] =	stream.linear.gather @!p0 [hbm4b:s0+s1], $0x4000, $0x38;
	[tilespmem:$0x10800] =	vst v63  }
0xb5: {  	s6 =	sand.u32 $0x40, s23;
	s2 =	sadd.s32 $0x4800, s24  }
0xb6: {  	v2 =	vld [tilespmem:s23+$0x0];
	s7 =	sor.u32 s6, s2  }
0xb7: {  	s25 =	sor.u32 $0x10, s6;
	v8 =	vld [tilespmem:s7+$0x180]  }
0xb8: {  	s20 =	sor.u32 s25, s2;
	v5 =	vld [tilespmem:s7+$0x80]  }
0xb9: {  	v11 =	vld [tilespmem:s20+$0x180]  }
0xba: {  	v13 =	vld [tilespmem:s20+$0x100]  }
0xbb: {  	p0 =	por $0x0, $0x0;
	s1 =	simm.s32 $0x1;
	v14 =	vld [tilespmem:s7+$0x0]  }
0xbc: {  	s15 =	sor.u32 $0x30, s6;
	s1 =	simm.s32 @!p0 $0x0;
	v15 =	vld [tilespmem:s20+$0x0]  }
0xbd: {  	s0 =	sand.u32 $0x780, s23;
	s6 =	sor.u32 $0x20, s6;
	s1 =	sshll.u32 s1, $0x6;
	v18 =	vld [tilespmem:s7+$0x100]  }
0xbe: {  	v19 =	vld [tilespmem:s20+$0x80];
	s24 =	sor.u32 s6, s0;
	s1 =	sadd.s32 $0x0, s1  }
0xbf: {  	v26 =	vld [tilespmem:s24+$0x0];
	s18 =	sadd.s32 $0x30, s1;
	s29 =	sor.u32 $0x280, s1  }
0xc0: {  	s9 =	sor.u32 $0x280, s18;
	v6 =	vld [tilespmem:s29+$0x4800]  }
0xc1: {  	s14 =	sor.u32 $0x200, s18;
	v9 =	vld [tilespmem:s9+$0x4800]  }
0xc2: {  	s19 =	sadd.s32 $0x10, s1;
	s26 =	sor.u32 $0x380, s18;
	v10 =	vld [tilespmem:s14+$0x4800]  }
0xc3: {  	s30 =	sadd.s32 $0x20, s1;
	s28 =	sor.u32 $0x380, s19;
	v7 =	vld [tilespmem:s26+$0x4800]  }
0xc4: {  	s31 =	sor.u32 $0x380, s30;
	v4 =	vld [tilespmem:s28+$0x4800]  }
0xc5: {  	s21 =	sor.u32 $0x200, s30;
	v21 =	vld [tilespmem:s31+$0x4800]  }
0xc6: {  	s22 =	sor.u32 $0x280, s30;
	v22 =	vld [tilespmem:s21+$0x4800]  }
0xc7: {  	s29 =	sor.u32 $0x200, s19;
	v23 =	vld [tilespmem:s22+$0x4800]  }
0xc8: {  	s14 =	sor.u32 s15, s2;
	v33 =	vld [tilespmem:s29+$0x4800]  }
0xc9: {  	s9 =	sor.u32 s25, s0;
	v12 =	vld [tilespmem:s14+$0x100]  }
0xca: {  	s2 =	sor.u32 s6, s2;
	v3 =	vld [tilespmem:s9+$0x0]  }
0xcb: {  	v16 =	vld [tilespmem:s2+$0x80]  }
0xcc: {  	v17 =	vld [tilespmem:s2+$0x180]  }
0xcd: {  	v20 =	vld [tilespmem:s2+$0x100]  }
0xce: {  	s25 =	sor.u32 $0x300, s1;
	v25 =	vld [tilespmem:s2+$0x0]  }
0xcf: {  	s23 =	sor.u32 $0x380, s1;
	s1 =	sor.u32 $0x200, s1;
	v27 =	vld [tilespmem:s25+$0x4800]  }
0xd0: {  	s26 =	sor.u32 $0x280, s19;
	v14 =	vmul.f32 v14, v14;
	v28 =	vld [tilespmem:s1+$0x4800]  }
0xd1: {  	v5 =	vmul.f32 v5, v5;
	v29 =	vld [tilespmem:s26+$0x4800]  }
0xd2: {  	v18 =	vmul.f32 v18, v18;
	v60 =	vld [tilespmem:s14+$0x0];
	v14 =	vmul.f32 v14, v2  }
0xd3: {  	v8 =	vmul.f32 v8, v8;
	v61 =	vld [tilespmem:s14+$0x80];
	v15 =	vmul.f32 v15, v15  }
0xd4: {  	s0 =	sor.u32 s15, s0;
	v30 =	vld [tilespmem:s14+$0x180];
	v19 =	vmul.f32 v19, v19;
	v24 =	vmul.f32 v5, v2;
	v14 =	vshrl.u32 v14, $0x10  }
0xd5: {  	s28 =	sor.u32 $0x300, s30;
	v31 =	vld [tilespmem:s0+$0x0];
	v13 =	vmul.f32 v13, v13;
	v15 =	vmul.f32 v15, v3  }
0xd6: {  	s30 =	sor.u32 $0x300, s19;
	v32 =	vld [tilespmem:s28+$0x4800];
	v24 =	vshrl.u32 v24, $0x10;
	v59 =	vmul.f32 v25, v25;
	v19 =	vmul.f32 v19, v3  }
0xd7: {  	v11 =	vmul.f32 v11, v11;
	v35 =	vld [tilespmem:s30+$0x4800];
	v58 =	vmul.f32 v18, v2;
	v62 =	vshrl.u32 v15, $0x10  }
0xd8: {  	v5 =	vld [tilespmem:s23+$0x4800];
	v8 =	vmul.f32 v8, v2;
	v18 =	vmul.f32 v59, v26;
	v19 =	vshrl.u32 v19, $0x10  }
0xd9: {  	s31 =	sor.u32 $0x300, s18;
	v16 =	vmul.f32 v16, v16;
	v13 =	vmul.f32 v13, v3;
	[tilespmem:v14+s12+$0x0] =	vst.idx.add.s32.msk $0xffff, v1;
	v14 =	vshrl.u32 v58, $0x10  }
0xda: {  	v39 =	vld [tilespmem:s31+$0x4800];
	v40 =	vmul.f32 v33, v33;
	v20 =	vmul.f32 v20, v20;
	v18 =	vshrl.u32 v18, $0x10  }
0xdb: {  	v17 =	vmul.f32 v17, v17;
	v63 =	vmul.f32 v16, v26;
	v13 =	vshrl.u32 v13, $0x10;
	[tilespmem:v24+s12+$0x0] =	vst.idx.add.s32.msk $0xffff, v1  }
0xdc: {  	v8 =	vshrl.u32 v8, $0x10;
	v11 =	vmul.f32 v11, v3;
	v42 =	vmul.f32 v60, v60;
	[tilespmem:v62+s12+$0x0] =	vst.idx.add.s32.msk $0xffff, v1  }
0xdd: {  	v34 =	vmul.f32 v20, v26;
	v17 =	vmul.f32 v17, v26;
	v36 =	vshrl.u32 v63, $0x10;
	[tilespmem:v19+s12+$0x0] =	vst.idx.add.s32.msk $0xffff, v1  }
0xde: {  	v43 =	vmul.f32 v61, v61;
	v44 =	vmul.f32 v40, v3;
	v11 =	vshrl.u32 v11, $0x10;
	[tilespmem:v14+s12+$0x0] =	vst.idx.add.s32.msk $0xffff, v1  }
0xdf: {  	v16 =	vshrl.u32 v34, $0x10;
	v41 =	vshrl.u32 v17, $0x10;
	v17 =	vmul.f32 v42, v31;
	[tilespmem:v18+s12+$0x0] =	vst.idx.add.s32.msk $0xffff, v1  }
0xe0: {  	v37 =	vmul.f32 v22, v22;
	v49 =	vshrl.u32 v44, $0x10;
	[tilespmem:v13+s12+$0x0] =	vst.idx.add.s32.msk $0xffff, v1  }
0xe1: {  	v12 =	vmul.f32 v12, v12;
	v48 =	vmul.f32 v43, v31;
	v17 =	vshrl.u32 v17, $0x10;
	[tilespmem:v8+s12+$0x0] =	vst.idx.add.s32.msk $0xffff, v1  }
0xe2: {  	v50 =	vmul.f32 v29, v29;
	v15 =	vmul.f32 v37, v26;
	[tilespmem:v36+s12+$0x0] =	vst.idx.add.s32.msk $0xffff, v1  }
0xe3: {  	v38 =	vmul.f32 v28, v28;
	v12 =	vmul.f32 v12, v31;
	v51 =	vshrl.u32 v48, $0x10;
	[tilespmem:v11+s12+$0x0] =	vst.idx.add.s32.msk $0xffff, v1  }
0xe4: {  	v54 =	vmul.f32 v23, v23;
	v52 =	vmul.f32 v50, v3;
	v45 =	vshrl.u32 v15, $0x10;
	[tilespmem:v16+s12+$0x0] =	vst.idx.add.s32.msk $0xffff, v1  }
0xe5: {  	v12 =	vshrl.u32 v12, $0x10;
	v58 =	vmul.f32 v35, v35;
	v18 =	vmul.f32 v38, v2;
	[tilespmem:v49+s12+$0x0] =	vst.idx.add.s32.msk $0xffff, v1  }
0xe6: {  	v55 =	vmul.f32 v32, v32;
	v13 =	vmul.f32 v54, v26;
	v8 =	vshrl.u32 v52, $0x10;
	[tilespmem:v17+s12+$0x0] =	vst.idx.add.s32.msk $0xffff, v1  }
0xe7: {  	v4 =	vmul.f32 v4, v4;
	v59 =	vmul.f32 v58, v3;
	v46 =	vshrl.u32 v18, $0x10;
	[tilespmem:v41+s12+$0x0] =	vst.idx.add.s32.msk $0xffff, v1  }
0xe8: {  	v6 =	vmul.f32 v6, v6;
	v57 =	vmul.f32 v55, v26;
	v13 =	vshrl.u32 v13, $0x10;
	[tilespmem:v51+s12+$0x0] =	vst.idx.add.s32.msk $0xffff, v1  }
0xe9: {  	v47 =	vmul.f32 v30, v30;
	v3 =	vmul.f32 v4, v3;
	v63 =	vshrl.u32 v59, $0x10;
	[tilespmem:v45+s12+$0x0] =	vst.idx.add.s32.msk $0xffff, v1  }
0xea: {  	v56 =	vmul.f32 v21, v21;
	v6 =	vmul.f32 v6, v2;
	v60 =	vshrl.u32 v57, $0x10;
	[tilespmem:v12+s12+$0x0] =	vst.idx.add.s32.msk $0xffff, v1  }
0xeb: {  	v61 =	vmul.f32 v27, v27;
	v3 =	vshrl.u32 v3, $0x10;
	v16 =	vmul.f32 v47, v31;
	[tilespmem:v8+s12+$0x0] =	vst.idx.add.s32.msk $0xffff, v1  }
0xec: {  	v10 =	vmul.f32 v10, v10;
	v6 =	vshrl.u32 v6, $0x10;
	v14 =	vmul.f32 v56, v26;
	[tilespmem:v46+s12+$0x0] =	vst.idx.add.s32.msk $0xffff, v1  }
0xed: {  	v9 =	vmul.f32 v9, v9;
	v4 =	vmul.f32 v61, v2;
	v16 =	vshrl.u32 v16, $0x10;
	[tilespmem:v13+s12+$0x0] =	vst.idx.add.s32.msk $0xffff, v1  }
0xee: {  	v53 =	vmul.f32 v39, v39;
	v10 =	vmul.f32 v10, v31;
	v62 =	vshrl.u32 v14, $0x10;
	[tilespmem:v63+s12+$0x0] =	vst.idx.add.s32.msk $0xffff, v1  }
0xef: {  	v7 =	vmul.f32 v7, v7;
	v9 =	vmul.f32 v9, v31;
	v4 =	vshrl.u32 v4, $0x10;
	[tilespmem:v60+s12+$0x0] =	vst.idx.add.s32.msk $0xffff, v1  }
0xf0: {  	v10 =	vshrl.u32 v10, $0x10;
	v11 =	vmul.f32 v53, v31;
	[tilespmem:v3+s12+$0x0] =	vst.idx.add.s32.msk $0xffff, v1  }
0xf1: {  	v7 =	vmul.f32 v7, v31;
	v5 =	vmul.f32 v5, v5;
	v9 =	vshrl.u32 v9, $0x10;
	[tilespmem:v6+s12+$0x0] =	vst.idx.add.s32.msk $0xffff, v1  }
0xf2: {  	v11 =	vshrl.u32 v11, $0x10;
	[tilespmem:v16+s12+$0x0] =	vst.idx.add.s32.msk $0xffff, v1  }
0xf3: {  	v7 =	vshrl.u32 v7, $0x10;
	v2 =	vmul.f32 v5, v2;
	[tilespmem:v62+s12+$0x0] =	vst.idx.add.s32.msk $0xffff, v1  }
0xf4: {  	[tilespmem:v4+s12+$0x0] =	vst.idx.add.s32.msk $0xffff, v1  }
0xf5: {  	v2 =	vshrl.u32 v2, $0x10;
	[tilespmem:v10+s12+$0x0] =	vst.idx.add.s32.msk $0xffff, v1  }
0xf6: {  	[tilespmem:v9+s12+$0x0] =	vst.idx.add.s32.msk $0xffff, v1  }
0xf7: {  	p0 =	por !p0, !p0;
	s20 =	simm.s32 $0x200;
	[tilespmem:v11+s12+$0x0] =	vst.idx.add.s32.msk $0xffff, v1  }
0xf8: {  	s18 =	simm.s32 $0x0;
	s19 =	simm.s32 $0x40;
	s21 =	simm.s32 $0x40;
	[tilespmem:v7+s12+$0x0] =	vst.idx.add.s32.msk $0xffff, v1  }
.LBB2_7:
0xf9: {  	s0 =	simm.s32 $0x1  }
0xfa: {  	s1 =	sand.u32 $0x3C00, s20;
	s18 =	sadd.s32 $0x4, s18;
	[tilespmem:v2+s12+$0x0] =	vst.idx.add.s32.msk $0xffff, v1;
	s0 =	simm.s32 @!p0 $0x0  }
0xfb: {  	s2 =	sand.u32 $0x40, s21;
	s1 =	sadd.s32 $0x4800, s1;
	s0 =	sshll.u32 s0, $0x6  }
0xfc: {  	s7 =	sor.u32 $0x30, s2;
	s6 =	sor.u32 s2, s1;
	s0 =	sadd.s32 s0, s20;
	v2 =	vld [tilespmem:s19+$0x0]  }
0xfd: {  	s9 =	sor.u32 $0x10, s2;
	v5 =	vld [tilespmem:s6+$0x180];
	s30 =	sor.u32 $0x280, s0;
	s22 =	sadd.s32 $0x30, s0  }
0xfe: {  	s14 =	sor.u32 s9, s1;
	s2 =	sor.u32 $0x20, s2;
	v3 =	vld [tilespmem:s6+$0x80];
	s15 =	sor.u32 $0x280, s22  }
0xff: {  	s24 =	sor.u32 s7, s1;
	s31 =	sadd.s32 $0x20, s0;
	s23 =	sor.u32 $0x200, s22;
	v6 =	vld [tilespmem:s15+$0x4800]  }
0x100: {  	s29 =	sor.u32 s2, s1;
	s1 =	sor.u32 $0x380, s22;
	s15 =	sand.u32 $0x780, s21;
	v7 =	vld [tilespmem:s23+$0x4800]  }
0x101: {  	s23 =	sadd.s32 $0x10, s0;
	s28 =	sor.u32 s2, s15;
	s25 =	sor.u32 s7, s15;
	v8 =	vld [tilespmem:s1+$0x4800]  }
0x102: {  	s2 =	sor.u32 $0x200, s31;
	s7 =	sor.u32 $0x280, s31;
	s1 =	sor.u32 s9, s15;
	v9 =	vld [tilespmem:s14+$0x180]  }
0x103: {  	p1 =	slt.u32 s18, $0x7C;
	s9 =	sor.u32 $0x380, s0;
	v10 =	vld [tilespmem:s24+$0x100]  }
0x104: {  	s15 =	sor.u32 $0x300, s0;
	v11 =	vld [tilespmem:s14+$0x100]  }
0x105: {  	v4 =	vld [tilespmem:s1+$0x0]  }
0x106: {  	s0 =	sor.u32 $0x200, s0;
	s1 =	sor.u32 $0x380, s23;
	v12 =	vld [tilespmem:s6+$0x0]  }
0x107: {  	s26 =	sor.u32 $0x300, s31;
	v13 =	vld [tilespmem:s1+$0x4800];
	s1 =	sor.u32 $0x380, s31  }
0x108: {  	v14 =	vld [tilespmem:s14+$0x0]  }
0x109: {  	v11 =	vmul.f32 v11, v11;
	v15 =	vld [tilespmem:s29+$0x80]  }
0x10a: {  	v16 =	vld [tilespmem:s29+$0x180]  }
0x10b: {  	v12 =	vmul.f32 v12, v12;
	v17 =	vld [tilespmem:s6+$0x100];
	v11 =	vmul.f32 v11, v4  }
0x10c: {  	v18 =	vld [tilespmem:s14+$0x80];
	v13 =	vmul.f32 v13, v13  }
0x10d: {  	v12 =	vmul.f32 v12, v2;
	v19 =	vld [tilespmem:s29+$0x100]  }
0x10e: {  	v20 =	vmul.f32 v3, v3;
	v21 =	vld [tilespmem:s30+$0x4800];
	v3 =	vmul.f32 v13, v4  }
0x10f: {  	v5 =	vmul.f32 v5, v5;
	v13 =	vld [tilespmem:s1+$0x4800]  }
0x110: {  	v20 =	vmul.f32 v20, v2;
	v17 =	vmul.f32 v17, v17;
	v22 =	vld [tilespmem:s2+$0x4800]  }
0x111: {  	v5 =	vmul.f32 v5, v2;
	v23 =	vld [tilespmem:s7+$0x4800]  }
0x112: {  	v20 =	vshrl.u32 v20, $0x10;
	v12 =	vshrl.u32 v12, $0x10;
	v17 =	vmul.f32 v17, v2;
	v24 =	vld [tilespmem:s29+$0x0]  }
0x113: {  	v16 =	vmul.f32 v16, v16;
	v21 =	vmul.f32 v21, v21;
	v25 =	vld [tilespmem:s9+$0x4800]  }
0x114: {  	v26 =	vshrl.u32 v5, $0x10;
	v19 =	vmul.f32 v19, v19;
	v27 =	vld [tilespmem:s28+$0x0]  }
0x115: {  	v15 =	vmul.f32 v15, v15;
	v5 =	vmul.f32 v21, v2;
	v21 =	vld [tilespmem:s15+$0x4800]  }
0x116: {  	v8 =	vmul.f32 v8, v8;
	v22 =	vmul.f32 v22, v22;
	v28 =	vld [tilespmem:s0+$0x4800];
	s0 =	sor.u32 $0x280, s23  }
0x117: {  	v14 =	vmul.f32 v14, v14;
	v13 =	vmul.f32 v13, v13;
	v29 =	vld [tilespmem:s0+$0x4800]  }
0x118: {  	v23 =	vmul.f32 v23, v23;
	[tilespmem:v12+s12+$0x0] =	vst.idx.add.s32.msk $0xffff, v1;
	v12 =	vmul.f32 v24, v24  }
0x119: {  	v9 =	vmul.f32 v9, v9;
	[tilespmem:v20+s12+$0x0] =	vst.idx.add.s32.msk $0xffff, v1;
	v16 =	vmul.f32 v16, v27  }
0x11a: {  	v18 =	vmul.f32 v18, v18;
	v12 =	vmul.f32 v12, v27;
	v20 =	vld [tilespmem:s24+$0x0]  }
0x11b: {  	v14 =	vmul.f32 v14, v4;
	v17 =	vshrl.u32 v17, $0x10;
	v22 =	vmul.f32 v22, v27;
	v24 =	vld [tilespmem:s24+$0x80]  }
0x11c: {  	v18 =	vmul.f32 v18, v4;
	v19 =	vmul.f32 v19, v27;
	v12 =	vshrl.u32 v12, $0x10;
	v30 =	vld [tilespmem:s24+$0x180]  }
0x11d: {  	v23 =	vmul.f32 v23, v27;
	v28 =	vmul.f32 v28, v28;
	v31 =	vld [tilespmem:s25+$0x0]  }
0x11e: {  	v9 =	vmul.f32 v9, v4;
	s0 =	sor.u32 $0x200, s23;
	v16 =	vshrl.u32 v16, $0x10;
	v29 =	vmul.f32 v29, v29;
	v32 =	vld [tilespmem:s26+$0x4800]  }
0x11f: {  	v7 =	vmul.f32 v7, v7;
	v19 =	vshrl.u32 v19, $0x10;
	v33 =	vld [tilespmem:s0+$0x4800];
	v20 =	vmul.f32 v20, v20  }
0x120: {  	v10 =	vmul.f32 v10, v10;
	v14 =	vshrl.u32 v14, $0x10;
	v15 =	vmul.f32 v15, v27;
	s0 =	sor.u32 $0x300, s23;
	[tilespmem:v17+s12+$0x0] =	vst.idx.add.s32.msk $0xffff, v1  }
0x121: {  	v6 =	vmul.f32 v6, v6;
	v18 =	vshrl.u32 v18, $0x10;
	v17 =	vld [tilespmem:s0+$0x4800];
	v30 =	vmul.f32 v30, v30  }
0x122: {  	v11 =	vshrl.u32 v11, $0x10;
	v15 =	vshrl.u32 v15, $0x10;
	[tilespmem:v26+s12+$0x0] =	vst.idx.add.s32.msk $0xffff, v1;
	v10 =	vmul.f32 v10, v31  }
0x123: {  	v9 =	vshrl.u32 v9, $0x10;
	s0 =	sor.u32 $0x300, s22;
	v26 =	vmul.f32 v28, v2;
	[tilespmem:v12+s12+$0x0] =	vst.idx.add.s32.msk $0xffff, v1;
	v12 =	vmul.f32 v30, v31  }
0x124: {  	v24 =	vmul.f32 v24, v24;
	v6 =	vmul.f32 v6, v31;
	v28 =	vld [tilespmem:s0+$0x4800]  }
0x125: {  	v8 =	vmul.f32 v8, v31;
	v30 =	vmul.f32 v33, v33;
	[tilespmem:v14+s12+$0x0] =	vst.idx.add.s32.msk $0xffff, v1  }
0x126: {  	v20 =	vmul.f32 v20, v31;
	v14 =	vshrl.u32 v26, $0x10;
	[tilespmem:v18+s12+$0x0] =	vst.idx.add.s32.msk $0xffff, v1;
	v18 =	vmul.f32 v32, v32  }
0x127: {  	v26 =	vmul.f32 v30, v4;
	[tilespmem:v15+s12+$0x0] =	vst.idx.add.s32.msk $0xffff, v1;
	v15 =	vshrl.u32 v22, $0x10;
	v22 =	vmul.f32 v24, v31  }
0x128: {  	v7 =	vmul.f32 v7, v31;
	v18 =	vmul.f32 v18, v27;
	[tilespmem:v19+s12+$0x0] =	vst.idx.add.s32.msk $0xffff, v1;
	v19 =	vshrl.u32 v20, $0x10  }
0x129: {  	v17 =	vmul.f32 v17, v17;
	v20 =	vmul.f32 v29, v4;
	[tilespmem:v11+s12+$0x0] =	vst.idx.add.s32.msk $0xffff, v1;
	v11 =	vshrl.u32 v26, $0x10  }
0x12a: {  	v10 =	vshrl.u32 v10, $0x10;
	[tilespmem:v9+s12+$0x0] =	vst.idx.add.s32.msk $0xffff, v1;
	v9 =	vmul.f32 v13, v27;
	v13 =	vmul.f32 v28, v28  }
0x12b: {  	v12 =	vshrl.u32 v12, $0x10;
	v4 =	vmul.f32 v17, v4;
	[tilespmem:v16+s12+$0x0] =	vst.idx.add.s32.msk $0xffff, v1;
	v16 =	vshrl.u32 v22, $0x10  }
0x12c: {  	v7 =	vshrl.u32 v7, $0x10;
	v17 =	vmul.f32 v21, v21;
	[tilespmem:v15+s12+$0x0] =	vst.idx.add.s32.msk $0xffff, v1;
	v13 =	vmul.f32 v13, v31  }
0x12d: {  	v6 =	vshrl.u32 v6, $0x10;
	v15 =	vmul.f32 v25, v25;
	[tilespmem:v14+s12+$0x0] =	vst.idx.add.s32.msk $0xffff, v1  }
0x12e: {  	v14 =	vmul.f32 v17, v2;
	[tilespmem:v11+s12+$0x0] =	vst.idx.add.s32.msk $0xffff, v1;
	v11 =	vshrl.u32 v13, $0x10  }
0x12f: {  	v8 =	vshrl.u32 v8, $0x10;
	v2 =	vmul.f32 v15, v2;
	v13 =	vshrl.u32 v20, $0x10;
	[tilespmem:v19+s12+$0x0] =	vst.idx.add.s32.msk $0xffff, v1  }
0x130: {  	[tilespmem:v16+s12+$0x0] =	vst.idx.add.s32.msk $0xffff, v1  }
0x131: {  	[tilespmem:v10+s12+$0x0] =	vst.idx.add.s32.msk $0xffff, v1  }
0x132: {  	[tilespmem:v12+s12+$0x0] =	vst.idx.add.s32.msk $0xffff, v1  }
0x133: {  	v10 =	vshrl.u32 v23, $0x10;
	[tilespmem:v7+s12+$0x0] =	vst.idx.add.s32.msk $0xffff, v1  }
0x134: {  	v7 =	vshrl.u32 v18, $0x10;
	[tilespmem:v13+s12+$0x0] =	vst.idx.add.s32.msk $0xffff, v1  }
0x135: {  	v9 =	vshrl.u32 v9, $0x10;
	[tilespmem:v6+s12+$0x0] =	vst.idx.add.s32.msk $0xffff, v1  }
0x136: {  	v4 =	vshrl.u32 v4, $0x10;
	[tilespmem:v11+s12+$0x0] =	vst.idx.add.s32.msk $0xffff, v1  }
0x137: {  	v3 =	vshrl.u32 v3, $0x10;
	[tilespmem:v8+s12+$0x0] =	vst.idx.add.s32.msk $0xffff, v1  }
0x138: {  	v5 =	vshrl.u32 v5, $0x10;
	[tilespmem:v10+s12+$0x0] =	vst.idx.add.s32.msk $0xffff, v1  }
0x139: {  	v6 =	vshrl.u32 v14, $0x10;
	[tilespmem:v7+s12+$0x0] =	vst.idx.add.s32.msk $0xffff, v1  }
.Ltmp2:
0x13a: {  	v2 =	vshrl.u32 v2, $0x10;
	[tilespmem:v9+s12+$0x0] =	vst.idx.add.s32.msk $0xffff, v1;
	(pc) =	sbr.rel @p1 .LBB2_7-.Ltmp2, $4  }
0x13b: {  	[tilespmem:v4+s12+$0x0] =	vst.idx.add.s32.msk $0xffff, v1  }
0x13c: {  	[tilespmem:v3+s12+$0x0] =	vst.idx.add.s32.msk $0xffff, v1  }
0x13d: {  	s19 =	sadd.s32 $0x40, s19;
	[tilespmem:v5+s12+$0x0] =	vst.idx.add.s32.msk $0xffff, v1  }
0x13e: {  	p0 =	por !p0, !p0;
	s20 =	sadd.s32 $0x200, s20;
	s21 =	sadd.s32 $0x40, s21;
	[tilespmem:v6+s12+$0x0] =	vst.idx.add.s32.msk $0xffff, v1  }
0x13f: {  	s17 =	sadd.s32 $0x1, s17  }
0x140: {  	p0 =	sne.s32 s17, $0x10  }
.Ltmp3:
0x141: {  	_ = 	snop;
	(pc) =	sbr.rel @p0 .LBB2_4-.Ltmp3, $2  }
0x142: {  	_ =	sdelay $0x2  }
0x143: {  	[tilespmem:v2+s12+$0x0] =	vst.idx.add.s32.msk $0xffff, v1  }
0x144: {  	s0 =	rddreg [dreg:$0x4];
	s1 =	simm.s32 $0x80;
	s2 =	simm.s32 $0x400  }
0x145: {  	[hbm4b:s0+s1] =	stream.strided.scatter [tilespmem:s12], [sflag:$0x3], $0x8000, s2, s1, $0x38;
	[tilespmem:$0x10800] =	vst v63  }
0x146: {  	_ =	swait.ge [sflag:s8], $0x8000  }
0x147: {  	s3 =	sadd.s32 $0x1, s3;
	s31 =	rddreg [dreg:$0x5]  }
0x148: {  	p0 =	sne.s32 s3, s31  }
.Ltmp4:
0x149: {  	_ = 	snop;
	(pc) =	sbr.rel @p0 .LBB2_1-.Ltmp4, $3  }
0x14a: {  	_ =	sdelay $0x1  }
0x14b: {  	[sflag:s8] =	ssyncset.done $0x0  }
0x14c: {  	[sflag:s8] =	ssyncadd.s32 $0xFFFF8000  }
0x14d: {  	_ =	sfence.sel $0x180000  }
0x14e: {  	[bflag:$0x0] =	sbarrier.arrive $0xFFFF  }
0x14f: {  	_ =	strace $0x9000004A  }
0x150: {  	s0 =	stileid.u32;
	[bflag:$0x2] =	sbarrier.arrive $0xFFFF  }
0x151: {  	p0 =	sne.s32 s0, $0x0;
	s0 =	rddreg [dreg:$0x3]  }
0x152: {  	s0 =	sadd.s32 @!p0 $0x100000, s0  }
0x153: {  	[sflag:s0] =	ssyncadd.tile.s32 @!p0 $0x1;
	_ =	shalt  }
.Lfunc_end2:
_tile_overlayer_lowered:
.L_overlay_start_2:
0x154: {  	(tag) =	ssettag $0x2  }
0x155: {  	s0 =	rddreg [dreg:$0x0];
	s2 =	stileid.u32  }
0x156: {  	s1 =	rddreg [dreg:$0x1];
	p0 =	sne.s32 s2, $0x0  }
0x157: {  	s3 =	rddreg [dreg:$0x2];
	[bflag:$0x3] =	sbarrier.arrive $0xFFFF;
	s2 =	simm.s32 @!p0 $0x1C03  }
0x158: {  	[timem:s3], [sflag:s2] =	dma.local @!p0 [hbm:s0], s1  }
0x159: {  	s0 =	simm.s32 @!p0 $0x3  }
0x15a: {  	_ =	swait.ge @!p0 [sflag:s0], s1  }
0x15b: {  	s1 =	ssub.s32 @!p0 $0x0, s1;
	[sflag:s0] =	ssyncset.done @!p0 $0x0  }
0x15c: {  	[sflag:s0] =	ssyncadd.s32 @!p0 s1  }
0x15d: {  	[bflag:$0x3] =	sbarrier.arrive $0xFFFF  }
0x15e: {  	_ =	shalt  }

// kernel: kernel.13.cloned.1.call-start
scs
__scs_entry_jumppad:
0x0: {  	(pc) =	sbr.rel $0x88, $3  }
0x1: {  	(tag) =	ssettag $0x0;
	lr =	simm.s32 $0x1  }
0x2: {  	[smem:$0x3F9F] =	sst lr;
	_ =	strace $0xD0000000  }
0x3: {  	_ = 	snop  }
0x4: {  	_ = 	snop  }
0x5: {  	_ = 	snop  }
0x6: {  	_ = 	snop  }
0x7: {  	_ = 	snop  }
__scs_overlays_trampoline_lowered:
0x8: {  	[smem:$0x3FAE] =	sst s0  }
0x9: {  	[smem:$0x3FAF] =	sst s1  }
0xa: {  	[smem:$0x3FB0] =	sst s2  }
0xb: {  	[smem:$0x3FB1] =	sst s3  }
0xc: {  	[smem:$0x3FB2] =	sst s4  }
0xd: {  	[smem:$0x3FB3] =	sst s5  }
0xe: {  	[smem:$0x3FB4] =	sst s6  }
0xf: {  	[smem:$0x3FB5] =	sst s7  }
0x10: {  	[smem:$0x3FB6] =	sst s8  }
0x11: {  	[smem:$0x3FB7] =	sst s9;
	s0 =	simm.s32 @!p0 $0x0  }
0x12: {  	s1 =	sld [smem:$0x3F9D];
	s0 =	simm.s32 @p0 $0x1  }
0x13: {  	[smem:$0x3FB8] =	sst s0;
	s0 =	simm.s32 @!p1 $0x0  }
0x14: {  	s2 =	sld [smem:$0x3F9C];
	s0 =	simm.s32 @p1 $0x1  }
0x15: {  	[smem:$0x3FB9] =	sst s0;
	s0 =	simm.s32 @!p2 $0x0  }
0x16: {  	s3 =	sld [smem:$0x3FDB];
	s0 =	simm.s32 @p2 $0x1  }
0x17: {  	s4 =	simm.s32 $0x1BF5;
	[smem:$0x3FBB] =	sst s0  }
0x18: {  	s0 =	sld [smem:$0x3F9E];
	_ =	swait.ge [sflag:s4], $0x0  }
0x19: {  	s7 =	sld [smem:$0x3F9F]  }
0x1a: {  	s8 =	sadd.s32 $0xFFFFE003, lr  }
0x1b: {  	s9 =	sadd.s32 $0xFFFFFEF7, lr;
	s5 =	simm.s32 $0xFFFFFFFF;
	p2 =	slt.u32 s8, $0xFFFFF086  }
0x1c: {  	p1 =	slt.u32 s9, $0xF7A;
	s5 =	simm.s32 @!p2 $0x0  }
0x1d: {  	s5 =	simm.s32 @p1 $0x1;
	p0 =	seq.s32 s7, s2  }
0x1e: {  	s7 =	smul.u32 @!p0 $0xF7A, s2;
	p2 =	seq.s32 @!p0 s5, $0x0  }
0x1f: {  	s9 =	smul.u32 $0xF7A, s1;
	s8 =	simm.s32 @!p0 $0x1BF5;
	p2 =	por !p2, p0  }
0x20: {  	[sflag:s8] =	ssyncset.s32 @!p0 $0xFFFFF086;
	s6 =	sadd.s32 @!p0 s3, s7;
	s7 =	simm.s32 @!p0 $0x108  }
0x21: {  	s3 =	sadd.s32 s3, s9;
	s6 =	sadd.s32 @!p0 $0x88, s6;
	s7 =	simm.s32 @p2 $0x1082  }
0x22: {  	[simem:s7], [sflag:s8] =	dma.local @!p0 [hbm:s6], $0xF7A  }
0x23: {  	s9 =	sor.u32 $0xD0000000, s2;
	s6 =	simm.s32 $0x108;
	_ =	swait.ge @!p0 [sflag:s8], $0x0  }
0x24: {  	s3 =	sadd.s32 $0x88, s3;
	s6 =	simm.s32 @!p1 $0x1082;
	[sflag:s4] =	ssyncset.s32 $0xFFFFF086  }
0x25: {  	[simem:s6], [sflag:s4] =	dma.local [hbm:s3], $0xF7A  }
0x26: {  	[smem:$0x3F9F] =	sst s1;
	(tag) =	ssettag s2;
	_ =	strace s9  }
0x27: {  	s1 =	sld [smem:$0x3FAF]  }
0x28: {  	s2 =	sld [smem:$0x3FB0]  }
0x29: {  	s4 =	sld [smem:$0x3FB2]  }
0x2a: {  	p0 =	seq.s32 s5, $0x0;
	s5 =	sld [smem:$0x3FB3]  }
0x2b: {  	s6 =	sld [smem:$0x3FB4]  }
0x2c: {  	s7 =	sld [smem:$0x3FB5]  }
0x2d: {  	s3 =	simm.s32 $0x108;
	s8 =	sld [smem:$0x3FB6]  }
0x2e: {  	s3 =	simm.s32 @!p0 $0x1082;
	s9 =	sld [smem:$0x3FB7]  }
0x2f: {  	lr =	sadd.s32 s0, s3;
	s0 =	sld [smem:$0x3FAE]  }
0x30: {  	s3 =	sld [smem:$0x3FB1]  }
0x31: {  	[smem:$0x3FBA] =	sst s10  }
0x32: {  	s10 =	sld [smem:$0x3FB8];
	_ =	sdelay $0x3  }
0x33: {  	p0 =	seq.s32 s10, $0x1;
	s10 =	sld [smem:$0x3FBA];
	_ =	sdelay $0x3  }
0x34: {  	[smem:$0x3FBA] =	sst s10  }
0x35: {  	s10 =	sld [smem:$0x3FB9];
	_ =	sdelay $0x3  }
0x36: {  	p1 =	seq.s32 s10, $0x1;
	s10 =	sld [smem:$0x3FBA];
	_ =	sdelay $0x3  }
0x37: {  	[smem:$0x3FBA] =	sst s10  }
0x38: {  	s10 =	sld [smem:$0x3FBB]  }
0x39: {  	_ = 	snop;
	(pc) =	sbr.ind lr, $3  }
0x3a: {  	_ = 	snop  }
0x3b: {  	_ = 	snop  }
0x3c: {  	p2 =	seq.s32 s10, $0x1;
	s10 =	sld [smem:$0x3FBA]  }
0x3d: {  	_ =	shalt  }
0x3e: {  	_ =	shalt  }
0x3f: {  	_ =	shalt  }
0x40: {  	_ =	shalt  }
0x41: {  	_ =	shalt  }
0x42: {  	_ =	shalt  }
0x43: {  	_ =	shalt  }
0x44: {  	_ =	shalt  }
0x45: {  	_ =	shalt  }
0x46: {  	_ =	shalt  }
0x47: {  	_ =	shalt  }
0x48: {  	_ =	shalt  }
0x49: {  	_ =	shalt  }
0x4a: {  	_ =	shalt  }
0x4b: {  	_ =	shalt  }
0x4c: {  	_ =	shalt  }
0x4d: {  	_ =	shalt  }
0x4e: {  	_ =	shalt  }
0x4f: {  	_ =	shalt  }
0x50: {  	_ =	shalt  }
0x51: {  	_ =	shalt  }
0x52: {  	_ =	shalt  }
0x53: {  	_ =	shalt  }
0x54: {  	_ =	shalt  }
0x55: {  	_ =	shalt  }
0x56: {  	_ =	shalt  }
0x57: {  	_ =	shalt  }
0x58: {  	_ =	shalt  }
0x59: {  	_ =	shalt  }
0x5a: {  	_ =	shalt  }
0x5b: {  	_ =	shalt  }
0x5c: {  	_ =	shalt  }
0x5d: {  	_ =	shalt  }
0x5e: {  	_ =	shalt  }
0x5f: {  	_ =	shalt  }
0x60: {  	_ =	shalt  }
0x61: {  	_ =	shalt  }
0x62: {  	_ =	shalt  }
0x63: {  	_ =	shalt  }
0x64: {  	_ =	shalt  }
0x65: {  	_ =	shalt  }
0x66: {  	_ =	shalt  }
0x67: {  	_ =	shalt  }
0x68: {  	_ =	shalt  }
0x69: {  	_ =	shalt  }
0x6a: {  	_ =	shalt  }
0x6b: {  	_ =	shalt  }
0x6c: {  	_ =	shalt  }
0x6d: {  	_ =	shalt  }
0x6e: {  	_ =	shalt  }
0x6f: {  	_ =	shalt  }
0x70: {  	_ =	shalt  }
0x71: {  	_ =	shalt  }
0x72: {  	_ =	shalt  }
0x73: {  	_ =	shalt  }
0x74: {  	_ =	shalt  }
0x75: {  	_ =	shalt  }
0x76: {  	_ =	shalt  }
0x77: {  	_ =	shalt  }
0x78: {  	_ =	shalt  }
0x79: {  	_ =	shalt  }
0x7a: {  	_ =	shalt  }
0x7b: {  	_ =	shalt  }
0x7c: {  	_ =	shalt  }
0x7d: {  	_ =	shalt  }
0x7e: {  	_ =	shalt  }
0x7f: {  	_ =	shalt  }
0x80: {  	_ =	shalt  }
0x81: {  	_ =	shalt  }
0x82: {  	_ =	shalt  }
0x83: {  	_ =	shalt  }
0x84: {  	_ =	shalt  }
0x85: {  	_ =	shalt  }
0x86: {  	_ =	shalt  }
0x87: {  	_ =	shalt  }
.Lfunc_end0:
.L_simem_size_0:
called_computation.2_lowered:
.L_overlay_start_0:
0x88: {  	s2 =	sld [smem:$0x3FD9]  }
0x89: {  	s3 =	sld [smem:$0x3FFE];
	_ =	sdelay $0x1  }
0x8a: {  	s1 =	srdreg.scid  }
0x8b: {  	s0 =	sand.u32 $0x1, s1  }
0x8c: {  	s17 =	sshll.u32 s0, $0xA;
	s2 =	sadd.s32 s3, s2  }
0x8d: {  	s2 =	sadd.s32 s2, s17  }
0x8e: {  	[smem:$0x3FC6] =	sst s2  }
0x8f: {  	_ = 	snop  }
0x90: {  	s2 =	sld [smem:$0x3FC9]  }
0x91: {  	s18 =	sld [smem:$0x3FD0];
	(tm) =	ssettm $0x1  }
0x92: {  	s4 =	sld [smem:$0x3FFB];
	_ =	sdelay $0x3  }
0x93: {  	_ =	strace s4  }
0x94: {  	s4 =	sld [smem:$0x3FFC];
	_ =	sdelay $0x3  }
0x95: {  	_ =	strace s4  }
0x96: {  	s4 =	sld [smem:$0x3FFD];
	_ =	sdelay $0x3  }
0x97: {  	_ =	strace s4  }
0x98: {  	_ =	strace $0x8FFFFFFF  }
0x99: {  	s19 =	sld [smem:$0x3FDB];
	_ =	sdelay $0x1  }
0x9a: {  	s5 =	simm.s32 $_scs_section_size  }
0x9b: {  	s6 =	simm.s32 $_size__tile_overlayer_lowered;
	s7 =	simm.s32 $_tile_overlayer_lowered  }
0x9c: {  	s22 =	simm.s32 $0x1BFF;
	s21 =	sshll.u32 s7, $0x1;
	s4 =	sadd.s32 s5, s19  }
0x9d: {  	s8 =	simm.s32 $0x0;
	s20 =	sshll.u32 s6, $0x1;
	s6 =	sadd.s32 s21, s4  }
0x9e: {  	[timem:s8], [sflag:s22] =	dma.local [hbm:s6], s20  }
0x9f: {  	_ =	swait.ge [sflag:s22], s20  }
0xa0: {  	s5 =	ssub.s32 $0x0, s20;
	[sflag:s22] =	ssyncset.done $0x0  }
0xa1: {  	[sflag:s22] =	ssyncadd.s32 s5;
	_ =	sdelay $0x1  }
0xa2: {  	s23 =	simm.s32 $0x1B8B  }
0xa3: {  	_ =	swait.ge [sflag:s23], $0x1  }
0xa4: {  	[sflag:s23] =	ssyncset.done $0x0  }
0xa5: {  	s25 =	simm.s32 $0x1B8E;
	s24 =	sld [smem:$0x3FFE];
	[sflag:s23] =	ssyncadd.s32 $0xFFFFFFFF  }
0xa6: {  	s26 =	simm.s32 $execute0_lowered;
	[smem:$0x3FD2] =	sst s25  }
0xa7: {  	s6 =	sshll.u32 s26, $0x1;
	_ =	strace $0x8000004C;
	[dreg:$0x1] =	wrdreg $0xFFFFFFFF  }
0xa8: {  	s28 =	simm.s32 $_size_execute0_lowered;
	s4 =	sadd.s32 s4, s6;
	[dreg:$0x0] =	wrdreg $0x0  }
0xa9: {  	s6 =	sshll.u32 s28, $0x1;
	[dreg:$0x2] =	wrdreg s4  }
0xaa: {  	[dreg:$0x3] =	wrdreg s6  }
0xab: {  	[dreg:$0x4] =	wrdreg $0xC0  }
0xac: {  	_ =	task [dreg:s8], $0x5FFFF  }
0xad: {  	[dreg:$0x1] =	wrdreg $0xFFFFFFFF  }
0xae: {  	[dreg:$0x0] =	wrdreg $0x60  }
0xaf: {  	[dreg:$0x2] =	wrdreg s2  }
0xb0: {  	[dreg:$0x3] =	wrdreg s24  }
0xb1: {  	[dreg:$0x4] =	wrdreg s18  }
0xb2: {  	[dreg:$0x5] =	wrdreg $0x9  }
0xb3: {  	_ =	task.clear_ibuf [dreg:s8], $0x6FFFF;
	_ =	strace $0x9000004C  }
0xb4: {  	s29 =	simm.s32 $0x9;
	_ =	strace $0x8000004E  }
0xb5: {  	_ =	swait.ge [sflag:s29], $0x1  }
0xb6: {  	[sflag:s29] =	ssyncadd.s32 $0xFFFFFFFF  }
0xb7: {  	_ =	strace $0x9000004E  }
0xb8: {  	_ =	sfence  }
0xb9: {  	s30 =	sld [smem:$0x0];
	_ =	sdelay $0x2  }
0xba: {  	s31 =	sshll.u32 s1, $0xD;
	s1 =	sshrl.u32 s1, $0x2  }
0xbb: {  	s3 =	sand.u32 $0x4000, s31;
	s1 =	sadd.s32 s1, s30  }
0xbc: {  	s0 =	sor.u32 s3, s0;
	s1 =	sshll.u32 s1, $0x11  }
0xbd: {  	s0 =	sor.u32 s1, s0  }
0xbe: {  	s0 =	sadd.s32 $0x8F2B, s0  }
0xbf: {  	[sflag:s0] =	ssyncadd.remote.s32 $0x1  }
0xc0: {  	_ =	sfence.sel $0xFFFF  }
0xc1: {  	[dreg:$0x0] =	wrdreg $0xFFFFFFFF;
	(pc) =	sbr.abs _section_cstart, $3  }
0xc2: {  	[dreg:$0x1] =	wrdreg $0xFFFFFFFF  }
0xc3: {  	_ =	task.clear_ibuf [dreg:s8], $0x2FFFF;
	_ =	strace $0x9FFFFFFF  }
0xc4: {  	(tm) =	ssettm $0x7FFFFFFF  }
0xc5: {  	_ =	shalt  }
tec
execute0_lowered:
.L_overlay_start_1:
0x0: {  	(tag) =	ssettag $0x1  }
0x1: {  	s0 =	rddreg [dreg:$0x0]  }
0x2: {  	s6 =	rddreg [dreg:$0x1];
	s1 =	srdreg.scid  }
0x3: {  	s3 =	stileid.u32;
	s2 =	rddreg [dreg:$0x2];
	s12 =	simm.s32 $0x1  }
0x4: {  	s14 =	simm.s32 $0x8800;
	s1 =	sand.u32 $0x1, s1;
	s4 =	sshll.u32 s3, $0x1  }
0x5: {  	s3 =	simm.s32 $0x0;
	s6 =	sadd.s32 $0x400, s6;
	s4 =	sor.u32 s1, s4  }
0x6: {  	[smem:$0x7FF] =	sst s3;
	s1 =	ssub.s32 $0x2, s1;
	s5 =	sshll.u32 s4, $0x10  }
0x7: {  	s4 =	sshll.u32 s4, $0x7;
	_ =	strace $0x8000004D;
	[dreg:$0x5] =	wrdreg s6  }
0x8: {  	s28 =	sshrl.u32 s1, $0x1;
	s4 =	sor.u32 s4, s5;
	s5 =	sadd.s32 s0, s5  }
0x9: {  	s1 =	ssub.s32 s1, s28;
	s4 =	sand.u32 $0x180380, s4;
	s30 =	sadd.s32 $0x1000, s5  }
0xa: {  	s31 =	smax.u32 s1, $0x1;
	s29 =	sshrl.u32 s4, $0x3;
	[dreg:$0x6] =	wrdreg s30  }
0xb: {  	s15 =	simm.s32 $0x2;
	[dreg:$0x8] =	wrdreg s31;
	s0 =	sadd.s32 s2, s29  }
0xc: {  	v0 =	vimm.s32 $0x0;
	v1 =	vimm.s32 $0x1;
	s18 =	simm.s32 $0x0;
	s2 =	simm.s32 $0x3;
	[dreg:$0x7] =	wrdreg s0  }
.LBB2_1:
0xd: {  	[dreg:$0x4] =	wrdreg s3;
	s0 =	simm.s32 $0x8840  }
0xe: {  	[tilespmem:s0+$0xFFFFFFC0] =	vst v0  }
0xf: {  	[tilespmem:s0+$0x30] =	vst v0  }
0x10: {  	[tilespmem:s0+$0x20] =	vst v0  }
0x11: {  	[tilespmem:s0+$0x10] =	vst v0  }
0x12: {  	[tilespmem:s0+$0x0] =	vst v0  }
0x13: {  	[tilespmem:s0+$0xFFFFFFF0] =	vst v0  }
0x14: {  	s1 =	simm.s32 $0x0;
	[tilespmem:s0+$0xFFFFFFE0] =	vst v0  }
.LBB2_2:
0x15: {  	s1 =	sadd.s32 $0x8, s1;
	[tilespmem:s0+$0xFFFFFFD0] =	vst v0;
	s0 =	sadd.s32 $0x80, s0  }
0x16: {  	[tilespmem:s0+$0xFFFFFFC0] =	vst v0;
	p0 =	slt.u32 s1, $0xFF8  }
0x17: {  	[tilespmem:s0+$0x30] =	vst v0  }
.Ltmp0:
0x18: {  	[tilespmem:s0+$0x20] =	vst v0;
	(pc) =	sbr.rel @p0 .LBB2_2-.Ltmp0, $4  }
0x19: {  	[tilespmem:s0+$0x10] =	vst v0  }
0x1a: {  	[tilespmem:s0+$0x0] =	vst v0  }
0x1b: {  	[tilespmem:s0+$0xFFFFFFF0] =	vst v0  }
0x1c: {  	[tilespmem:s0+$0xFFFFFFE0] =	vst v0  }
0x1d: {  	[tilespmem:s0+$0xFFFFFFD0] =	vst v0;
	s29 =	rddreg [dreg:$0x1]  }
0x1e: {  	[tilespmem:s18], [sflag:$0x3] =	stream.linear.gather [hbm4b:s29+s18], $0x800, $0x38;
	[tilespmem:$0x18880] =	vst v63  }
0x1f: {  	_ =	swait.ge [sflag:s2], $0x800  }
0x20: {  	[sflag:s2] =	ssyncset.done $0x0  }
0x21: {  	s1 =	simm.s32 $0x18800;
	s30 =	rddreg [dreg:$0x5];
	[sflag:s2] =	ssyncadd.s32 $0xFFFFF800  }
0x22: {  	[tilespmem:s1], [sflag:$0x3] =	stream.linear.gather [hbm4b:s30+s18], $0x80, $0x38;
	[tilespmem:$0x18880] =	vst v63  }
0x23: {  	_ =	swait.ge [sflag:s2], $0x80  }
0x24: {  	[sflag:s2] =	ssyncset.done $0x0  }
0x25: {  	[sflag:s2] =	ssyncadd.s32 $0xFFFFFF80  }
0x26: {  	v2 =	vld [tilespmem:$0x18800]  }
0x27: {  	s31 =	simm.s32 $0x800;
	s19 =	simm.s32 $0x0  }
0x28: {  	[tilespmem:s31], [sflag:$0x1] =	stream.linear.gather [hbm4b:s5+s18], $0x4000, $0x38;
	[tilespmem:$0x18880] =	vst v63  }
.LBB2_4:
0x29: {  	s20 =	sshll.u32 s19, $0xC;
	_ =	swait.ge [sflag:s12], $0x4000  }
0x2a: {  	[sflag:s12] =	ssyncset.done $0x0;
	s0 =	sadd.s32 s20, s5  }
0x2b: {  	s1 =	simm.s32 $0x4800;
	[sflag:s12] =	ssyncadd.s32 $0xFFFFC000;
	s0 =	sadd.s32 $0x800, s0  }
0x2c: {  	[tilespmem:s1], [sflag:$0x2] =	stream.linear.gather [hbm4b:s0+s18], $0x4000, $0x38;
	[tilespmem:$0x18880] =	vst v63  }
0x2d: {  	p0 =	por $0x0, $0x0;
	s3 =	sand.u32 $0x40, s18;
	s1 =	sand.u32 $0x3C00, s18  }
0x2e: {  	s2 =	simm.s32 $0x1;
	s4 =	sor.u32 $0x10, s3;
	s0 =	sadd.s32 $0x800, s1  }
0x2f: {  	s2 =	simm.s32 @!p0 $0x0;
	s7 =	sor.u32 s4, s0  }
0x30: {  	s8 =	sand.u32 $0x780, s18;
	s2 =	sshll.u32 s2, $0x6;
	v3 =	vld [tilespmem:s7+$0x180]  }
0x31: {  	s2 =	sadd.s32 $0x0, s2;
	s4 =	sor.u32 s4, s8;
	v4 =	vld [tilespmem:s7+$0x100]  }
0x32: {  	s11 =	sadd.s32 $0x10, s2;
	v6 =	vld [tilespmem:s4+$0x0]  }
0x33: {  	s6 =	sadd.s32 $0x20, s2;
	s10 =	sor.u32 $0x300, s11;
	v5 =	vld [tilespmem:s7+$0x80]  }
0x34: {  	s9 =	sor.u32 $0x30, s3;
	s16 =	sor.u32 $0x280, s6;
	v7 =	vld [tilespmem:s10+$0x800]  }
0x35: {  	s21 =	sor.u32 $0x20, s3;
	s17 =	sor.u32 s9, s0;
	v8 =	vld [tilespmem:s16+$0x800]  }
0x36: {  	s23 =	sor.u32 s21, s0;
	v11 =	vld [tilespmem:s17+$0x0]  }
0x37: {  	v10 =	vld [tilespmem:s23+$0x180]  }
0x38: {  	s22 =	sadd.s32 $0x30, s2;
	s26 =	sor.u32 s3, s0;
	v13 =	vld [tilespmem:s23+$0x0]  }
0x39: {  	s24 =	sor.u32 $0x200, s22;
	v21 =	vld [tilespmem:s26+$0x0]  }
0x3a: {  	s13 =	sor.u32 $0x380, s6;
	v32 =	vld [tilespmem:s24+$0x800];
	v3 =	vmul.f32 v3, v3  }
0x3b: {  	v9 =	vld [tilespmem:s13+$0x800];
	v4 =	vmul.f32 v4, v4;
	v7 =	vmul.f32 v7, v7  }
0x3c: {  	s16 =	sor.u32 s21, s8;
	v14 =	vld [tilespmem:s23+$0x80];
	v18 =	vmul.f32 v10, v10;
	v19 =	vmul.f32 v8, v8  }
0x3d: {  	v16 =	vld [tilespmem:s16+$0x0];
	v11 =	vmul.f32 v11, v11;
	v13 =	vmul.f32 v13, v13  }
0x3e: {  	v15 =	vmul.f32 v3, v6;
	v3 =	vmul.f32 v5, v5  }
0x3f: {  	v12 =	vld [tilespmem:s17+$0x100];
	v33 =	vmul.f32 v21, v21;
	v32 =	vmul.f32 v32, v32  }
0x40: {  	s8 =	sor.u32 s9, s8;
	v17 =	vmul.f32 v4, v6;
	v4 =	vshrl.u32 v15, $0x10;
	v22 =	vmul.f32 v3, v6;
	v3 =	vld [tilespmem:s17+$0x80]  }
0x41: {  	v5 =	vmul.f32 v7, v6;
	v7 =	vmul.f32 v9, v9;
	vm0 =	veq.s32 v4, v2;
	v4 =	vld [tilespmem:s8+$0x0]  }
0x42: {  	v9 =	vld [tilespmem:s7+$0x0];
	v20 =	vmul.f32 v18, v16;
	v18 =	vmul.f32 v14, v14  }
0x43: {  	s29 =	sor.u32 $0x200, s2;
	v31 =	vld [tilespmem:s17+$0x180];
	v14 =	vmul.f32 v19, v16;
	v27 =	vmul.f32 v13, v16;
	v8 =	vshrl.u32 v5, $0x10  }
0x44: {  	s28 =	sor.u32 $0x280, s2;
	s1 =	sor.u32 $0x280, s11;
	s25 =	sor.u32 $0x200, s6;
	v30 =	vld [tilespmem:s23+$0x100];
	v10 =	vmul.f32 v7, v16;
	v7 =	vmul.f32 v12, v12;
	v23 =	vshrl.u32 v17, $0x10  }
0x45: {  	s30 =	sor.u32 $0x380, s11;
	s0 =	sor.u32 $0x280, s22;
	s31 =	sor.u32 $0x300, s22;
	v19 =	vmul.f32 v18, v16;
	v18 =	vshrl.u32 v14, $0x10;
	v28 =	vmul.f32 v3, v3;
	v3 =	vld [tilespmem:s18+$0x0]  }
0x46: {  	s22 =	sor.u32 $0x380, s22;
	s21 =	simm.s32 $0x0;
	s10 =	sor.u32 $0x200, s11;
	v24 =	vshrl.u32 v20, $0x10;
	v26 =	vshrl.u32 v22, $0x10;
	v11 =	vmul.f32 v11, v4  }
0x47: {  	s11 =	sor.u32 $0x300, s6;
	s23 =	simm.s32 $0x40;
	s24 =	simm.s32 $0x40;
	v12 =	vshrl.u32 v10, $0x10;
	v25 =	vmul.f32 v9, v9;
	v9 =	vmul.f32 v28, v4  }
0x48: {  	v29 =	vld [tilespmem:s25+$0x800];
	s25 =	simm.s32 $0x0;
	s16 =	sor.u32 $0x300, s2;
	s17 =	sor.u32 $0x380, s2;
	v21 =	vshrl.u32 v19, $0x10;
	v28 =	vshrl.u32 v27, $0x10;
	v13 =	vshrl.u32 v11, $0x10  }
.LBB2_5:
0x49: {  	s21 =	sadd.s32 $0x4, s21;
	v34 =	vmul.f32 v25, v6;
	v31 =	vmul.f32 v31, v31;
	v25 =	vshrl.u32 v9, $0x10;
	s25 =	sadd.s32 $0x200, s25;
	p0 =	por !p0, !p0  }
0x4a: {  	v33 =	vmul.f32 v33, v3;
	v36 =	vand.u32 $0xFFFF, v20;
	p1 =	slt.u32 s21, $0x7C;
	v35 =	vld [tilespmem:s17+$0x800];
	v30 =	vmul.f32 v30, v30  }
0x4b: {  	vm1 =	veq.s32 v24, v2;
	v20 =	vmul.f32 v32, v4;
	v37 =	vld [tilespmem:s10+$0x800];
	v24 =	vmul.f32 v31, v4  }
0x4c: {  	vm3 =	veq.s32 v26, v2;
	v31 =	vand.u32 $0xFFFF, v34;
	v26 =	vmul.f32 v30, v16;
	v30 =	vld [tilespmem:s11+$0x800]  }
0x4d: {  	v22 =	vand.u32 $0xFFFF, v22;
	v34 =	vshrl.u32 v34, $0x10;
	v32 =	vld [tilespmem:s1+$0x800];
	v29 =	vmul.f32 v29, v29  }
0x4e: {  	vm5 =	veq.s32 v28, v2;
	v27 =	vand.u32 $0xFFFF, v27;
	v38 =	vld [tilespmem:s16+$0x800];
	v28 =	vshrl.u32 v26, $0x10  }
0x4f: {  	vm6 =	veq.s32 v34, v2;
	v29 =	vmul.f32 v29, v16;
	vm2 =	veq.s32 v28, v2;
	v28 =	vld [tilespmem:s0+$0x800]  }
0x50: {  	v39 =	vshrl.u32 v33, $0x10;
	v40 =	vshrl.u32 v24, $0x10;
	v34 =	vld [tilespmem:s26+$0x180];
	v37 =	vmul.f32 v37, v37  }
0x51: {  	vm4 =	veq.s32 v39, v2;
	v26 =	vand.u32 $0xFFFF, v26;
	v30 =	vmul.f32 v30, v30;
	v39 =	vld [tilespmem:s31+$0x800]  }
0x52: {  	vm7 =	veq.s32 v23, v2;
	v23 =	vshrl.u32 v29, $0x10;
	v32 =	vmul.f32 v32, v32;
	v41 =	vld [tilespmem:s30+$0x800]  }
0x53: {  	v17 =	vand.u32 $0xFFFF, v17;
	v42 =	vld [tilespmem:s26+$0x80];
	v38 =	vmul.f32 v38, v38;
	v30 =	vmul.f32 v30, v16  }
0x54: {  	v33 =	vand.u32 $0xFFFF, v33;
	v37 =	vmul.f32 v37, v6;
	v32 =	vmul.f32 v32, v6;
	[tilespmem:v27+s14+$0x0] =	vst.idx.add.s32.msk vm5, v1  }
0x55: {  	v15 =	vand.u32 $0xFFFF, v15;
	v16 =	vmul.f32 v38, v3;
	[tilespmem:v31+s14+$0x0] =	vst.idx.add.s32.msk vm6, v1;
	v27 =	vshrl.u32 v30, $0x10  }
0x56: {  	[tilespmem:v22+s14+$0x0] =	vst.idx.add.s32.msk vm3, v1;
	v22 =	vand.u32 $0xFFFF, v29;
	vm3 =	veq.s32 v27, v2;
	v27 =	vmul.f32 v28, v28  }
0x57: {  	vm8 =	veq.s32 v21, v2;
	v31 =	vand.u32 $0xFFFF, v37;
	v28 =	vld [tilespmem:s26+$0x100];
	v29 =	vmul.f32 v41, v41  }
0x58: {  	v19 =	vand.u32 $0xFFFF, v19;
	v21 =	vmul.f32 v42, v42;
	[tilespmem:v17+s14+$0x0] =	vst.idx.add.s32.msk vm7, v1;
	v17 =	vshrl.u32 v37, $0x10  }
0x59: {  	vm6 =	veq.s32 v18, v2;
	v37 =	vld [tilespmem:s29+$0x800];
	v6 =	vmul.f32 v29, v6;
	vm5 =	veq.s32 v17, v2  }
0x5a: {  	vm7 =	veq.s32 v23, v2;
	v17 =	vmul.f32 v34, v34;
	[tilespmem:v15+s14+$0x0] =	vst.idx.add.s32.msk vm0, v1;
	v15 =	vshrl.u32 v32, $0x10  }
0x5b: {  	v23 =	vmul.f32 v39, v39;
	v18 =	vld [tilespmem:s28+$0x800];
	vm0 =	veq.s32 v15, v2;
	v15 =	vshrl.u32 v6, $0x10  }
0x5c: {  	v14 =	vand.u32 $0xFFFF, v14;
	v17 =	vmul.f32 v17, v3;
	v28 =	vmul.f32 v28, v28;
	[tilespmem:v33+s14+$0x0] =	vst.idx.add.s32.msk vm4, v1  }
0x5d: {  	vm4 =	veq.s32 v12, v2;
	v12 =	vmul.f32 v23, v4;
	[tilespmem:v19+s14+$0x0] =	vst.idx.add.s32.msk vm8, v1;
	v19 =	vand.u32 $0xFFFF, v30  }
0x5e: {  	v10 =	vand.u32 $0xFFFF, v10;
	v21 =	vmul.f32 v21, v3;
	v23 =	vmul.f32 v28, v3;
	[tilespmem:v26+s14+$0x0] =	vst.idx.add.s32.msk vm2, v1  }
0x5f: {  	v26 =	vmul.f32 v37, v37;
	v28 =	vmul.f32 v35, v35;
	v29 =	vshrl.u32 v12, $0x10;
	[tilespmem:v36+s14+$0x0] =	vst.idx.add.s32.msk vm1, v1  }
0x60: {  	v32 =	vand.u32 $0xFFFF, v32;
	v30 =	vand.u32 $0xFFFF, v21;
	vm2 =	veq.s32 v8, v2;
	[tilespmem:v22+s14+$0x0] =	vst.idx.add.s32.msk vm7, v1  }
0x61: {  	v5 =	vand.u32 $0xFFFF, v5;
	v8 =	vshrl.u32 v21, $0x10;
	v21 =	vshrl.u32 v23, $0x10;
	[tilespmem:v14+s14+$0x0] =	vst.idx.add.s32.msk vm6, v1  }
0x62: {  	v7 =	vmul.f32 v7, v4;
	v22 =	vand.u32 $0xFFFF, v23;
	v14 =	vmul.f32 v26, v3;
	[tilespmem:v19+s14+$0x0] =	vst.idx.add.s32.msk vm3, v1  }
0x63: {  	v18 =	vmul.f32 v18, v18;
	vm1 =	veq.s32 v21, v2;
	v19 =	vshrl.u32 v17, $0x10;
	[tilespmem:v10+s14+$0x0] =	vst.idx.add.s32.msk vm4, v1  }
0x64: {  	vm6 =	veq.s32 v13, v2;
	v13 =	vshrl.u32 v7, $0x10;
	v10 =	vand.u32 $0xFFFF, v14;
	[tilespmem:v31+s14+$0x0] =	vst.idx.add.s32.msk vm5, v1  }
0x65: {  	v11 =	vand.u32 $0xFFFF, v11;
	v14 =	vshrl.u32 v14, $0x10;
	vm5 =	veq.s32 v25, v2;
	[tilespmem:v32+s14+$0x0] =	vst.idx.add.s32.msk vm0, v1  }
0x66: {  	vm9 =	veq.s32 v8, v2;
	vm3 =	veq.s32 v13, v2;
	[tilespmem:v5+s14+$0x0] =	vst.idx.add.s32.msk vm2, v1;
	v5 =	vand.u32 $0xFFFF, v9  }
0x67: {  	v8 =	vand.u32 $0xFFFF, v17;
	v7 =	vand.u32 $0xFFFF, v7;
	vm4 =	veq.s32 v40, v2;
	v9 =	vld [tilespmem:s22+$0x800]  }
0x68: {  	vm8 =	veq.s32 v15, v2;
	v15 =	vand.u32 $0xFFFF, v24;
	v13 =	vmul.f32 v18, v3  }
0x69: {  	v6 =	vand.u32 $0xFFFF, v6;
	v17 =	vshrl.u32 v16, $0x10;
	v18 =	vmul.f32 v27, v4  }
0x6a: {  	vm0 =	veq.s32 v17, v2;
	vm2 =	veq.s32 v14, v2;
	v14 =	vshrl.u32 v20, $0x10  }
0x6b: {  	vm10 =	veq.s32 v19, v2;
	vm7 =	veq.s32 v14, v2;
	v14 =	vshrl.u32 v18, $0x10  }
0x6c: {  	v9 =	vmul.f32 v9, v9;
	[tilespmem:v11+s14+$0x0] =	vst.idx.add.s32.msk vm6, v1;
	v11 =	vand.u32 $0xFFFF, v20;
	vm6 =	veq.s32 v14, v2  }
0x6d: {  	v3 =	vmul.f32 v28, v3;
	v14 =	vand.u32 $0xFFFF, v18;
	[tilespmem:v30+s14+$0x0] =	vst.idx.add.s32.msk vm9, v1;
	vm9 =	veq.s32 v29, v2  }
0x6e: {  	v17 =	vshrl.u32 v13, $0x10;
	[tilespmem:v22+s14+$0x0] =	vst.idx.add.s32.msk vm1, v1;
	v4 =	vmul.f32 v9, v4;
	v9 =	vand.u32 $0xFFFF, v12  }
0x6f: {  	v12 =	vshrl.u32 v3, $0x10;
	[tilespmem:v5+s14+$0x0] =	vst.idx.add.s32.msk vm5, v1  }
0x70: {  	[tilespmem:v6+s14+$0x0] =	vst.idx.add.s32.msk vm8, v1;
	v5 =	vshrl.u32 v4, $0x10  }
0x71: {  	[tilespmem:v8+s14+$0x0] =	vst.idx.add.s32.msk vm10, v1  }
0x72: {  	vm1 =	veq.s32 v17, v2;
	[tilespmem:v7+s14+$0x0] =	vst.idx.add.s32.msk vm3, v1  }
0x73: {  	v6 =	vand.u32 $0xFFFF, v13;
	[tilespmem:v15+s14+$0x0] =	vst.idx.add.s32.msk vm4, v1  }
0x74: {  	v7 =	vand.u32 $0xFFFF, v16;
	vm3 =	veq.s32 v12, v2;
	vm4 =	veq.s32 v5, v2;
	[tilespmem:v11+s14+$0x0] =	vst.idx.add.s32.msk vm7, v1  }
0x75: {  	v3 =	vand.u32 $0xFFFF, v3;
	v4 =	vand.u32 $0xFFFF, v4;
	[tilespmem:v14+s14+$0x0] =	vst.idx.add.s32.msk vm6, v1  }
0x76: {  	[tilespmem:v9+s14+$0x0] =	vst.idx.add.s32.msk vm9, v1  }
0x77: {  	[tilespmem:v10+s14+$0x0] =	vst.idx.add.s32.msk vm2, v1  }
0x78: {  	[tilespmem:v6+s14+$0x0] =	vst.idx.add.s32.msk vm1, v1  }
0x79: {  	[tilespmem:v7+s14+$0x0] =	vst.idx.add.s32.msk vm0, v1  }
0x7a: {  	s1 =	simm.s32 $0x1;
	s16 =	sand.u32 $0x780, s23;
	s0 =	sand.u32 $0x3C00, s25;
	[tilespmem:v3+s14+$0x0] =	vst.idx.add.s32.msk vm3, v1  }
0x7b: {  	s4 =	sand.u32 $0x40, s23;
	s1 =	simm.s32 @!p0 $0x0;
	s0 =	sadd.s32 $0x800, s0;
	[tilespmem:v4+s14+$0x0] =	vst.idx.add.s32.msk vm4, v1  }
0x7c: {  	s8 =	sor.u32 $0x10, s4;
	s10 =	sor.u32 $0x20, s4;
	s1 =	sshll.u32 s1, $0x6  }
0x7d: {  	s7 =	sor.u32 s8, s0;
	s2 =	sor.u32 s10, s0;
	s26 =	sor.u32 s4, s0;
	v3 =	vld [tilespmem:s24+$0x0]  }
0x7e: {  	s17 =	sadd.s32 s1, s25;
	s1 =	sor.u32 s8, s16;
	s22 =	sor.u32 $0x30, s4;
	v4 =	vld [tilespmem:s7+$0x180]  }
0x7f: {  	s9 =	sor.u32 s10, s16;
	s8 =	sadd.s32 $0x10, s17;
	s28 =	sadd.s32 $0x20, s17;
	v5 =	vld [tilespmem:s7+$0x100]  }
0x80: {  	s3 =	sadd.s32 $0x30, s17;
	s10 =	sor.u32 $0x200, s8;
	s11 =	sor.u32 $0x300, s8;
	v6 =	vld [tilespmem:s1+$0x0]  }
0x81: {  	s29 =	sor.u32 $0x280, s28;
	s4 =	sor.u32 $0x200, s28;
	s1 =	sor.u32 $0x280, s8;
	v7 =	vld [tilespmem:s7+$0x80]  }
0x82: {  	s30 =	sor.u32 $0x380, s8;
	s8 =	sor.u32 s22, s0;
	v8 =	vld [tilespmem:s11+$0x800];
	s11 =	sor.u32 $0x300, s28  }
0x83: {  	s6 =	sor.u32 $0x200, s3;
	s13 =	sor.u32 s22, s16;
	s0 =	sor.u32 $0x380, s28;
	v9 =	vld [tilespmem:s29+$0x800]  }
0x84: {  	s31 =	sor.u32 $0x300, s3;
	s29 =	sor.u32 $0x200, s17;
	v10 =	vld [tilespmem:s0+$0x800];
	s0 =	sor.u32 $0x280, s3  }
0x85: {  	s16 =	sor.u32 $0x300, s17;
	s28 =	sor.u32 $0x280, s17;
	s17 =	sor.u32 $0x380, s17;
	v4 =	vmul.f32 v4, v4;
	v11 =	vld [tilespmem:s8+$0x0]  }
0x86: {  	s22 =	sor.u32 $0x380, s3;
	v5 =	vmul.f32 v5, v5;
	v12 =	vld [tilespmem:s8+$0x100]  }
0x87: {  	v15 =	vmul.f32 v4, v6;
	v4 =	vmul.f32 v8, v8;
	v13 =	vld [tilespmem:s2+$0x180]  }
0x88: {  	v16 =	vld [tilespmem:s9+$0x0]  }
0x89: {  	v7 =	vmul.f32 v7, v7;
	v17 =	vmul.f32 v5, v6;
	v18 =	vld [tilespmem:s2+$0x0]  }
0x8a: {  	v5 =	vmul.f32 v4, v6;
	v4 =	vshrl.u32 v15, $0x10;
	v10 =	vmul.f32 v10, v10;
	v14 =	vld [tilespmem:s2+$0x80]  }
0x8b: {  	v22 =	vmul.f32 v7, v6;
	vm0 =	veq.s32 v4, v2;
	v19 =	vld [tilespmem:s8+$0x80]  }
0x8c: {  	v9 =	vmul.f32 v9, v9;
	v8 =	vshrl.u32 v5, $0x10;
	v21 =	vld [tilespmem:s7+$0x0];
	v7 =	vmul.f32 v13, v13  }
0x8d: {  	v11 =	vmul.f32 v11, v11;
	v10 =	vmul.f32 v10, v16;
	v4 =	vld [tilespmem:s13+$0x0]  }
0x8e: {  	v26 =	vshrl.u32 v22, $0x10;
	v13 =	vld [tilespmem:s26+$0x0];
	v20 =	vmul.f32 v7, v16;
	v7 =	vmul.f32 v12, v12  }
0x8f: {  	v24 =	vmul.f32 v14, v14;
	v14 =	vmul.f32 v9, v16;
	v12 =	vshrl.u32 v10, $0x10;
	v32 =	vld [tilespmem:s6+$0x800]  }
.Ltmp1:
0x90: {  	v23 =	vshrl.u32 v17, $0x10;
	v9 =	vmul.f32 v18, v18;
	v28 =	vmul.f32 v19, v19;
	v31 =	vld [tilespmem:s8+$0x180];
	(pc) =	sbr.rel @p1 .LBB2_5-.Ltmp1, $4  }
0x91: {  	v25 =	vmul.f32 v21, v21;
	v19 =	vmul.f32 v24, v16;
	v30 =	vld [tilespmem:s2+$0x100];
	v18 =	vshrl.u32 v14, $0x10  }
0x92: {  	v27 =	vmul.f32 v9, v16;
	v24 =	vshrl.u32 v20, $0x10;
	v11 =	vmul.f32 v11, v4  }
0x93: {  	v9 =	vmul.f32 v28, v4;
	v33 =	vmul.f32 v13, v13;
	v21 =	vshrl.u32 v19, $0x10  }
0x94: {  	s23 =	sadd.s32 $0x40, s23;
	s24 =	sadd.s32 $0x40, s24;
	v28 =	vshrl.u32 v27, $0x10;
	v29 =	vld [tilespmem:s4+$0x800];
	v32 =	vmul.f32 v32, v32;
	v13 =	vshrl.u32 v11, $0x10  }
0x95: {  	v25 =	vmul.f32 v25, v6;
	v31 =	vmul.f32 v31, v31;
	v34 =	vshrl.u32 v9, $0x10  }
0x96: {  	v33 =	vmul.f32 v33, v3;
	v35 =	vld [tilespmem:s17+$0x800];
	v20 =	vand.u32 $0xFFFF, v20;
	vm1 =	veq.s32 v24, v2  }
0x97: {  	v36 =	vld [tilespmem:s10+$0x800];
	vm3 =	veq.s32 v26, v2;
	v22 =	vand.u32 $0xFFFF, v22;
	vm5 =	veq.s32 v28, v2  }
0x98: {  	v37 =	vld [tilespmem:s1+$0x800];
	v27 =	vand.u32 $0xFFFF, v27;
	vm7 =	veq.s32 v23, v2;
	v17 =	vand.u32 $0xFFFF, v17  }
0x99: {  	v38 =	vld [tilespmem:s16+$0x800];
	v15 =	vand.u32 $0xFFFF, v15;
	vm13 =	veq.s32 v21, v2;
	v19 =	vand.u32 $0xFFFF, v19  }
0x9a: {  	v41 =	vld [tilespmem:s30+$0x800];
	vm15 =	veq.s32 v18, v2;
	v14 =	vand.u32 $0xFFFF, v14;
	vm9 =	veq.s32 v12, v2  }
0x9b: {  	v42 =	vld [tilespmem:s26+$0x80];
	v10 =	vand.u32 $0xFFFF, v10;
	v7 =	vmul.f32 v7, v4;
	v30 =	vmul.f32 v30, v30  }
0x9c: {  	v56 =	vld [tilespmem:s31+$0x800];
	v24 =	vmul.f32 v31, v4;
	v31 =	vmul.f32 v32, v4;
	v55 =	vand.u32 $0xFFFF, v25  }
0x9d: {  	v62 =	vld [tilespmem:s29+$0x800];
	v25 =	vshrl.u32 v25, $0x10;
	v39 =	vshrl.u32 v33, $0x10;
	v26 =	vmul.f32 v30, v16  }
0x9e: {  	v30 =	vld [tilespmem:s11+$0x800];
	vm6 =	veq.s32 v25, v2;
	v29 =	vmul.f32 v29, v29;
	v36 =	vmul.f32 v36, v36  }
0x9f: {  	v18 =	vld [tilespmem:s28+$0x800];
	v28 =	vshrl.u32 v26, $0x10;
	v37 =	vmul.f32 v37, v37;
	v38 =	vmul.f32 v38, v38  }
0xa0: {  	v60 =	vmul.f32 v41, v41;
	v21 =	vmul.f32 v42, v42;
	vm2 =	veq.s32 v28, v2;
	v28 =	vld [tilespmem:s0+$0x800]  }
0xa1: {  	vm4 =	veq.s32 v39, v2;
	v25 =	vmul.f32 v29, v16;
	v29 =	vld [tilespmem:s26+$0x180];
	v57 =	vmul.f32 v36, v6  }
0xa2: {  	v5 =	vand.u32 $0xFFFF, v5;
	[tilespmem:v27+s14+$0x0] =	vst.idx.add.s32.msk vm5, v1;
	v58 =	vmul.f32 v37, v6;
	v27 =	vmul.f32 v38, v3  }
0xa3: {  	v6 =	vmul.f32 v60, v6;
	[tilespmem:v19+s14+$0x0] =	vst.idx.add.s32.msk vm13, v1;
	v30 =	vmul.f32 v30, v30;
	v23 =	vshrl.u32 v25, $0x10  }
0xa4: {  	v26 =	vand.u32 $0xFFFF, v26;
	v19 =	vmul.f32 v21, v3;
	[tilespmem:v55+s14+$0x0] =	vst.idx.add.s32.msk vm6, v1;
	vm8 =	veq.s32 v23, v2  }
0xa5: {  	v40 =	vshrl.u32 v24, $0x10;
	v23 =	vmul.f32 v56, v56;
	v16 =	vmul.f32 v30, v16;
	[tilespmem:v22+s14+$0x0] =	vst.idx.add.s32.msk vm3, v1  }
0xa6: {  	v22 =	vand.u32 $0xFFFF, v25;
	v25 =	vmul.f32 v28, v28;
	[tilespmem:v17+s14+$0x0] =	vst.idx.add.s32.msk vm7, v1;
	v17 =	vshrl.u32 v57, $0x10  }
0xa7: {  	v28 =	vld [tilespmem:s26+$0x100];
	v12 =	vmul.f32 v23, v4;
	v59 =	vshrl.u32 v16, $0x10;
	vm14 =	veq.s32 v17, v2  }
0xa8: {  	v61 =	vand.u32 $0xFFFF, v57;
	v23 =	vmul.f32 v62, v62;
	[tilespmem:v15+s14+$0x0] =	vst.idx.add.s32.msk vm0, v1;
	vm3 =	veq.s32 v59, v2  }
0xa9: {  	v17 =	vmul.f32 v29, v29;
	v15 =	vshrl.u32 v58, $0x10;
	v16 =	vand.u32 $0xFFFF, v16;
	[tilespmem:v26+s14+$0x0] =	vst.idx.add.s32.msk vm2, v1  }
0xaa: {  	v30 =	vand.u32 $0xFFFF, v33;
	v26 =	vmul.f32 v35, v35;
	vm0 =	veq.s32 v15, v2;
	[tilespmem:v20+s14+$0x0] =	vst.idx.add.s32.msk vm1, v1  }
0xab: {  	v29 =	vand.u32 $0xFFFF, v58;
	vm2 =	veq.s32 v13, v2;
	vm1 =	veq.s32 v8, v2;
	[tilespmem:v22+s14+$0x0] =	vst.idx.add.s32.msk vm8, v1  }
0xac: {  	v15 =	vshrl.u32 v6, $0x10;
	v20 =	vshrl.u32 v12, $0x10;
	v28 =	vmul.f32 v28, v28;
	[tilespmem:v14+s14+$0x0] =	vst.idx.add.s32.msk vm15, v1  }
0xad: {  	v8 =	vshrl.u32 v19, $0x10;
	v6 =	vand.u32 $0xFFFF, v6;
	v14 =	vmul.f32 v23, v3;
	[tilespmem:v61+s14+$0x0] =	vst.idx.add.s32.msk vm14, v1  }
0xae: {  	v17 =	vmul.f32 v17, v3;
	v21 =	vmul.f32 v28, v3;
	v28 =	vand.u32 $0xFFFF, v19;
	[tilespmem:v16+s14+$0x0] =	vst.idx.add.s32.msk vm3, v1  }
0xaf: {  	v13 =	vand.u32 $0xFFFF, v14;
	vm3 =	veq.s32 v8, v2;
	[tilespmem:v10+s14+$0x0] =	vst.idx.add.s32.msk vm9, v1;
	v10 =	vand.u32 $0xFFFF, v11  }
0xb0: {  	v14 =	vshrl.u32 v14, $0x10;
	v8 =	vmul.f32 v18, v18;
	[tilespmem:v29+s14+$0x0] =	vst.idx.add.s32.msk vm0, v1;
	vm0 =	veq.s32 v34, v2  }
0xb1: {  	v19 =	vshrl.u32 v21, $0x10;
	[tilespmem:v5+s14+$0x0] =	vst.idx.add.s32.msk vm1, v1;
	v5 =	vand.u32 $0xFFFF, v9;
	vm1 =	veq.s32 v15, v2  }
0xb2: {  	[tilespmem:v30+s14+$0x0] =	vst.idx.add.s32.msk vm4, v1;
	v16 =	vshrl.u32 v7, $0x10;
	v7 =	vand.u32 $0xFFFF, v7;
	vm10 =	veq.s32 v19, v2  }
0xb3: {  	v21 =	vand.u32 $0xFFFF, v21;
	v11 =	vshrl.u32 v17, $0x10;
	vm11 =	veq.s32 v16, v2;
	v9 =	vld [tilespmem:s22+$0x800]  }
0xb4: {  	vm13 =	veq.s32 v14, v2;
	v14 =	vand.u32 $0xFFFF, v31;
	vm12 =	veq.s32 v11, v2;
	[tilespmem:v10+s14+$0x0] =	vst.idx.add.s32.msk vm2, v1  }
0xb5: {  	v15 =	vmul.f32 v25, v4;
	v16 =	vand.u32 $0xFFFF, v24;
	v11 =	vand.u32 $0xFFFF, v17;
	[tilespmem:v28+s14+$0x0] =	vst.idx.add.s32.msk vm3, v1  }
0xb6: {  	v8 =	vmul.f32 v8, v3;
	vm2 =	veq.s32 v40, v2;
	v10 =	vshrl.u32 v31, $0x10;
	[tilespmem:v5+s14+$0x0] =	vst.idx.add.s32.msk vm0, v1  }
0xb7: {  	v3 =	vmul.f32 v26, v3;
	vm3 =	veq.s32 v10, v2;
	v10 =	vshrl.u32 v15, $0x10;
	[tilespmem:v6+s14+$0x0] =	vst.idx.add.s32.msk vm1, v1  }
0xb8: {  	v5 =	vmul.f32 v9, v9;
	v6 =	vshrl.u32 v8, $0x10;
	[tilespmem:v21+s14+$0x0] =	vst.idx.add.s32.msk vm10, v1;
	vm14 =	veq.s32 v10, v2  }
0xb9: {  	v9 =	vand.u32 $0xFFFF, v15;
	vm0 =	veq.s32 v20, v2;
	vm1 =	veq.s32 v6, v2;
	[tilespmem:v7+s14+$0x0] =	vst.idx.add.s32.msk vm11, v1  }
0xba: {  	v6 =	vand.u32 $0xFFFF, v8;
	[tilespmem:v11+s14+$0x0] =	vst.idx.add.s32.msk vm12, v1;
	v11 =	vshrl.u32 v27, $0x10;
	v4 =	vmul.f32 v5, v4  }
0xbb: {  	v10 =	vand.u32 $0xFFFF, v12;
	v5 =	vshrl.u32 v3, $0x10;
	vm15 =	veq.s32 v11, v2;
	[tilespmem:v13+s14+$0x0] =	vst.idx.add.s32.msk vm13, v1  }
0xbc: {  	v8 =	vand.u32 $0xFFFF, v27;
	v7 =	vshrl.u32 v4, $0x10;
	[tilespmem:v16+s14+$0x0] =	vst.idx.add.s32.msk vm2, v1;
	vm2 =	veq.s32 v5, v2  }
0xbd: {  	v3 =	vand.u32 $0xFFFF, v3;
	[tilespmem:v14+s14+$0x0] =	vst.idx.add.s32.msk vm3, v1;
	vm3 =	veq.s32 v7, v2  }
0xbe: {  	v4 =	vand.u32 $0xFFFF, v4;
	[tilespmem:v9+s14+$0x0] =	vst.idx.add.s32.msk vm14, v1  }
0xbf: {  	[tilespmem:v6+s14+$0x0] =	vst.idx.add.s32.msk vm1, v1  }
0xc0: {  	[tilespmem:v10+s14+$0x0] =	vst.idx.add.s32.msk vm0, v1  }
0xc1: {  	[tilespmem:v8+s14+$0x0] =	vst.idx.add.s32.msk vm15, v1  }
0xc2: {  	[tilespmem:v3+s14+$0x0] =	vst.idx.add.s32.msk vm2, v1  }
0xc3: {  	p0 =	seq.s32 s19, $0xF;
	[tilespmem:v4+s14+$0x0] =	vst.idx.add.s32.msk vm3, v1  }
0xc4: {  	s1 =	simm.s32 @!p0 $0x0;
	_ =	swait.ge [sflag:s15], $0x4000  }
0xc5: {  	s2 =	simm.s32 @!p0 $0x800;
	[sflag:s15] =	ssyncset.done $0x0;
	s0 =	rddreg [dreg:$0x6]  }
0xc6: {  	[sflag:s15] =	ssyncadd.s32 $0xFFFFC000;
	s0 =	sadd.s32 @!p0 s20, s0;
	s20 =	simm.s32 $0x0  }
0xc7: {  	[tilespmem:s2], [sflag:$0x1] =	stream.linear.gather @!p0 [hbm4b:s0+s1], $0x4000, $0x38;
	[tilespmem:$0x18880] =	vst v63  }
0xc8: {  	s10 =	sand.u32 $0x3C00, s20;
	s11 =	sand.u32 $0x40, s20  }
0xc9: {  	s0 =	sadd.s32 $0x4800, s10;
	s3 =	sor.u32 $0x10, s11  }
0xca: {  	s4 =	sor.u32 s3, s0  }
0xcb: {  	s6 =	sand.u32 $0x780, s20;
	v3 =	vld [tilespmem:s4+$0x180]  }
0xcc: {  	s3 =	sor.u32 s3, s6;
	v4 =	vld [tilespmem:s4+$0x100]  }
0xcd: {  	p0 =	por $0x0, $0x0;
	s17 =	sor.u32 $0x30, s11;
	v6 =	vld [tilespmem:s3+$0x0]  }
0xce: {  	s2 =	simm.s32 $0x1;
	s22 =	sor.u32 $0x20, s11;
	s13 =	sor.u32 s17, s0;
	v5 =	vld [tilespmem:s4+$0x80]  }
0xcf: {  	s2 =	simm.s32 @!p0 $0x0;
	s23 =	sor.u32 s22, s0;
	v11 =	vld [tilespmem:s13+$0x0]  }
0xd0: {  	s2 =	sshll.u32 s2, $0x6;
	v10 =	vld [tilespmem:s23+$0x180]  }
0xd1: {  	s2 =	sadd.s32 $0x0, s2;
	v13 =	vld [tilespmem:s23+$0x0]  }
0xd2: {  	s25 =	sor.u32 s11, s0;
	v14 =	vld [tilespmem:s23+$0x80];
	s7 =	sadd.s32 $0x10, s2  }
0xd3: {  	v21 =	vld [tilespmem:s25+$0x0];
	s16 =	sadd.s32 $0x20, s2;
	s8 =	sor.u32 $0x300, s7  }
0xd4: {  	s24 =	sadd.s32 $0x30, s2;
	s9 =	sor.u32 $0x280, s16;
	v7 =	vld [tilespmem:s8+$0x4800]  }
0xd5: {  	s26 =	sor.u32 $0x200, s24;
	v8 =	vld [tilespmem:s9+$0x4800];
	v3 =	vmul.f32 v3, v3  }
0xd6: {  	s9 =	sor.u32 s22, s6;
	v63 =	vld [tilespmem:s26+$0x4800];
	v4 =	vmul.f32 v4, v4;
	v18 =	vmul.f32 v10, v10  }
0xd7: {  	s21 =	sor.u32 $0x380, s16;
	v16 =	vld [tilespmem:s9+$0x0];
	v11 =	vmul.f32 v11, v11;
	v13 =	vmul.f32 v13, v13  }
0xd8: {  	v9 =	vld [tilespmem:s21+$0x4800];
	v33 =	vmul.f32 v21, v21;
	v15 =	vmul.f32 v3, v6  }
0xd9: {  	v3 =	vmul.f32 v5, v5;
	v17 =	vmul.f32 v4, v6  }
0xda: {  	v12 =	vld [tilespmem:s13+$0x100];
	v7 =	vmul.f32 v7, v7;
	v19 =	vmul.f32 v8, v8  }
0xdb: {  	s6 =	sor.u32 s17, s6;
	v32 =	vmul.f32 v63, v63;
	v4 =	vshrl.u32 v15, $0x10;
	v22 =	vmul.f32 v3, v6;
	v3 =	vld [tilespmem:s13+$0x80]  }
0xdc: {  	v20 =	vmul.f32 v18, v16;
	v18 =	vmul.f32 v14, v14;
	vm0 =	veq.s32 v4, v2;
	v4 =	vld [tilespmem:s6+$0x0]  }
0xdd: {  	v5 =	vmul.f32 v7, v6;
	v7 =	vmul.f32 v9, v9;
	v9 =	vld [tilespmem:s4+$0x0]  }
0xde: {  	v31 =	vld [tilespmem:s13+$0x180];
	v23 =	vshrl.u32 v17, $0x10;
	v27 =	vmul.f32 v13, v16;
	v14 =	vmul.f32 v19, v16  }
0xdf: {  	v30 =	vld [tilespmem:s23+$0x100];
	s23 =	simm.s32 $0x40;
	s28 =	sor.u32 $0x200, s2;
	s10 =	sor.u32 $0x200, s7;
	v26 =	vshrl.u32 v22, $0x10;
	v19 =	vmul.f32 v18, v16;
	v24 =	vshrl.u32 v20, $0x10  }
0xe0: {  	s1 =	sor.u32 $0x280, s7;
	s31 =	sor.u32 $0x200, s16;
	s29 =	sor.u32 $0x380, s7;
	v8 =	vshrl.u32 v5, $0x10;
	v10 =	vmul.f32 v7, v16;
	v28 =	vmul.f32 v3, v3;
	v3 =	vld [tilespmem:s20+$0x0]  }
0xe1: {  	s11 =	sor.u32 $0x300, s16;
	s0 =	sor.u32 $0x280, s24;
	s30 =	sor.u32 $0x300, s24;
	v7 =	vmul.f32 v12, v12;
	v18 =	vshrl.u32 v14, $0x10;
	v11 =	vmul.f32 v11, v4  }
0xe2: {  	s16 =	sor.u32 $0x300, s2;
	s24 =	sor.u32 $0x380, s24;
	s21 =	simm.s32 $0x0;
	v21 =	vshrl.u32 v19, $0x10;
	v25 =	vmul.f32 v9, v9;
	v9 =	vmul.f32 v28, v4  }
0xe3: {  	s26 =	sor.u32 $0x280, s2;
	s17 =	sor.u32 $0x380, s2;
	v29 =	vld [tilespmem:s31+$0x4800];
	s22 =	simm.s32 $0x40;
	v12 =	vshrl.u32 v10, $0x10;
	v28 =	vshrl.u32 v27, $0x10;
	v13 =	vshrl.u32 v11, $0x10  }
.LBB2_7:
0xe4: {  	s21 =	sadd.s32 $0x4, s21;
	v34 =	vmul.f32 v25, v6;
	v31 =	vmul.f32 v31, v31;
	v25 =	vshrl.u32 v9, $0x10;
	s20 =	sadd.s32 $0x200, s20;
	p0 =	por !p0, !p0  }
0xe5: {  	v33 =	vmul.f32 v33, v3;
	v36 =	vand.u32 $0xFFFF, v20;
	p1 =	slt.u32 s21, $0x7C;
	v35 =	vld [tilespmem:s17+$0x4800];
	v30 =	vmul.f32 v30, v30  }
0xe6: {  	vm1 =	veq.s32 v24, v2;
	v20 =	vmul.f32 v32, v4;
	v37 =	vld [tilespmem:s10+$0x4800];
	v24 =	vmul.f32 v31, v4  }
0xe7: {  	vm3 =	veq.s32 v26, v2;
	v31 =	vand.u32 $0xFFFF, v34;
	v26 =	vmul.f32 v30, v16;
	v30 =	vld [tilespmem:s11+$0x4800]  }
0xe8: {  	v22 =	vand.u32 $0xFFFF, v22;
	v34 =	vshrl.u32 v34, $0x10;
	v32 =	vld [tilespmem:s1+$0x4800];
	v29 =	vmul.f32 v29, v29  }
0xe9: {  	vm5 =	veq.s32 v28, v2;
	v27 =	vand.u32 $0xFFFF, v27;
	v38 =	vld [tilespmem:s16+$0x4800];
	v28 =	vshrl.u32 v26, $0x10  }
0xea: {  	vm6 =	veq.s32 v34, v2;
	v29 =	vmul.f32 v29, v16;
	vm2 =	veq.s32 v28, v2;
	v28 =	vld [tilespmem:s0+$0x4800]  }
0xeb: {  	v39 =	vshrl.u32 v33, $0x10;
	v40 =	vshrl.u32 v24, $0x10;
	v34 =	vld [tilespmem:s25+$0x180];
	v37 =	vmul.f32 v37, v37  }
0xec: {  	vm4 =	veq.s32 v39, v2;
	v26 =	vand.u32 $0xFFFF, v26;
	v30 =	vmul.f32 v30, v30;
	v39 =	vld [tilespmem:s30+$0x4800]  }
0xed: {  	vm7 =	veq.s32 v23, v2;
	v23 =	vshrl.u32 v29, $0x10;
	v32 =	vmul.f32 v32, v32;
	v41 =	vld [tilespmem:s29+$0x4800]  }
0xee: {  	v17 =	vand.u32 $0xFFFF, v17;
	v42 =	vld [tilespmem:s25+$0x80];
	v38 =	vmul.f32 v38, v38;
	v30 =	vmul.f32 v30, v16  }
0xef: {  	v33 =	vand.u32 $0xFFFF, v33;
	v37 =	vmul.f32 v37, v6;
	v32 =	vmul.f32 v32, v6;
	[tilespmem:v27+s14+$0x0] =	vst.idx.add.s32.msk vm5, v1  }
0xf0: {  	v15 =	vand.u32 $0xFFFF, v15;
	v16 =	vmul.f32 v38, v3;
	[tilespmem:v31+s14+$0x0] =	vst.idx.add.s32.msk vm6, v1;
	v27 =	vshrl.u32 v30, $0x10  }
0xf1: {  	[tilespmem:v22+s14+$0x0] =	vst.idx.add.s32.msk vm3, v1;
	v22 =	vand.u32 $0xFFFF, v29;
	vm3 =	veq.s32 v27, v2;
	v27 =	vmul.f32 v28, v28  }
0xf2: {  	vm8 =	veq.s32 v21, v2;
	v31 =	vand.u32 $0xFFFF, v37;
	v28 =	vld [tilespmem:s25+$0x100];
	v29 =	vmul.f32 v41, v41  }
0xf3: {  	v19 =	vand.u32 $0xFFFF, v19;
	v21 =	vmul.f32 v42, v42;
	[tilespmem:v17+s14+$0x0] =	vst.idx.add.s32.msk vm7, v1;
	v17 =	vshrl.u32 v37, $0x10  }
0xf4: {  	vm6 =	veq.s32 v18, v2;
	v37 =	vld [tilespmem:s28+$0x4800];
	v6 =	vmul.f32 v29, v6;
	vm5 =	veq.s32 v17, v2  }
0xf5: {  	vm7 =	veq.s32 v23, v2;
	v17 =	vmul.f32 v34, v34;
	[tilespmem:v15+s14+$0x0] =	vst.idx.add.s32.msk vm0, v1;
	v15 =	vshrl.u32 v32, $0x10  }
0xf6: {  	v23 =	vmul.f32 v39, v39;
	v18 =	vld [tilespmem:s26+$0x4800];
	vm0 =	veq.s32 v15, v2;
	v15 =	vshrl.u32 v6, $0x10  }
0xf7: {  	v14 =	vand.u32 $0xFFFF, v14;
	v17 =	vmul.f32 v17, v3;
	v28 =	vmul.f32 v28, v28;
	[tilespmem:v33+s14+$0x0] =	vst.idx.add.s32.msk vm4, v1  }
0xf8: {  	vm4 =	veq.s32 v12, v2;
	v12 =	vmul.f32 v23, v4;
	[tilespmem:v19+s14+$0x0] =	vst.idx.add.s32.msk vm8, v1;
	v19 =	vand.u32 $0xFFFF, v30  }
0xf9: {  	v10 =	vand.u32 $0xFFFF, v10;
	v21 =	vmul.f32 v21, v3;
	v23 =	vmul.f32 v28, v3;
	[tilespmem:v26+s14+$0x0] =	vst.idx.add.s32.msk vm2, v1  }
0xfa: {  	v26 =	vmul.f32 v37, v37;
	v28 =	vmul.f32 v35, v35;
	v29 =	vshrl.u32 v12, $0x10;
	[tilespmem:v36+s14+$0x0] =	vst.idx.add.s32.msk vm1, v1  }
0xfb: {  	v32 =	vand.u32 $0xFFFF, v32;
	v30 =	vand.u32 $0xFFFF, v21;
	vm2 =	veq.s32 v8, v2;
	[tilespmem:v22+s14+$0x0] =	vst.idx.add.s32.msk vm7, v1  }
0xfc: {  	v5 =	vand.u32 $0xFFFF, v5;
	v8 =	vshrl.u32 v21, $0x10;
	v21 =	vshrl.u32 v23, $0x10;
	[tilespmem:v14+s14+$0x0] =	vst.idx.add.s32.msk vm6, v1  }
0xfd: {  	v7 =	vmul.f32 v7, v4;
	v22 =	vand.u32 $0xFFFF, v23;
	v14 =	vmul.f32 v26, v3;
	[tilespmem:v19+s14+$0x0] =	vst.idx.add.s32.msk vm3, v1  }
0xfe: {  	v18 =	vmul.f32 v18, v18;
	vm1 =	veq.s32 v21, v2;
	v19 =	vshrl.u32 v17, $0x10;
	[tilespmem:v10+s14+$0x0] =	vst.idx.add.s32.msk vm4, v1  }
0xff: {  	vm6 =	veq.s32 v13, v2;
	v13 =	vshrl.u32 v7, $0x10;
	v10 =	vand.u32 $0xFFFF, v14;
	[tilespmem:v31+s14+$0x0] =	vst.idx.add.s32.msk vm5, v1  }
0x100: {  	v11 =	vand.u32 $0xFFFF, v11;
	v14 =	vshrl.u32 v14, $0x10;
	vm5 =	veq.s32 v25, v2;
	[tilespmem:v32+s14+$0x0] =	vst.idx.add.s32.msk vm0, v1  }
0x101: {  	vm9 =	veq.s32 v8, v2;
	vm3 =	veq.s32 v13, v2;
	[tilespmem:v5+s14+$0x0] =	vst.idx.add.s32.msk vm2, v1;
	v5 =	vand.u32 $0xFFFF, v9  }
0x102: {  	v8 =	vand.u32 $0xFFFF, v17;
	v7 =	vand.u32 $0xFFFF, v7;
	vm4 =	veq.s32 v40, v2;
	v9 =	vld [tilespmem:s24+$0x4800]  }
0x103: {  	vm8 =	veq.s32 v15, v2;
	v15 =	vand.u32 $0xFFFF, v24;
	v13 =	vmul.f32 v18, v3  }
0x104: {  	v6 =	vand.u32 $0xFFFF, v6;
	v17 =	vshrl.u32 v16, $0x10;
	v18 =	vmul.f32 v27, v4  }
0x105: {  	vm0 =	veq.s32 v17, v2;
	vm2 =	veq.s32 v14, v2;
	v14 =	vshrl.u32 v20, $0x10  }
0x106: {  	vm10 =	veq.s32 v19, v2;
	vm7 =	veq.s32 v14, v2;
	v14 =	vshrl.u32 v18, $0x10  }
0x107: {  	v9 =	vmul.f32 v9, v9;
	[tilespmem:v11+s14+$0x0] =	vst.idx.add.s32.msk vm6, v1;
	v11 =	vand.u32 $0xFFFF, v20;
	vm6 =	veq.s32 v14, v2  }
0x108: {  	v3 =	vmul.f32 v28, v3;
	v14 =	vand.u32 $0xFFFF, v18;
	[tilespmem:v30+s14+$0x0] =	vst.idx.add.s32.msk vm9, v1;
	vm9 =	veq.s32 v29, v2  }
0x109: {  	v17 =	vshrl.u32 v13, $0x10;
	[tilespmem:v22+s14+$0x0] =	vst.idx.add.s32.msk vm1, v1;
	v4 =	vmul.f32 v9, v4;
	v9 =	vand.u32 $0xFFFF, v12  }
0x10a: {  	v12 =	vshrl.u32 v3, $0x10;
	[tilespmem:v5+s14+$0x0] =	vst.idx.add.s32.msk vm5, v1  }
0x10b: {  	[tilespmem:v6+s14+$0x0] =	vst.idx.add.s32.msk vm8, v1;
	v5 =	vshrl.u32 v4, $0x10  }
0x10c: {  	[tilespmem:v8+s14+$0x0] =	vst.idx.add.s32.msk vm10, v1  }
0x10d: {  	vm1 =	veq.s32 v17, v2;
	[tilespmem:v7+s14+$0x0] =	vst.idx.add.s32.msk vm3, v1  }
0x10e: {  	v6 =	vand.u32 $0xFFFF, v13;
	[tilespmem:v15+s14+$0x0] =	vst.idx.add.s32.msk vm4, v1  }
0x10f: {  	v7 =	vand.u32 $0xFFFF, v16;
	vm3 =	veq.s32 v12, v2;
	vm4 =	veq.s32 v5, v2;
	[tilespmem:v11+s14+$0x0] =	vst.idx.add.s32.msk vm7, v1  }
0x110: {  	v3 =	vand.u32 $0xFFFF, v3;
	v4 =	vand.u32 $0xFFFF, v4;
	[tilespmem:v14+s14+$0x0] =	vst.idx.add.s32.msk vm6, v1  }
0x111: {  	[tilespmem:v9+s14+$0x0] =	vst.idx.add.s32.msk vm9, v1  }
0x112: {  	[tilespmem:v10+s14+$0x0] =	vst.idx.add.s32.msk vm2, v1  }
0x113: {  	[tilespmem:v6+s14+$0x0] =	vst.idx.add.s32.msk vm1, v1  }
0x114: {  	[tilespmem:v7+s14+$0x0] =	vst.idx.add.s32.msk vm0, v1  }
0x115: {  	s3 =	sand.u32 $0x780, s22;
	s1 =	simm.s32 $0x1;
	s0 =	sand.u32 $0x3C00, s20;
	[tilespmem:v3+s14+$0x0] =	vst.idx.add.s32.msk vm3, v1  }
0x116: {  	s4 =	sand.u32 $0x40, s22;
	s1 =	simm.s32 @!p0 $0x0;
	s0 =	sadd.s32 $0x4800, s0;
	[tilespmem:v4+s14+$0x0] =	vst.idx.add.s32.msk vm4, v1  }
0x117: {  	s6 =	sor.u32 $0x10, s4;
	s8 =	sor.u32 $0x20, s4;
	s1 =	sshll.u32 s1, $0x6  }
0x118: {  	s7 =	sor.u32 s6, s0;
	s2 =	sor.u32 s8, s0;
	s25 =	sor.u32 s4, s0;
	v3 =	vld [tilespmem:s23+$0x0]  }
0x119: {  	s9 =	sadd.s32 s1, s20;
	s1 =	sor.u32 s6, s3;
	s6 =	sor.u32 $0x30, s4;
	v4 =	vld [tilespmem:s7+$0x180]  }
0x11a: {  	s13 =	sor.u32 s8, s3;
	s11 =	sadd.s32 $0x10, s9;
	s16 =	sadd.s32 $0x20, s9;
	v5 =	vld [tilespmem:s7+$0x100]  }
0x11b: {  	s10 =	sor.u32 $0x200, s11;
	s8 =	sor.u32 $0x300, s11;
	s24 =	sadd.s32 $0x30, s9;
	v6 =	vld [tilespmem:s1+$0x0]  }
0x11c: {  	s17 =	sor.u32 $0x280, s16;
	s4 =	sor.u32 $0x200, s16;
	s1 =	sor.u32 $0x280, s11;
	v7 =	vld [tilespmem:s7+$0x80]  }
0x11d: {  	s29 =	sor.u32 $0x380, s11;
	s11 =	sor.u32 $0x300, s16;
	v8 =	vld [tilespmem:s8+$0x4800];
	s8 =	sor.u32 s6, s0  }
0x11e: {  	s3 =	sor.u32 s6, s3;
	s0 =	sor.u32 $0x380, s16;
	s6 =	sor.u32 $0x200, s24;
	v9 =	vld [tilespmem:s17+$0x4800]  }
0x11f: {  	s28 =	sor.u32 $0x200, s9;
	s30 =	sor.u32 $0x300, s24;
	v10 =	vld [tilespmem:s0+$0x4800];
	s0 =	sor.u32 $0x280, s24  }
0x120: {  	s26 =	sor.u32 $0x280, s9;
	s16 =	sor.u32 $0x300, s9;
	s17 =	sor.u32 $0x380, s9;
	v4 =	vmul.f32 v4, v4;
	v11 =	vld [tilespmem:s8+$0x0]  }
0x121: {  	v5 =	vmul.f32 v5, v5;
	s24 =	sor.u32 $0x380, s24;
	v12 =	vld [tilespmem:s8+$0x100]  }
0x122: {  	v15 =	vmul.f32 v4, v6;
	v4 =	vmul.f32 v8, v8;
	v13 =	vld [tilespmem:s2+$0x180]  }
0x123: {  	v16 =	vld [tilespmem:s13+$0x0]  }
0x124: {  	v7 =	vmul.f32 v7, v7;
	v17 =	vmul.f32 v5, v6;
	v18 =	vld [tilespmem:s2+$0x0]  }
0x125: {  	v5 =	vmul.f32 v4, v6;
	v4 =	vshrl.u32 v15, $0x10;
	v10 =	vmul.f32 v10, v10;
	v14 =	vld [tilespmem:s2+$0x80]  }
0x126: {  	v22 =	vmul.f32 v7, v6;
	vm0 =	veq.s32 v4, v2;
	v19 =	vld [tilespmem:s8+$0x80]  }
0x127: {  	v9 =	vmul.f32 v9, v9;
	v8 =	vshrl.u32 v5, $0x10;
	v21 =	vld [tilespmem:s7+$0x0];
	v7 =	vmul.f32 v13, v13  }
0x128: {  	v11 =	vmul.f32 v11, v11;
	v10 =	vmul.f32 v10, v16;
	v4 =	vld [tilespmem:s3+$0x0]  }
0x129: {  	v26 =	vshrl.u32 v22, $0x10;
	v13 =	vld [tilespmem:s25+$0x0];
	v20 =	vmul.f32 v7, v16;
	v7 =	vmul.f32 v12, v12  }
0x12a: {  	v24 =	vmul.f32 v14, v14;
	v14 =	vmul.f32 v9, v16;
	v12 =	vshrl.u32 v10, $0x10;
	v32 =	vld [tilespmem:s6+$0x4800]  }
.Ltmp2:
0x12b: {  	v23 =	vshrl.u32 v17, $0x10;
	v9 =	vmul.f32 v18, v18;
	v28 =	vmul.f32 v19, v19;
	v31 =	vld [tilespmem:s8+$0x180];
	(pc) =	sbr.rel @p1 .LBB2_7-.Ltmp2, $4  }
0x12c: {  	v25 =	vmul.f32 v21, v21;
	v19 =	vmul.f32 v24, v16;
	v30 =	vld [tilespmem:s2+$0x100];
	v18 =	vshrl.u32 v14, $0x10  }
0x12d: {  	v27 =	vmul.f32 v9, v16;
	v24 =	vshrl.u32 v20, $0x10;
	v11 =	vmul.f32 v11, v4  }
0x12e: {  	v9 =	vmul.f32 v28, v4;
	v33 =	vmul.f32 v13, v13;
	v21 =	vshrl.u32 v19, $0x10  }
0x12f: {  	s22 =	sadd.s32 $0x40, s22;
	s23 =	sadd.s32 $0x40, s23;
	v28 =	vshrl.u32 v27, $0x10;
	v29 =	vld [tilespmem:s4+$0x4800];
	v32 =	vmul.f32 v32, v32;
	v13 =	vshrl.u32 v11, $0x10  }
0x130: {  	v25 =	vmul.f32 v25, v6  }
0x131: {  	v31 =	vmul.f32 v31, v31;
	v34 =	vshrl.u32 v9, $0x10;
	v33 =	vmul.f32 v33, v3;
	v36 =	vld [tilespmem:s10+$0x4800]  }
0x132: {  	v20 =	vand.u32 $0xFFFF, v20;
	vm1 =	veq.s32 v24, v2;
	vm3 =	veq.s32 v26, v2;
	v55 =	vld [tilespmem:s11+$0x4800]  }
0x133: {  	v37 =	vld [tilespmem:s1+$0x4800];
	v22 =	vand.u32 $0xFFFF, v22;
	vm5 =	veq.s32 v28, v2;
	v27 =	vand.u32 $0xFFFF, v27  }
0x134: {  	v38 =	vld [tilespmem:s16+$0x4800];
	vm7 =	veq.s32 v23, v2;
	v17 =	vand.u32 $0xFFFF, v17;
	v15 =	vand.u32 $0xFFFF, v15  }
0x135: {  	v58 =	vld [tilespmem:s0+$0x4800];
	vm14 =	veq.s32 v21, v2;
	v19 =	vand.u32 $0xFFFF, v19;
	vm15 =	veq.s32 v18, v2  }
0x136: {  	v59 =	vld [tilespmem:s25+$0x180];
	v14 =	vand.u32 $0xFFFF, v14;
	vm13 =	veq.s32 v12, v2;
	v10 =	vand.u32 $0xFFFF, v10  }
0x137: {  	v41 =	vld [tilespmem:s29+$0x4800];
	v7 =	vmul.f32 v7, v4;
	v30 =	vmul.f32 v30, v30;
	vm11 =	veq.s32 v34, v2  }
0x138: {  	v42 =	vld [tilespmem:s25+$0x80];
	v24 =	vmul.f32 v31, v4;
	v31 =	vmul.f32 v32, v4;
	v53 =	vand.u32 $0xFFFF, v25  }
0x139: {  	v47 =	vld [tilespmem:s25+$0x100];
	v25 =	vshrl.u32 v25, $0x10;
	v39 =	vshrl.u32 v33, $0x10;
	v54 =	vmul.f32 v30, v16  }
0x13a: {  	v60 =	vld [tilespmem:s30+$0x4800];
	v63 =	vand.u32 $0xFFFF, v33;
	v29 =	vmul.f32 v29, v29;
	v36 =	vmul.f32 v36, v36  }
0x13b: {  	vm6 =	veq.s32 v25, v2;
	v30 =	vmul.f32 v55, v55;
	v37 =	vmul.f32 v37, v37  }
0x13c: {  	v35 =	vld [tilespmem:s17+$0x4800];
	vm4 =	veq.s32 v39, v2;
	v38 =	vmul.f32 v38, v38;
	v25 =	vmul.f32 v58, v58  }
0x13d: {  	v52 =	vld [tilespmem:s28+$0x4800];
	v56 =	vshrl.u32 v54, $0x10;
	v48 =	vmul.f32 v41, v41;
	v50 =	vmul.f32 v42, v42  }
0x13e: {  	v26 =	vand.u32 $0xFFFF, v54;
	v54 =	vmul.f32 v59, v59;
	v28 =	vmul.f32 v47, v47;
	v47 =	vld [tilespmem:s24+$0x4800]  }
0x13f: {  	v5 =	vand.u32 $0xFFFF, v5;
	v58 =	vmul.f32 v60, v60;
	v57 =	vmul.f32 v29, v16;
	[tilespmem:v27+s14+$0x0] =	vst.idx.add.s32.msk vm5, v1  }
0x140: {  	vm2 =	veq.s32 v56, v2;
	v56 =	vld [tilespmem:s26+$0x4800];
	v62 =	vmul.f32 v30, v16;
	v43 =	vmul.f32 v36, v6  }
0x141: {  	v40 =	vshrl.u32 v24, $0x10;
	v44 =	vmul.f32 v37, v6;
	v27 =	vmul.f32 v38, v3;
	[tilespmem:v19+s14+$0x0] =	vst.idx.add.s32.msk vm14, v1  }
0x142: {  	v59 =	vmul.f32 v58, v4;
	v60 =	vmul.f32 v50, v3;
	v61 =	vshrl.u32 v57, $0x10;
	[tilespmem:v53+s14+$0x0] =	vst.idx.add.s32.msk vm6, v1  }
0x143: {  	v41 =	vand.u32 $0xFFFF, v11;
	vm14 =	veq.s32 v8, v2;
	vm8 =	veq.s32 v61, v2;
	[tilespmem:v63+s14+$0x0] =	vst.idx.add.s32.msk vm4, v1  }
0x144: {  	v50 =	vshrl.u32 v31, $0x10;
	v46 =	vand.u32 $0xFFFF, v57;
	v51 =	vshrl.u32 v43, $0x10;
	[tilespmem:v22+s14+$0x0] =	vst.idx.add.s32.msk vm3, v1  }
0x145: {  	v45 =	vshrl.u32 v62, $0x10;
	v36 =	vshrl.u32 v60, $0x10;
	vm5 =	veq.s32 v51, v2;
	[tilespmem:v17+s14+$0x0] =	vst.idx.add.s32.msk vm7, v1  }
0x146: {  	v49 =	vand.u32 $0xFFFF, v43;
	v53 =	vmul.f32 v48, v6;
	vm9 =	veq.s32 v36, v2;
	[tilespmem:v15+s14+$0x0] =	vst.idx.add.s32.msk vm0, v1  }
0x147: {  	v55 =	vshrl.u32 v44, $0x10;
	v33 =	vand.u32 $0xFFFF, v60;
	vm3 =	veq.s32 v45, v2;
	[tilespmem:v26+s14+$0x0] =	vst.idx.add.s32.msk vm2, v1  }
0x148: {  	v16 =	vand.u32 $0xFFFF, v62;
	v61 =	vmul.f32 v28, v3;
	vm12 =	veq.s32 v55, v2;
	[tilespmem:v20+s14+$0x0] =	vst.idx.add.s32.msk vm1, v1  }
0x149: {  	v62 =	vmul.f32 v52, v52;
	v63 =	vmul.f32 v35, v35;
	v35 =	vand.u32 $0xFFFF, v44;
	[tilespmem:v46+s14+$0x0] =	vst.idx.add.s32.msk vm8, v1  }
0x14a: {  	v32 =	vshrl.u32 v59, $0x10;
	v58 =	vshrl.u32 v27, $0x10;
	v38 =	vshrl.u32 v61, $0x10;
	[tilespmem:v14+s14+$0x0] =	vst.idx.add.s32.msk vm15, v1  }
0x14b: {  	v45 =	vshrl.u32 v7, $0x10;
	v7 =	vand.u32 $0xFFFF, v7;
	vm10 =	veq.s32 v38, v2;
	[tilespmem:v49+s14+$0x0] =	vst.idx.add.s32.msk vm5, v1  }
0x14c: {  	v17 =	vmul.f32 v54, v3;
	v21 =	vand.u32 $0xFFFF, v61;
	vm15 =	veq.s32 v13, v2;
	[tilespmem:v33+s14+$0x0] =	vst.idx.add.s32.msk vm9, v1  }
0x14d: {  	v51 =	vand.u32 $0xFFFF, v24;
	v57 =	vshrl.u32 v53, $0x10;
	v39 =	vmul.f32 v62, v3;
	[tilespmem:v16+s14+$0x0] =	vst.idx.add.s32.msk vm3, v1  }
0x14e: {  	v43 =	vshrl.u32 v17, $0x10;
	v46 =	vand.u32 $0xFFFF, v9;
	[tilespmem:v35+s14+$0x0] =	vst.idx.add.s32.msk vm12, v1;
	vm12 =	veq.s32 v57, v2  }
0x14f: {  	v42 =	vmul.f32 v56, v56;
	v6 =	vand.u32 $0xFFFF, v53;
	[tilespmem:v10+s14+$0x0] =	vst.idx.add.s32.msk vm13, v1;
	vm13 =	veq.s32 v43, v2  }
0x150: {  	v54 =	vmul.f32 v47, v47;
	v48 =	vand.u32 $0xFFFF, v17;
	vm5 =	veq.s32 v45, v2;
	[tilespmem:v5+s14+$0x0] =	vst.idx.add.s32.msk vm14, v1  }
0x151: {  	v14 =	vshrl.u32 v39, $0x10;
	v49 =	vmul.f32 v25, v4;
	vm14 =	veq.s32 v40, v2;
	[tilespmem:v21+s14+$0x0] =	vst.idx.add.s32.msk vm10, v1  }
0x152: {  	v53 =	vand.u32 $0xFFFF, v31;
	v8 =	vmul.f32 v42, v3;
	vm9 =	veq.s32 v14, v2;
	[tilespmem:v41+s14+$0x0] =	vst.idx.add.s32.msk vm15, v1  }
0x153: {  	v44 =	vand.u32 $0xFFFF, v39;
	v52 =	vshrl.u32 v49, $0x10;
	vm15 =	veq.s32 v50, v2;
	[tilespmem:v46+s14+$0x0] =	vst.idx.add.s32.msk vm11, v1  }
0x154: {  	v3 =	vmul.f32 v63, v3;
	v56 =	vshrl.u32 v8, $0x10;
	vm10 =	veq.s32 v52, v2;
	[tilespmem:v6+s14+$0x0] =	vst.idx.add.s32.msk vm12, v1  }
0x155: {  	v61 =	vand.u32 $0xFFFF, v8;
	v55 =	vand.u32 $0xFFFF, v49;
	vm12 =	veq.s32 v56, v2;
	[tilespmem:v48+s14+$0x0] =	vst.idx.add.s32.msk vm13, v1  }
0x156: {  	v57 =	vand.u32 $0xFFFF, v59;
	v59 =	vmul.f32 v54, v4;
	vm11 =	veq.s32 v32, v2;
	[tilespmem:v7+s14+$0x0] =	vst.idx.add.s32.msk vm5, v1  }
0x157: {  	v60 =	vshrl.u32 v3, $0x10;
	vm13 =	veq.s32 v58, v2;
	[tilespmem:v51+s14+$0x0] =	vst.idx.add.s32.msk vm14, v1  }
0x158: {  	v63 =	vand.u32 $0xFFFF, v27;
	v62 =	vshrl.u32 v59, $0x10;
	vm14 =	veq.s32 v60, v2;
	[tilespmem:v44+s14+$0x0] =	vst.idx.add.s32.msk vm9, v1  }
0x159: {  	s19 =	sadd.s32 $0x1, s19;
	v3 =	vand.u32 $0xFFFF, v3;
	[tilespmem:v53+s14+$0x0] =	vst.idx.add.s32.msk vm15, v1;
	vm15 =	veq.s32 v62, v2  }
0x15a: {  	p0 =	sne.s32 s19, $0x10;
	v4 =	vand.u32 $0xFFFF, v59;
	[tilespmem:v55+s14+$0x0] =	vst.idx.add.s32.msk vm10, v1  }
.Ltmp3:
0x15b: {  	[tilespmem:v61+s14+$0x0] =	vst.idx.add.s32.msk vm12, v1;
	(pc) =	sbr.rel @p0 .LBB2_4-.Ltmp3, $4  }
0x15c: {  	[tilespmem:v57+s14+$0x0] =	vst.idx.add.s32.msk vm11, v1  }
0x15d: {  	[tilespmem:v63+s14+$0x0] =	vst.idx.add.s32.msk vm13, v1  }
0x15e: {  	[tilespmem:v3+s14+$0x0] =	vst.idx.add.s32.msk vm14, v1  }
0x15f: {  	[tilespmem:v4+s14+$0x0] =	vst.idx.add.s32.msk vm15, v1  }
0x160: {  	s0 =	rddreg [dreg:$0x7];
	s1 =	simm.s32 $0x80;
	s2 =	simm.s32 $0x400  }
0x161: {  	[hbm4b:s0+s1] =	stream.strided.scatter [tilespmem:s14], [sflag:$0x3], $0x10000, s2, s1, $0x38;
	[tilespmem:$0x18880] =	vst v63  }
0x162: {  	s2 =	simm.s32 $0x3  }
0x163: {  	_ =	swait.ge [sflag:s2], $0x10000  }
0x164: {  	s3 =	rddreg [dreg:$0x4]  }
0x165: {  	s31 =	rddreg [dreg:$0x8];
	s3 =	sadd.s32 $0x1, s3  }
0x166: {  	p0 =	sne.s32 s3, s31  }
.Ltmp4:
0x167: {  	_ = 	snop;
	(pc) =	sbr.rel @p0 .LBB2_1-.Ltmp4, $3  }
0x168: {  	_ =	sdelay $0x1  }
0x169: {  	[sflag:s2] =	ssyncset.done $0x0  }
0x16a: {  	[sflag:s2] =	ssyncadd.s32 $0xFFFF0000  }
0x16b: {  	_ =	sfence.sel $0x180000  }
0x16c: {  	[bflag:$0x0] =	sbarrier.arrive $0xFFFF  }
0x16d: {  	_ =	strace $0x9000004D  }
0x16e: {  	s0 =	stileid.u32;
	[bflag:$0x2] =	sbarrier.arrive $0xFFFF  }
0x16f: {  	p0 =	sne.s32 s0, $0x0;
	s0 =	rddreg [dreg:$0x3]  }
0x170: {  	s0 =	sadd.s32 @!p0 $0x100000, s0  }
0x171: {  	[sflag:s0] =	ssyncadd.tile.s32 @!p0 $0x1;
	_ =	shalt  }
.Lfunc_end2:
_tile_overlayer_lowered:
.L_overlay_start_2:
0x172: {  	(tag) =	ssettag $0x2  }
0x173: {  	s0 =	rddreg [dreg:$0x0];
	s2 =	stileid.u32  }
0x174: {  	s1 =	rddreg [dreg:$0x1];
	p0 =	sne.s32 s2, $0x0  }
0x175: {  	s3 =	rddreg [dreg:$0x2];
	[bflag:$0x3] =	sbarrier.arrive $0xFFFF;
	s2 =	simm.s32 @!p0 $0x1C03  }
0x176: {  	[timem:s3], [sflag:s2] =	dma.local @!p0 [hbm:s0], s1  }
0x177: {  	s0 =	simm.s32 @!p0 $0x3  }
0x178: {  	_ =	swait.ge @!p0 [sflag:s0], s1  }
0x179: {  	s1 =	ssub.s32 @!p0 $0x0, s1;
	[sflag:s0] =	ssyncset.done @!p0 $0x0  }
0x17a: {  	[sflag:s0] =	ssyncadd.s32 @!p0 s1  }
0x17b: {  	[bflag:$0x3] =	sbarrier.arrive $0xFFFF  }
0x17c: {  	_ =	shalt  }

// kernel: kernel.7.cloned.1.call-start
scs
__scs_entry_jumppad:
0x0: {  	(pc) =	sbr.rel $0x88, $3  }
0x1: {  	(tag) =	ssettag $0x0;
	lr =	simm.s32 $0x1  }
0x2: {  	[smem:$0x3F9F] =	sst lr;
	_ =	strace $0xD0000000  }
0x3: {  	_ = 	snop  }
0x4: {  	_ = 	snop  }
0x5: {  	_ = 	snop  }
0x6: {  	_ = 	snop  }
0x7: {  	_ = 	snop  }
__scs_overlays_trampoline_lowered:
0x8: {  	[smem:$0x3FAE] =	sst s0  }
0x9: {  	[smem:$0x3FAF] =	sst s1  }
0xa: {  	[smem:$0x3FB0] =	sst s2  }
0xb: {  	[smem:$0x3FB1] =	sst s3  }
0xc: {  	[smem:$0x3FB2] =	sst s4  }
0xd: {  	[smem:$0x3FB3] =	sst s5  }
0xe: {  	[smem:$0x3FB4] =	sst s6  }
0xf: {  	[smem:$0x3FB5] =	sst s7  }
0x10: {  	[smem:$0x3FB6] =	sst s8  }
0x11: {  	[smem:$0x3FB7] =	sst s9;
	s0 =	simm.s32 @!p0 $0x0  }
0x12: {  	s1 =	sld [smem:$0x3F9D];
	s0 =	simm.s32 @p0 $0x1  }
0x13: {  	[smem:$0x3FB8] =	sst s0;
	s0 =	simm.s32 @!p1 $0x0  }
0x14: {  	s2 =	sld [smem:$0x3F9C];
	s0 =	simm.s32 @p1 $0x1  }
0x15: {  	[smem:$0x3FB9] =	sst s0;
	s0 =	simm.s32 @!p2 $0x0  }
0x16: {  	s3 =	sld [smem:$0x3FDB];
	s0 =	simm.s32 @p2 $0x1  }
0x17: {  	s4 =	simm.s32 $0x1BF5;
	[smem:$0x3FBB] =	sst s0  }
0x18: {  	s0 =	sld [smem:$0x3F9E];
	_ =	swait.ge [sflag:s4], $0x0  }
0x19: {  	s7 =	sld [smem:$0x3F9F]  }
0x1a: {  	s8 =	sadd.s32 $0xFFFFE003, lr  }
0x1b: {  	s9 =	sadd.s32 $0xFFFFFEF7, lr;
	s5 =	simm.s32 $0xFFFFFFFF;
	p2 =	slt.u32 s8, $0xFFFFF086  }
0x1c: {  	p1 =	slt.u32 s9, $0xF7A;
	s5 =	simm.s32 @!p2 $0x0  }
0x1d: {  	s5 =	simm.s32 @p1 $0x1;
	p0 =	seq.s32 s7, s2  }
0x1e: {  	s7 =	smul.u32 @!p0 $0xF7A, s2;
	p2 =	seq.s32 @!p0 s5, $0x0  }
0x1f: {  	s9 =	smul.u32 $0xF7A, s1;
	s8 =	simm.s32 @!p0 $0x1BF5;
	p2 =	por !p2, p0  }
0x20: {  	[sflag:s8] =	ssyncset.s32 @!p0 $0xFFFFF086;
	s6 =	sadd.s32 @!p0 s3, s7;
	s7 =	simm.s32 @!p0 $0x108  }
0x21: {  	s3 =	sadd.s32 s3, s9;
	s6 =	sadd.s32 @!p0 $0x88, s6;
	s7 =	simm.s32 @p2 $0x1082  }
0x22: {  	[simem:s7], [sflag:s8] =	dma.local @!p0 [hbm:s6], $0xF7A  }
0x23: {  	s9 =	sor.u32 $0xD0000000, s2;
	s6 =	simm.s32 $0x108;
	_ =	swait.ge @!p0 [sflag:s8], $0x0  }
0x24: {  	s3 =	sadd.s32 $0x88, s3;
	s6 =	simm.s32 @!p1 $0x1082;
	[sflag:s4] =	ssyncset.s32 $0xFFFFF086  }
0x25: {  	[simem:s6], [sflag:s4] =	dma.local [hbm:s3], $0xF7A  }
0x26: {  	[smem:$0x3F9F] =	sst s1;
	(tag) =	ssettag s2;
	_ =	strace s9  }
0x27: {  	s1 =	sld [smem:$0x3FAF]  }
0x28: {  	s2 =	sld [smem:$0x3FB0]  }
0x29: {  	s4 =	sld [smem:$0x3FB2]  }
0x2a: {  	p0 =	seq.s32 s5, $0x0;
	s5 =	sld [smem:$0x3FB3]  }
0x2b: {  	s6 =	sld [smem:$0x3FB4]  }
0x2c: {  	s7 =	sld [smem:$0x3FB5]  }
0x2d: {  	s3 =	simm.s32 $0x108;
	s8 =	sld [smem:$0x3FB6]  }
0x2e: {  	s3 =	simm.s32 @!p0 $0x1082;
	s9 =	sld [smem:$0x3FB7]  }
0x2f: {  	lr =	sadd.s32 s0, s3;
	s0 =	sld [smem:$0x3FAE]  }
0x30: {  	s3 =	sld [smem:$0x3FB1]  }
0x31: {  	[smem:$0x3FBA] =	sst s10  }
0x32: {  	s10 =	sld [smem:$0x3FB8];
	_ =	sdelay $0x3  }
0x33: {  	p0 =	seq.s32 s10, $0x1;
	s10 =	sld [smem:$0x3FBA];
	_ =	sdelay $0x3  }
0x34: {  	[smem:$0x3FBA] =	sst s10  }
0x35: {  	s10 =	sld [smem:$0x3FB9];
	_ =	sdelay $0x3  }
0x36: {  	p1 =	seq.s32 s10, $0x1;
	s10 =	sld [smem:$0x3FBA];
	_ =	sdelay $0x3  }
0x37: {  	[smem:$0x3FBA] =	sst s10  }
0x38: {  	s10 =	sld [smem:$0x3FBB]  }
0x39: {  	_ = 	snop;
	(pc) =	sbr.ind lr, $3  }
0x3a: {  	_ = 	snop  }
0x3b: {  	_ = 	snop  }
0x3c: {  	p2 =	seq.s32 s10, $0x1;
	s10 =	sld [smem:$0x3FBA]  }
0x3d: {  	_ =	shalt  }
0x3e: {  	_ =	shalt  }
0x3f: {  	_ =	shalt  }
0x40: {  	_ =	shalt  }
0x41: {  	_ =	shalt  }
0x42: {  	_ =	shalt  }
0x43: {  	_ =	shalt  }
0x44: {  	_ =	shalt  }
0x45: {  	_ =	shalt  }
0x46: {  	_ =	shalt  }
0x47: {  	_ =	shalt  }
0x48: {  	_ =	shalt  }
0x49: {  	_ =	shalt  }
0x4a: {  	_ =	shalt  }
0x4b: {  	_ =	shalt  }
0x4c: {  	_ =	shalt  }
0x4d: {  	_ =	shalt  }
0x4e: {  	_ =	shalt  }
0x4f: {  	_ =	shalt  }
0x50: {  	_ =	shalt  }
0x51: {  	_ =	shalt  }
0x52: {  	_ =	shalt  }
0x53: {  	_ =	shalt  }
0x54: {  	_ =	shalt  }
0x55: {  	_ =	shalt  }
0x56: {  	_ =	shalt  }
0x57: {  	_ =	shalt  }
0x58: {  	_ =	shalt  }
0x59: {  	_ =	shalt  }
0x5a: {  	_ =	shalt  }
0x5b: {  	_ =	shalt  }
0x5c: {  	_ =	shalt  }
0x5d: {  	_ =	shalt  }
0x5e: {  	_ =	shalt  }
0x5f: {  	_ =	shalt  }
0x60: {  	_ =	shalt  }
0x61: {  	_ =	shalt  }
0x62: {  	_ =	shalt  }
0x63: {  	_ =	shalt  }
0x64: {  	_ =	shalt  }
0x65: {  	_ =	shalt  }
0x66: {  	_ =	shalt  }
0x67: {  	_ =	shalt  }
0x68: {  	_ =	shalt  }
0x69: {  	_ =	shalt  }
0x6a: {  	_ =	shalt  }
0x6b: {  	_ =	shalt  }
0x6c: {  	_ =	shalt  }
0x6d: {  	_ =	shalt  }
0x6e: {  	_ =	shalt  }
0x6f: {  	_ =	shalt  }
0x70: {  	_ =	shalt  }
0x71: {  	_ =	shalt  }
0x72: {  	_ =	shalt  }
0x73: {  	_ =	shalt  }
0x74: {  	_ =	shalt  }
0x75: {  	_ =	shalt  }
0x76: {  	_ =	shalt  }
0x77: {  	_ =	shalt  }
0x78: {  	_ =	shalt  }
0x79: {  	_ =	shalt  }
0x7a: {  	_ =	shalt  }
0x7b: {  	_ =	shalt  }
0x7c: {  	_ =	shalt  }
0x7d: {  	_ =	shalt  }
0x7e: {  	_ =	shalt  }
0x7f: {  	_ =	shalt  }
0x80: {  	_ =	shalt  }
0x81: {  	_ =	shalt  }
0x82: {  	_ =	shalt  }
0x83: {  	_ =	shalt  }
0x84: {  	_ =	shalt  }
0x85: {  	_ =	shalt  }
0x86: {  	_ =	shalt  }
0x87: {  	_ =	shalt  }
.Lfunc_end0:
.L_simem_size_0:
called_computation_lowered:
.L_overlay_start_0:
0x88: {  	s2 =	sld [smem:$0x3FD9]  }
0x89: {  	s3 =	sld [smem:$0x3FFE];
	_ =	sdelay $0x1  }
0x8a: {  	s1 =	srdreg.scid  }
0x8b: {  	s0 =	sand.u32 $0x1, s1  }
0x8c: {  	s18 =	sshll.u32 s0, $0xA;
	s2 =	sadd.s32 s3, s2  }
0x8d: {  	s2 =	sadd.s32 s2, s18  }
0x8e: {  	[smem:$0x3FC6] =	sst s2  }
0x8f: {  	_ = 	snop  }
0x90: {  	s2 =	sld [smem:$0x3FC8]  }
0x91: {  	s19 =	sld [smem:$0x3FD0];
	(tm) =	ssettm $0x1  }
0x92: {  	s4 =	sld [smem:$0x3FFB];
	_ =	sdelay $0x3  }
0x93: {  	_ =	strace s4  }
0x94: {  	s4 =	sld [smem:$0x3FFC];
	_ =	sdelay $0x3  }
0x95: {  	_ =	strace s4  }
0x96: {  	s4 =	sld [smem:$0x3FFD];
	_ =	sdelay $0x3  }
0x97: {  	_ =	strace s4  }
0x98: {  	_ =	strace $0x8FFFFFFF  }
0x99: {  	s20 =	sld [smem:$0x3FDB];
	_ =	sdelay $0x1  }
0x9a: {  	s5 =	simm.s32 $_scs_section_size  }
0x9b: {  	s6 =	simm.s32 $_size__tile_overlayer_lowered;
	s7 =	simm.s32 $_tile_overlayer_lowered  }
0x9c: {  	s23 =	simm.s32 $0x1BFF;
	s22 =	sshll.u32 s7, $0x1;
	s4 =	sadd.s32 s5, s20  }
0x9d: {  	s8 =	simm.s32 $0x0;
	s21 =	sshll.u32 s6, $0x1;
	s6 =	sadd.s32 s22, s4  }
0x9e: {  	[timem:s8], [sflag:s23] =	dma.local [hbm:s6], s21  }
0x9f: {  	_ =	swait.ge [sflag:s23], s21  }
0xa0: {  	s5 =	ssub.s32 $0x0, s21;
	[sflag:s23] =	ssyncset.done $0x0  }
0xa1: {  	[sflag:s23] =	ssyncadd.s32 s5;
	_ =	sdelay $0x1  }
0xa2: {  	s24 =	simm.s32 $0x1B8B  }
0xa3: {  	_ =	swait.ge [sflag:s24], $0x1  }
0xa4: {  	[sflag:s24] =	ssyncset.done $0x0  }
0xa5: {  	s25 =	simm.s32 $0x1B8E;
	[sflag:s24] =	ssyncadd.s32 $0xFFFFFFFF  }
0xa6: {  	s26 =	simm.s32 $execute0_lowered;
	[smem:$0x3FD2] =	sst s25  }
0xa7: {  	s5 =	sshll.u32 s26, $0x1;
	_ =	strace $0x80000046;
	[dreg:$0x1] =	wrdreg $0xFFFFFFFF  }
0xa8: {  	s28 =	simm.s32 $_size_execute0_lowered;
	s4 =	sadd.s32 s4, s5;
	[dreg:$0x0] =	wrdreg $0x0  }
0xa9: {  	s5 =	sshll.u32 s28, $0x1;
	[dreg:$0x2] =	wrdreg s4  }
0xaa: {  	[dreg:$0x3] =	wrdreg s5  }
0xab: {  	[dreg:$0x4] =	wrdreg $0xC0  }
0xac: {  	_ =	task [dreg:s8], $0x5FFFF  }
0xad: {  	[dreg:$0x1] =	wrdreg $0xFFFFFFFF  }
0xae: {  	[dreg:$0x0] =	wrdreg $0x60  }
0xaf: {  	[dreg:$0x2] =	wrdreg s2  }
0xb0: {  	[dreg:$0x3] =	wrdreg s19  }
0xb1: {  	[dreg:$0x4] =	wrdreg $0x9  }
0xb2: {  	_ =	task.clear_ibuf [dreg:s8], $0x5FFFF;
	_ =	strace $0x90000046  }
0xb3: {  	s29 =	simm.s32 $0x9;
	_ =	strace $0x80000048  }
0xb4: {  	_ =	swait.ge [sflag:s29], $0x1  }
0xb5: {  	[sflag:s29] =	ssyncadd.s32 $0xFFFFFFFF  }
0xb6: {  	_ =	strace $0x90000048  }
0xb7: {  	_ =	sfence  }
0xb8: {  	s30 =	sld [smem:$0x0];
	_ =	sdelay $0x2  }
0xb9: {  	s31 =	sshll.u32 s1, $0xD;
	s1 =	sshrl.u32 s1, $0x2  }
0xba: {  	s3 =	sand.u32 $0x4000, s31;
	s1 =	sadd.s32 s1, s30  }
0xbb: {  	s0 =	sor.u32 s3, s0;
	s1 =	sshll.u32 s1, $0x11  }
0xbc: {  	s0 =	sor.u32 s1, s0  }
0xbd: {  	s0 =	sadd.s32 $0x8F2B, s0  }
0xbe: {  	[sflag:s0] =	ssyncadd.remote.s32 $0x1  }
0xbf: {  	_ =	sfence.sel $0xFFFF  }
0xc0: {  	[dreg:$0x0] =	wrdreg $0xFFFFFFFF;
	(pc) =	sbr.abs _section_cstart, $3  }
0xc1: {  	[dreg:$0x1] =	wrdreg $0xFFFFFFFF  }
0xc2: {  	_ =	task.clear_ibuf [dreg:s8], $0x2FFFF;
	_ =	strace $0x9FFFFFFF  }
0xc3: {  	(tm) =	ssettm $0x7FFFFFFF  }
tec
execute0_lowered:
.L_overlay_start_1:
0x0: {  	(tag) =	ssettag $0x1  }
0x1: {  	s0 =	srdreg.scid  }
0x2: {  	s2 =	stileid.u32;
	s31 =	rddreg [dreg:$0x0]  }
0x3: {  	s5 =	rddreg [dreg:$0x1];
	s3 =	simm.s32 $0x0;
	s0 =	sand.u32 $0x1, s0  }
0x4: {  	s1 =	sshll.u32 s2, $0x1;
	[smem:$0x7FF] =	sst s3;
	s26 =	sshll.u32 s2, $0x9  }
0x5: {  	s1 =	sor.u32 s0, s1;
	s0 =	ssub.s32 $0x2, s0;
	_ =	strace $0x80000047  }
0x6: {  	s4 =	smul.u32 $0x70, s1;
	s6 =	sshrl.u32 s0, $0x1;
	s1 =	sshll.u32 s1, $0x4  }
0x7: {  	s0 =	ssub.s32 s0, s6;
	s6 =	sand.u32 $0x1800, s26;
	s1 =	sand.u32 $0x70, s1  }
0x8: {  	s7 =	sadd.s32 $0x1200, s4;
	s8 =	sadd.s32 s5, s6;
	s0 =	smax.u32 s0, $0x1  }
0x9: {  	s4 =	sshll.u32 s7, $0x8;
	s1 =	sadd.s32 s1, s8;
	[dreg:$0x7] =	wrdreg s0  }
0xa: {  	s7 =	sshrl.u32 s7, $0x3;
	s28 =	sadd.s32 s31, s4;
	[dreg:$0x6] =	wrdreg s1  }
0xb: {  	s10 =	simm.s32 $0x1;
	s29 =	sor.u32 $0x1, s7;
	[dreg:$0x3] =	wrdreg s28  }
0xc: {  	s12 =	simm.s32 $0x2;
	s30 =	sadd.s32 $0x2, s7;
	[dreg:$0x4] =	wrdreg s29  }
0xd: {  	v0 =	vimm.f32 $0.0e+00;
	s17 =	simm.s32 $0x0;
	s2 =	simm.s32 $0x0;
	[dreg:$0x5] =	wrdreg s30  }
.LBB2_1:
0xe: {  	s0 =	simm.s32 $0x40  }
0xf: {  	[tilespmem:s0+$0xFFFFFFC0] =	vst v0  }
0x10: {  	[tilespmem:s0+$0x30] =	vst v0  }
0x11: {  	[tilespmem:s0+$0x20] =	vst v0  }
0x12: {  	[tilespmem:s0+$0x10] =	vst v0  }
0x13: {  	[tilespmem:s0+$0x0] =	vst v0  }
0x14: {  	[tilespmem:s0+$0xFFFFFFF0] =	vst v0  }
0x15: {  	s1 =	simm.s32 $0x0;
	[tilespmem:s0+$0xFFFFFFE0] =	vst v0  }
.LBB2_2:
0x16: {  	s1 =	sadd.s32 $0x8, s1;
	[tilespmem:s0+$0xFFFFFFD0] =	vst v0;
	s0 =	sadd.s32 $0x80, s0  }
0x17: {  	[tilespmem:s0+$0xFFFFFFC0] =	vst v0;
	p0 =	slt.u32 s1, $0x78  }
0x18: {  	[tilespmem:s0+$0x30] =	vst v0  }
.Ltmp0:
0x19: {  	[tilespmem:s0+$0x20] =	vst v0;
	(pc) =	sbr.rel @p0 .LBB2_2-.Ltmp0, $4  }
0x1a: {  	[tilespmem:s0+$0x10] =	vst v0  }
0x1b: {  	[tilespmem:s0+$0x0] =	vst v0  }
0x1c: {  	[tilespmem:s0+$0xFFFFFFF0] =	vst v0  }
0x1d: {  	[tilespmem:s0+$0xFFFFFFE0] =	vst v0  }
0x1e: {  	[dreg:$0x8] =	wrdreg s2  }
0x1f: {  	[tilespmem:s0+$0xFFFFFFD0] =	vst v0  }
0x20: {  	s1 =	simm.s32 $0x800;
	s18 =	simm.s32 $0x0;
	s0 =	rddreg [dreg:$0x3]  }
0x21: {  	[tilespmem:s1], [sflag:$0x1] =	stream.linear.gather [hbm4b:s0+s17], $0x4000, $0x38;
	[tilespmem:$0x8800] =	vst v63  }
.LBB2_4:
0x22: {  	_ =	swait.ge [sflag:s10], $0x4000  }
0x23: {  	s19 =	sshll.u32 s18, $0x1;
	s1 =	simm.s32 $0x4800;
	s0 =	rddreg [dreg:$0x4]  }
0x24: {  	s21 =	sand.u32 $0x40, s17;
	s28 =	sand.u32 $0x3C00, s17;
	s0 =	sadd.s32 s19, s0  }
0x25: {  	[sflag:s10] =	ssyncset.done $0x0;
	s20 =	sadd.s32 $0x800, s28;
	s0 =	sshll.u32 s0, $0xB  }
0x26: {  	s29 =	sor.u32 $0x30, s21;
	[sflag:s10] =	ssyncadd.s32 $0xFFFFC000;
	s0 =	sadd.s32 s31, s0  }
0x27: {  	[tilespmem:s1], [sflag:$0x2] =	stream.linear.gather [hbm4b:s0+s17], $0x4000, $0x38;
	[tilespmem:$0x8800] =	vst v63  }
0x28: {  	s22 =	sor.u32 s29, s20;
	v1 =	vld [tilespmem:s17+$0x0]  }
0x29: {  	p0 =	por $0x0, $0x0;
	s1 =	simm.s32 $0x1;
	v2 =	vld [tilespmem:s22+$0x0]  }
0x2a: {  	s1 =	simm.s32 @!p0 $0x0;
	v3 =	vld [tilespmem:s22+$0x80]  }
0x2b: {  	s13 =	sand.u32 $0x780, s17;
	v4 =	vld [tilespmem:s22+$0x100];
	s1 =	sshll.u32 s1, $0x6  }
0x2c: {  	s0 =	sor.u32 s29, s13;
	v5 =	vld [tilespmem:s22+$0x180];
	s23 =	sadd.s32 $0x0, s1  }
0x2d: {  	v17 =	vld [tilespmem:s0+$0x0];
	s15 =	sor.u32 $0x200, s23  }
0x2e: {  	s1 =	sadd.s32 $0x30, s23;
	s16 =	sor.u32 $0x280, s23;
	v19 =	vld [tilespmem:s15+$0x800]  }
0x2f: {  	s30 =	sor.u32 $0x200, s1;
	v20 =	vld [tilespmem:s16+$0x800]  }
0x30: {  	s6 =	smov.u32 s31;
	s31 =	sor.u32 $0x280, s1;
	v6 =	vld [tilespmem:s30+$0x800]  }
0x31: {  	s2 =	sor.u32 $0x300, s1;
	v7 =	vld [tilespmem:s31+$0x800]  }
0x32: {  	s24 =	sadd.s32 $0x10, s23;
	s1 =	sor.u32 $0x380, s1;
	v8 =	vld [tilespmem:s2+$0x800]  }
0x33: {  	s3 =	sor.u32 $0x200, s24;
	v9 =	vld [tilespmem:s1+$0x800]  }
0x34: {  	s4 =	sor.u32 $0x280, s24;
	v10 =	vld [tilespmem:s3+$0x800]  }
0x35: {  	s5 =	sor.u32 $0x300, s24;
	v11 =	vld [tilespmem:s4+$0x800]  }
0x36: {  	s25 =	sadd.s32 $0x20, s23;
	s7 =	sor.u32 $0x380, s24;
	v12 =	vld [tilespmem:s5+$0x800]  }
0x37: {  	s8 =	sor.u32 $0x200, s25;
	v13 =	vld [tilespmem:s7+$0x800]  }
0x38: {  	s9 =	sor.u32 $0x280, s25;
	v14 =	vld [tilespmem:s8+$0x800];
	v2 =	vmul.f32 v2, v2;
	v3 =	vmul.f32 v3, v3  }
0x39: {  	s11 =	sor.u32 $0x300, s25;
	v15 =	vld [tilespmem:s9+$0x800];
	v4 =	vmul.f32 v4, v4;
	v5 =	vmul.f32 v5, v5  }
0x3a: {  	s29 =	sor.u32 $0x10, s21;
	s14 =	sor.u32 $0x380, s25;
	v16 =	vld [tilespmem:s11+$0x800];
	v2 =	vadd.f32 v3, v2  }
0x3b: {  	v18 =	vld [tilespmem:s14+$0x800];
	s30 =	sor.u32 s29, s20;
	v3 =	vadd.f32 v5, v4;
	v6 =	vmul.f32 v6, v6;
	v7 =	vmul.f32 v7, v7  }
0x3c: {  	s25 =	sor.u32 $0x300, s23;
	v62 =	vld [tilespmem:s30+$0x80];
	v8 =	vmul.f32 v8, v8;
	v9 =	vmul.f32 v9, v9  }
0x3d: {  	s28 =	sor.u32 s21, s20;
	v4 =	vld [tilespmem:s25+$0x800];
	v2 =	vadd.f32 v3, v2;
	v60 =	vmul.f32 v19, v19  }
0x3e: {  	s26 =	sor.u32 $0x380, s23;
	v3 =	vld [tilespmem:s28+$0x0];
	v61 =	vmul.f32 v20, v20;
	v5 =	vadd.f32 v7, v6;
	v6 =	vadd.f32 v9, v8  }
0x3f: {  	v7 =	vld [tilespmem:s26+$0x800];
	v8 =	vmul.f32 v10, v10;
	v9 =	vmul.f32 v11, v11  }
0x40: {  	v10 =	vmul.f32 v12, v12;
	v11 =	vmul.f32 v13, v13;
	v12 =	vld [tilespmem:s28+$0x80];
	v5 =	vadd.f32 v6, v5  }
0x41: {  	v13 =	vld [tilespmem:s28+$0x100];
	v6 =	vadd.f32 v9, v8;
	v8 =	vmul.f32 v14, v14;
	v9 =	vmul.f32 v15, v15  }
0x42: {  	v4 =	vmul.f32 v4, v4;
	v10 =	vadd.f32 v11, v10;
	v2 =	vadd.f32 v5, v2;
	v5 =	vld [tilespmem:s28+$0x180]  }
0x43: {  	v11 =	vmul.f32 v16, v16;
	v14 =	vld [tilespmem:s30+$0x0];
	v9 =	vadd.f32 v9, v8;
	v8 =	vmul.f32 v18, v18  }
0x44: {  	s31 =	sor.u32 $0x20, s21;
	v7 =	vmul.f32 v7, v7;
	v15 =	vadd.f32 v2, v17;
	v2 =	vadd.f32 v10, v6;
	v10 =	vld [tilespmem:s30+$0x100]  }
0x45: {  	s26 =	sor.u32 s31, s20;
	v16 =	vadd.f32 v61, v60;
	v11 =	vadd.f32 v8, v11;
	v6 =	vld [tilespmem:s30+$0x180]  }
0x46: {  	v63 =	vmul.f32 v3, v3;
	v12 =	vmul.f32 v12, v12;
	v8 =	vld [tilespmem:s26+$0x0];
	v4 =	vadd.f32 v7, v4  }
0x47: {  	s22 =	simm.s32 $0x200;
	v7 =	vld [tilespmem:s26+$0x100];
	v3 =	vadd.f32 v11, v9;
	v9 =	vmul.f32 v13, v13;
	v13 =	vmul.f32 v5, v5  }
0x48: {  	s23 =	sor.u32 s29, s13;
	s24 =	simm.s32 $0x40;
	s21 =	simm.s32 $0x0;
	v11 =	vadd.f32 v12, v63;
	v12 =	vmul.f32 v14, v14;
	v5 =	vld [tilespmem:s26+$0x80];
	v4 =	vadd.f32 v4, v16  }
0x49: {  	s25 =	simm.s32 $0x0;
	s20 =	sor.u32 s31, s13;
	[tilespmem:s0+$0x0] =	vst v15;
	v14 =	vadd.f32 v13, v9;
	v13 =	vmul.f32 v62, v62;
	v10 =	vmul.f32 v10, v10;
	v9 =	vld [tilespmem:s26+$0x180];
	s26 =	simm.s32 $0x0  }
.LBB2_5:
0x4a: {  	s0 =	sand.u32 $0x40, s24  }
0x4b: {  	s1 =	sand.u32 $0x3C00, s22;
	v11 =	vadd.f32 v14, v11;
	v14 =	vld [tilespmem:s23+$0x0];
	v6 =	vmul.f32 v6, v6;
	v12 =	vadd.f32 v13, v12;
	s25 =	sadd.s32 $0x40, s25;
	p0 =	por !p0, !p0  }
0x4c: {  	s29 =	simm.s32 $0x1;
	s28 =	sadd.s32 $0x800, s1;
	s31 =	sor.u32 $0x30, s0;
	v13 =	vld [tilespmem:s20+$0x0];
	v8 =	vmul.f32 v8, v8  }
0x4d: {  	s29 =	simm.s32 @!p0 $0x0;
	s1 =	sor.u32 $0x10, s0;
	v15 =	vld [tilespmem:s25+$0x0];
	s9 =	sor.u32 s31, s28;
	v4 =	vadd.f32 v4, v11;
	v6 =	vadd.f32 v6, v10;
	v5 =	vmul.f32 v5, v5  }
0x4e: {  	s29 =	sshll.u32 s29, $0x6;
	s30 =	sor.u32 s0, s28;
	s0 =	sor.u32 $0x20, s0;
	v10 =	vld [tilespmem:s9+$0x0];
	v7 =	vmul.f32 v7, v7  }
0x4f: {  	s3 =	sadd.s32 s29, s22;
	s29 =	sor.u32 s1, s28;
	s28 =	sor.u32 s0, s28;
	v11 =	vld [tilespmem:s9+$0x80];
	v6 =	vadd.f32 v6, v12;
	v9 =	vmul.f32 v9, v9;
	v5 =	vadd.f32 v5, v8  }
0x50: {  	s21 =	sadd.s32 $0x4, s21;
	s13 =	sadd.s32 $0x10, s3;
	s14 =	sadd.s32 $0x30, s3;
	v12 =	vadd.f32 v4, v1;
	v8 =	vld [tilespmem:s9+$0x100]  }
0x51: {  	p1 =	slt.u32 s21, $0x7C;
	s4 =	sadd.s32 $0x20, s3;
	v4 =	vld [tilespmem:s9+$0x180];
	s9 =	sor.u32 $0x200, s14;
	v2 =	vadd.f32 v2, v6;
	v6 =	vadd.f32 v9, v7  }
0x52: {  	s7 =	sor.u32 $0x200, s13;
	s8 =	sor.u32 $0x280, s13;
	v7 =	vld [tilespmem:s9+$0x800];
	s9 =	sor.u32 $0x280, s14;
	[tilespmem:s26+$0x0] =	vst v12;
	v1 =	vmov v15  }
0x53: {  	s15 =	sor.u32 $0x300, s13;
	s13 =	sor.u32 $0x380, s13;
	v9 =	vld [tilespmem:s9+$0x800];
	s9 =	sor.u32 $0x300, s14;
	v2 =	vadd.f32 v2, v14;
	v5 =	vadd.f32 v6, v5  }
0x54: {  	s16 =	sor.u32 $0x200, s4;
	s11 =	sor.u32 $0x280, s4;
	v6 =	vld [tilespmem:s9+$0x800];
	s9 =	sor.u32 $0x380, s14  }
0x55: {  	s2 =	sor.u32 $0x300, s4;
	s4 =	sor.u32 $0x380, s4;
	s14 =	sor.u32 $0x200, s3;
	v12 =	vld [tilespmem:s9+$0x800];
	[tilespmem:s23+$0x0] =	vst v2;
	v2 =	vadd.f32 v3, v5  }
0x56: {  	s5 =	sor.u32 $0x300, s3;
	s9 =	sor.u32 $0x280, s3;
	s3 =	sor.u32 $0x380, s3;
	v3 =	vld [tilespmem:s7+$0x800]  }
0x57: {  	s26 =	smov.u32 s25;
	v10 =	vmul.f32 v10, v10;
	v11 =	vmul.f32 v11, v11;
	v5 =	vld [tilespmem:s8+$0x800];
	v2 =	vadd.f32 v2, v13  }
0x58: {  	v8 =	vmul.f32 v8, v8;
	v4 =	vmul.f32 v4, v4;
	v13 =	vld [tilespmem:s15+$0x800]  }
0x59: {  	v7 =	vmul.f32 v7, v7;
	v9 =	vmul.f32 v9, v9;
	v14 =	vld [tilespmem:s13+$0x800];
	[tilespmem:s20+$0x0] =	vst v2  }
0x5a: {  	v6 =	vmul.f32 v6, v6;
	v2 =	vld [tilespmem:s16+$0x800];
	v12 =	vmul.f32 v12, v12  }
0x5b: {  	s7 =	sand.u32 $0x780, s24;
	v10 =	vadd.f32 v11, v10;
	v4 =	vadd.f32 v4, v8;
	v3 =	vmul.f32 v3, v3;
	v15 =	vld [tilespmem:s11+$0x800]  }
0x5c: {  	s23 =	sor.u32 s1, s7;
	s20 =	sor.u32 s0, s7;
	s0 =	sor.u32 s31, s7;
	v7 =	vadd.f32 v9, v7;
	v5 =	vmul.f32 v5, v5;
	v8 =	vld [tilespmem:s2+$0x800];
	v6 =	vadd.f32 v12, v6  }
0x5d: {  	v9 =	vmul.f32 v13, v13;
	v11 =	vld [tilespmem:s0+$0x0]  }
0x5e: {  	v4 =	vadd.f32 v4, v10;
	v12 =	vmul.f32 v14, v14;
	v13 =	vld [tilespmem:s4+$0x800];
	v6 =	vadd.f32 v6, v7  }
0x5f: {  	v3 =	vadd.f32 v5, v3;
	v7 =	vld [tilespmem:s14+$0x800];
	v2 =	vmul.f32 v2, v2  }
0x60: {  	v5 =	vld [tilespmem:s9+$0x800];
	v9 =	vadd.f32 v12, v9;
	v10 =	vmul.f32 v15, v15;
	v4 =	vadd.f32 v6, v4  }
0x61: {  	v6 =	vld [tilespmem:s5+$0x800];
	v8 =	vmul.f32 v8, v8  }
0x62: {  	v12 =	vld [tilespmem:s3+$0x800];
	v10 =	vadd.f32 v10, v2;
	v4 =	vadd.f32 v4, v11  }
0x63: {  	v2 =	vadd.f32 v9, v3;
	v11 =	vld [tilespmem:s30+$0x0];
	v3 =	vmul.f32 v13, v13  }
0x64: {  	v9 =	vld [tilespmem:s30+$0x80];
	v7 =	vmul.f32 v7, v7;
	[tilespmem:s0+$0x0] =	vst v4  }
0x65: {  	v4 =	vld [tilespmem:s30+$0x100];
	v5 =	vmul.f32 v5, v5;
	v3 =	vadd.f32 v3, v8  }
0x66: {  	v8 =	vld [tilespmem:s30+$0x180];
	v6 =	vmul.f32 v6, v6  }
0x67: {  	v12 =	vmul.f32 v12, v12;
	v5 =	vadd.f32 v5, v7;
	v7 =	vld [tilespmem:s29+$0x0];
	v3 =	vadd.f32 v3, v10  }
0x68: {  	v10 =	vmul.f32 v11, v11;
	v13 =	vld [tilespmem:s29+$0x80]  }
0x69: {  	v9 =	vmul.f32 v9, v9;
	v12 =	vadd.f32 v12, v6;
	v15 =	vld [tilespmem:s29+$0x100]  }
.Ltmp1:
0x6a: {  	v14 =	vmul.f32 v4, v4;
	v6 =	vld [tilespmem:s29+$0x180];
	(pc) =	sbr.rel @p1 .LBB2_5-.Ltmp1, $4  }
0x6b: {  	v16 =	vmul.f32 v8, v8;
	v11 =	vadd.f32 v9, v10;
	v4 =	vadd.f32 v12, v5;
	v8 =	vld [tilespmem:s28+$0x0]  }
0x6c: {  	v12 =	vmul.f32 v7, v7;
	v5 =	vld [tilespmem:s28+$0x80]  }
0x6d: {  	v14 =	vadd.f32 v16, v14;
	v13 =	vmul.f32 v13, v13;
	v7 =	vld [tilespmem:s28+$0x100]  }
0x6e: {  	s22 =	sadd.s32 $0x200, s22;
	s24 =	sadd.s32 $0x40, s24;
	v10 =	vmul.f32 v15, v15;
	v9 =	vld [tilespmem:s28+$0x180]  }
0x6f: {  	_ =	sdelay $0x1  }
0x70: {  	v6 =	vmul.f32 v6, v6  }
0x71: {  	v8 =	vmul.f32 v8, v8;
	v5 =	vmul.f32 v5, v5  }
0x72: {  	v11 =	vadd.f32 v14, v11;
	v7 =	vmul.f32 v7, v7;
	v9 =	vmul.f32 v9, v9  }
0x73: {  	v12 =	vadd.f32 v13, v12;
	v6 =	vadd.f32 v6, v10  }
0x74: {  	v10 =	vld [tilespmem:s23+$0x0];
	v5 =	vadd.f32 v5, v8;
	v7 =	vadd.f32 v9, v7  }
0x75: {  	v8 =	vld [tilespmem:s20+$0x0];
	v6 =	vadd.f32 v6, v12  }
0x76: {  	v4 =	vadd.f32 v4, v11;
	v5 =	vadd.f32 v7, v5  }
0x77: {  	v2 =	vadd.f32 v2, v6  }
0x78: {  	v1 =	vadd.f32 v4, v1;
	v3 =	vadd.f32 v3, v5  }
0x79: {  	v2 =	vadd.f32 v2, v10  }
0x7a: {  	[tilespmem:s26+$0x0] =	vst v1;
	v1 =	vadd.f32 v3, v8  }
0x7b: {  	[tilespmem:s23+$0x0] =	vst v2  }
0x7c: {  	[tilespmem:s20+$0x0] =	vst v1  }
0x7d: {  	p0 =	seq.s32 s18, $0x6;
	_ =	swait.ge [sflag:s12], $0x4000  }
0x7e: {  	s1 =	simm.s32 @!p0 $0x0;
	s0 =	rddreg [dreg:$0x5]  }
0x7f: {  	s2 =	simm.s32 @!p0 $0x800;
	[sflag:s12] =	ssyncset.done $0x0;
	s0 =	sadd.s32 @!p0 s19, s0  }
0x80: {  	[sflag:s12] =	ssyncadd.s32 $0xFFFFC000;
	s19 =	simm.s32 $0x0;
	s0 =	sshll.u32 @!p0 s0, $0xB  }
0x81: {  	s21 =	sand.u32 $0x40, s19;
	s24 =	sand.u32 $0x3C00, s19;
	s0 =	sand.u32 @!p0 $0x1FFFF000, s0  }
0x82: {  	s20 =	sadd.s32 $0x4800, s24;
	s25 =	sor.u32 $0x30, s21;
	s0 =	sadd.s32 @!p0 s6, s0  }
0x83: {  	[tilespmem:s2], [sflag:$0x1] =	stream.linear.gather @!p0 [hbm4b:s0+s1], $0x4000, $0x38;
	[tilespmem:$0x8800] =	vst v63  }
0x84: {  	s26 =	sor.u32 s25, s20;
	v1 =	vld [tilespmem:s19+$0x0]  }
0x85: {  	p0 =	por $0x0, $0x0;
	s1 =	simm.s32 $0x1;
	v2 =	vld [tilespmem:s26+$0x0]  }
0x86: {  	s1 =	simm.s32 @!p0 $0x0;
	v3 =	vld [tilespmem:s26+$0x80]  }
0x87: {  	s14 =	sand.u32 $0x780, s19;
	v4 =	vld [tilespmem:s26+$0x100];
	s1 =	sshll.u32 s1, $0x6  }
0x88: {  	s0 =	sor.u32 s25, s14;
	v5 =	vld [tilespmem:s26+$0x180];
	s3 =	sadd.s32 $0x0, s1  }
0x89: {  	v17 =	vld [tilespmem:s0+$0x0];
	s16 =	sor.u32 $0x200, s3  }
0x8a: {  	s1 =	sadd.s32 $0x30, s3;
	s22 =	sor.u32 $0x280, s3;
	v19 =	vld [tilespmem:s16+$0x4800]  }
0x8b: {  	s28 =	sor.u32 $0x200, s1;
	v20 =	vld [tilespmem:s22+$0x4800]  }
0x8c: {  	s29 =	sor.u32 $0x280, s1;
	v6 =	vld [tilespmem:s28+$0x4800]  }
0x8d: {  	s30 =	sor.u32 $0x300, s1;
	v7 =	vld [tilespmem:s29+$0x4800]  }
0x8e: {  	s4 =	sadd.s32 $0x10, s3;
	s1 =	sor.u32 $0x380, s1;
	v8 =	vld [tilespmem:s30+$0x4800]  }
0x8f: {  	s5 =	sor.u32 $0x200, s4;
	v9 =	vld [tilespmem:s1+$0x4800]  }
0x90: {  	s31 =	smov.u32 s6;
	s6 =	sor.u32 $0x280, s4;
	v10 =	vld [tilespmem:s5+$0x4800]  }
0x91: {  	s7 =	sor.u32 $0x300, s4;
	v11 =	vld [tilespmem:s6+$0x4800]  }
0x92: {  	s26 =	sor.u32 $0x10, s21;
	s8 =	sor.u32 $0x380, s4;
	v12 =	vld [tilespmem:s7+$0x4800]  }
0x93: {  	s5 =	sadd.s32 $0x20, s3;
	v13 =	vld [tilespmem:s8+$0x4800];
	s28 =	sor.u32 s26, s20  }
0x94: {  	v2 =	vmul.f32 v2, v2;
	v3 =	vmul.f32 v3, v3;
	s9 =	sor.u32 $0x200, s5;
	v62 =	vld [tilespmem:s28+$0x80]  }
0x95: {  	v4 =	vmul.f32 v4, v4;
	v5 =	vmul.f32 v5, v5;
	s11 =	sor.u32 $0x280, s5;
	v14 =	vld [tilespmem:s9+$0x4800]  }
0x96: {  	s13 =	sor.u32 $0x300, s5;
	v15 =	vld [tilespmem:s11+$0x4800];
	v2 =	vadd.f32 v3, v2  }
0x97: {  	s15 =	sor.u32 $0x380, s5;
	v16 =	vld [tilespmem:s13+$0x4800];
	v3 =	vadd.f32 v5, v4;
	v6 =	vmul.f32 v6, v6;
	v7 =	vmul.f32 v7, v7  }
0x98: {  	s23 =	sor.u32 $0x300, s3;
	v18 =	vld [tilespmem:s15+$0x4800];
	v8 =	vmul.f32 v8, v8;
	v9 =	vmul.f32 v9, v9  }
0x99: {  	s25 =	sor.u32 s21, s20;
	v4 =	vld [tilespmem:s23+$0x4800];
	v2 =	vadd.f32 v3, v2;
	v60 =	vmul.f32 v19, v19  }
0x9a: {  	s24 =	sor.u32 $0x380, s3;
	v3 =	vld [tilespmem:s25+$0x0];
	v61 =	vmul.f32 v20, v20;
	v5 =	vadd.f32 v7, v6;
	v6 =	vadd.f32 v9, v8  }
0x9b: {  	v7 =	vld [tilespmem:s24+$0x4800];
	v8 =	vmul.f32 v10, v10;
	v9 =	vmul.f32 v11, v11  }
0x9c: {  	v10 =	vmul.f32 v12, v12;
	v11 =	vmul.f32 v13, v13;
	v12 =	vld [tilespmem:s25+$0x80];
	v5 =	vadd.f32 v6, v5  }
0x9d: {  	v13 =	vld [tilespmem:s25+$0x100];
	v6 =	vadd.f32 v9, v8;
	v8 =	vmul.f32 v14, v14;
	v9 =	vmul.f32 v15, v15  }
0x9e: {  	v4 =	vmul.f32 v4, v4;
	v10 =	vadd.f32 v11, v10;
	v2 =	vadd.f32 v5, v2;
	v5 =	vld [tilespmem:s25+$0x180]  }
0x9f: {  	v11 =	vmul.f32 v16, v16;
	v14 =	vld [tilespmem:s28+$0x0];
	v8 =	vadd.f32 v9, v8;
	v9 =	vmul.f32 v18, v18  }
0xa0: {  	s29 =	sor.u32 $0x20, s21;
	v7 =	vmul.f32 v7, v7;
	v15 =	vadd.f32 v2, v17;
	v2 =	vadd.f32 v10, v6;
	v10 =	vld [tilespmem:s28+$0x100]  }
0xa1: {  	s30 =	sor.u32 s29, s20;
	v16 =	vadd.f32 v61, v60;
	v11 =	vadd.f32 v9, v11;
	v6 =	vld [tilespmem:s28+$0x180]  }
0xa2: {  	v63 =	vmul.f32 v3, v3;
	v12 =	vmul.f32 v12, v12;
	v9 =	vld [tilespmem:s30+$0x0];
	v4 =	vadd.f32 v7, v4  }
0xa3: {  	v7 =	vld [tilespmem:s30+$0x100];
	v3 =	vadd.f32 v11, v8;
	v8 =	vmul.f32 v13, v13;
	v13 =	vmul.f32 v5, v5  }
0xa4: {  	s22 =	sor.u32 s26, s14;
	s21 =	simm.s32 $0x0;
	s20 =	sor.u32 s29, s14;
	v11 =	vadd.f32 v12, v63;
	v12 =	vmul.f32 v14, v14;
	v5 =	vld [tilespmem:s30+$0x80];
	v4 =	vadd.f32 v4, v16  }
0xa5: {  	s23 =	simm.s32 $0x200;
	s24 =	simm.s32 $0x40;
	s25 =	simm.s32 $0x0;
	[tilespmem:s0+$0x0] =	vst v15;
	v14 =	vadd.f32 v13, v8;
	v13 =	vmul.f32 v62, v62;
	v10 =	vmul.f32 v10, v10;
	v8 =	vld [tilespmem:s30+$0x180]  }
.LBB2_7:
0xa6: {  	s0 =	sand.u32 $0x40, s24  }
0xa7: {  	s1 =	sand.u32 $0x3C00, s23;
	v11 =	vadd.f32 v14, v11;
	v14 =	vld [tilespmem:s22+$0x0];
	v6 =	vmul.f32 v6, v6;
	v12 =	vadd.f32 v13, v12;
	s19 =	sadd.s32 $0x40, s19;
	p0 =	por !p0, !p0  }
0xa8: {  	s3 =	simm.s32 $0x1;
	s2 =	sadd.s32 $0x4800, s1;
	s30 =	sor.u32 $0x30, s0;
	v13 =	vld [tilespmem:s20+$0x0];
	v9 =	vmul.f32 v9, v9  }
0xa9: {  	s3 =	simm.s32 @!p0 $0x0;
	s1 =	sor.u32 $0x10, s0;
	v15 =	vld [tilespmem:s19+$0x0];
	s4 =	sor.u32 s30, s2;
	v4 =	vadd.f32 v4, v11;
	v6 =	vadd.f32 v6, v10;
	v5 =	vmul.f32 v5, v5  }
0xaa: {  	s3 =	sshll.u32 s3, $0x6;
	s29 =	sor.u32 s0, s2;
	s0 =	sor.u32 $0x20, s0;
	v10 =	vld [tilespmem:s4+$0x0];
	v7 =	vmul.f32 v7, v7  }
0xab: {  	s28 =	sor.u32 s1, s2;
	s3 =	sadd.s32 s3, s23;
	s26 =	sor.u32 s0, s2;
	v11 =	vld [tilespmem:s4+$0x80];
	v6 =	vadd.f32 v6, v12;
	v8 =	vmul.f32 v8, v8;
	v5 =	vadd.f32 v5, v9  }
0xac: {  	s21 =	sadd.s32 $0x4, s21;
	s2 =	sadd.s32 $0x10, s3;
	s5 =	sadd.s32 $0x30, s3;
	v12 =	vadd.f32 v4, v1;
	v9 =	vld [tilespmem:s4+$0x100]  }
0xad: {  	p1 =	slt.u32 s21, $0x7C;
	s7 =	sadd.s32 $0x20, s3;
	v4 =	vld [tilespmem:s4+$0x180];
	s4 =	sor.u32 $0x200, s5;
	v2 =	vadd.f32 v2, v6;
	v6 =	vadd.f32 v8, v7  }
0xae: {  	s8 =	sor.u32 $0x200, s2;
	s9 =	sor.u32 $0x280, s2;
	v7 =	vld [tilespmem:s4+$0x4800];
	s4 =	sor.u32 $0x280, s5;
	[tilespmem:s25+$0x0] =	vst v12;
	v1 =	vmov v15  }
0xaf: {  	s11 =	sor.u32 $0x300, s2;
	s2 =	sor.u32 $0x380, s2;
	v8 =	vld [tilespmem:s4+$0x4800];
	s4 =	sor.u32 $0x300, s5;
	v2 =	vadd.f32 v2, v14;
	v5 =	vadd.f32 v6, v5  }
0xb0: {  	s13 =	sor.u32 $0x200, s7;
	s14 =	sor.u32 $0x280, s7;
	v6 =	vld [tilespmem:s4+$0x4800];
	s4 =	sor.u32 $0x380, s5  }
0xb1: {  	s15 =	sor.u32 $0x300, s7;
	s7 =	sor.u32 $0x380, s7;
	s5 =	sor.u32 $0x200, s3;
	v12 =	vld [tilespmem:s4+$0x4800];
	[tilespmem:s22+$0x0] =	vst v2;
	v2 =	vadd.f32 v3, v5  }
0xb2: {  	s16 =	sor.u32 $0x300, s3;
	s4 =	sor.u32 $0x280, s3;
	s3 =	sor.u32 $0x380, s3;
	v3 =	vld [tilespmem:s8+$0x4800]  }
0xb3: {  	s25 =	smov.u32 s19;
	v10 =	vmul.f32 v10, v10;
	v11 =	vmul.f32 v11, v11;
	v5 =	vld [tilespmem:s9+$0x4800];
	v2 =	vadd.f32 v2, v13  }
0xb4: {  	v9 =	vmul.f32 v9, v9;
	v4 =	vmul.f32 v4, v4;
	v13 =	vld [tilespmem:s11+$0x4800]  }
0xb5: {  	v7 =	vmul.f32 v7, v7;
	v8 =	vmul.f32 v8, v8;
	v14 =	vld [tilespmem:s2+$0x4800];
	[tilespmem:s20+$0x0] =	vst v2  }
0xb6: {  	v6 =	vmul.f32 v6, v6;
	v2 =	vld [tilespmem:s13+$0x4800];
	v12 =	vmul.f32 v12, v12  }
0xb7: {  	v10 =	vadd.f32 v11, v10;
	v4 =	vadd.f32 v4, v9;
	s2 =	sand.u32 $0x780, s24;
	v3 =	vmul.f32 v3, v3;
	v15 =	vld [tilespmem:s14+$0x4800]  }
0xb8: {  	s22 =	sor.u32 s1, s2;
	s20 =	sor.u32 s0, s2;
	s0 =	sor.u32 s30, s2;
	v7 =	vadd.f32 v8, v7;
	v5 =	vmul.f32 v5, v5;
	v9 =	vld [tilespmem:s15+$0x4800];
	v6 =	vadd.f32 v12, v6  }
0xb9: {  	v8 =	vmul.f32 v13, v13;
	v11 =	vld [tilespmem:s0+$0x0]  }
0xba: {  	v4 =	vadd.f32 v4, v10;
	v12 =	vmul.f32 v14, v14;
	v13 =	vld [tilespmem:s7+$0x4800];
	v6 =	vadd.f32 v6, v7  }
0xbb: {  	v3 =	vadd.f32 v5, v3;
	v7 =	vld [tilespmem:s5+$0x4800];
	v2 =	vmul.f32 v2, v2  }
0xbc: {  	v5 =	vld [tilespmem:s4+$0x4800];
	v8 =	vadd.f32 v12, v8;
	v10 =	vmul.f32 v15, v15;
	v4 =	vadd.f32 v6, v4  }
0xbd: {  	v6 =	vld [tilespmem:s16+$0x4800];
	v9 =	vmul.f32 v9, v9  }
0xbe: {  	v12 =	vld [tilespmem:s3+$0x4800];
	v10 =	vadd.f32 v10, v2;
	v4 =	vadd.f32 v4, v11  }
0xbf: {  	v2 =	vadd.f32 v8, v3;
	v11 =	vld [tilespmem:s29+$0x0];
	v3 =	vmul.f32 v13, v13  }
0xc0: {  	v8 =	vld [tilespmem:s29+$0x80];
	v7 =	vmul.f32 v7, v7;
	[tilespmem:s0+$0x0] =	vst v4  }
0xc1: {  	v4 =	vld [tilespmem:s29+$0x100];
	v5 =	vmul.f32 v5, v5;
	v3 =	vadd.f32 v3, v9  }
0xc2: {  	v9 =	vld [tilespmem:s29+$0x180];
	v6 =	vmul.f32 v6, v6  }
0xc3: {  	v12 =	vmul.f32 v12, v12;
	v5 =	vadd.f32 v5, v7;
	v7 =	vld [tilespmem:s28+$0x0];
	v3 =	vadd.f32 v3, v10  }
0xc4: {  	v10 =	vmul.f32 v11, v11;
	v13 =	vld [tilespmem:s28+$0x80]  }
0xc5: {  	v8 =	vmul.f32 v8, v8;
	v12 =	vadd.f32 v12, v6;
	v15 =	vld [tilespmem:s28+$0x100]  }
.Ltmp2:
0xc6: {  	v14 =	vmul.f32 v4, v4;
	v6 =	vld [tilespmem:s28+$0x180];
	(pc) =	sbr.rel @p1 .LBB2_7-.Ltmp2, $4  }
0xc7: {  	v16 =	vmul.f32 v9, v9;
	v11 =	vadd.f32 v8, v10;
	v4 =	vadd.f32 v12, v5;
	v9 =	vld [tilespmem:s26+$0x0]  }
0xc8: {  	v12 =	vmul.f32 v7, v7;
	v5 =	vld [tilespmem:s26+$0x80]  }
0xc9: {  	v14 =	vadd.f32 v16, v14;
	v13 =	vmul.f32 v13, v13;
	v7 =	vld [tilespmem:s26+$0x100]  }
0xca: {  	s23 =	sadd.s32 $0x200, s23;
	s24 =	sadd.s32 $0x40, s24;
	v10 =	vmul.f32 v15, v15;
	v8 =	vld [tilespmem:s26+$0x180]  }
0xcb: {  	_ =	sdelay $0x1  }
0xcc: {  	v6 =	vmul.f32 v6, v6  }
0xcd: {  	v9 =	vmul.f32 v9, v9;
	v5 =	vmul.f32 v5, v5  }
0xce: {  	v11 =	vadd.f32 v14, v11;
	v7 =	vmul.f32 v7, v7;
	v8 =	vmul.f32 v8, v8  }
0xcf: {  	v12 =	vadd.f32 v13, v12;
	v6 =	vadd.f32 v6, v10  }
0xd0: {  	v62 =	vld [tilespmem:s22+$0x0];
	v5 =	vadd.f32 v5, v9;
	v7 =	vadd.f32 v8, v7  }
0xd1: {  	v63 =	vld [tilespmem:s20+$0x0];
	v6 =	vadd.f32 v6, v12  }
0xd2: {  	s18 =	sadd.s32 $0x1, s18;
	v4 =	vadd.f32 v4, v11;
	v5 =	vadd.f32 v7, v5  }
0xd3: {  	p0 =	sne.s32 s18, $0x7;
	v2 =	vadd.f32 v2, v6  }
.Ltmp3:
0xd4: {  	v1 =	vadd.f32 v4, v1;
	v3 =	vadd.f32 v3, v5;
	(pc) =	sbr.rel @p0 .LBB2_4-.Ltmp3, $4  }
0xd5: {  	v2 =	vadd.f32 v2, v62  }
0xd6: {  	[tilespmem:s25+$0x0] =	vst v1;
	v1 =	vadd.f32 v3, v63  }
0xd7: {  	[tilespmem:s22+$0x0] =	vst v2  }
0xd8: {  	[tilespmem:s20+$0x0] =	vst v1  }
0xd9: {  	s0 =	simm.s32 $0x0;
	s1 =	rddreg [dreg:$0x6]  }
0xda: {  	s2 =	simm.s32 $0x80;
	s3 =	simm.s32 $0x400;
	s28 =	simm.s32 $0x3  }
0xdb: {  	[hbm4b:s1+s2] =	stream.strided.scatter [tilespmem:s0], [sflag:$0x3], $0x800, s3, s2, $0x38;
	[tilespmem:$0x8800] =	vst v63  }
0xdc: {  	_ =	swait.ge [sflag:s28], $0x800  }
0xdd: {  	s29 =	rddreg [dreg:$0x8]  }
0xde: {  	s30 =	rddreg [dreg:$0x7];
	s2 =	sadd.s32 $0x1, s29  }
0xdf: {  	p0 =	sne.s32 s2, s30  }
.Ltmp4:
0xe0: {  	_ = 	snop;
	(pc) =	sbr.rel @p0 .LBB2_1-.Ltmp4, $3  }
0xe1: {  	_ =	sdelay $0x1  }
0xe2: {  	[sflag:s28] =	ssyncset.done $0x0  }
0xe3: {  	[sflag:s28] =	ssyncadd.s32 $0xFFFFF800  }
0xe4: {  	_ =	sfence.sel $0x180000  }
0xe5: {  	[bflag:$0x0] =	sbarrier.arrive $0xFFFF  }
0xe6: {  	_ =	strace $0x90000047  }
0xe7: {  	s0 =	stileid.u32;
	[bflag:$0x2] =	sbarrier.arrive $0xFFFF  }
0xe8: {  	p0 =	sne.s32 s0, $0x0;
	s0 =	rddreg [dreg:$0x2]  }
0xe9: {  	s0 =	sadd.s32 @!p0 $0x100000, s0  }
0xea: {  	[sflag:s0] =	ssyncadd.tile.s32 @!p0 $0x1;
	_ =	shalt  }
.Lfunc_end2:
_tile_overlayer_lowered:
.L_overlay_start_2:
0xeb: {  	(tag) =	ssettag $0x2  }
0xec: {  	s0 =	rddreg [dreg:$0x0];
	s2 =	stileid.u32  }
0xed: {  	s1 =	rddreg [dreg:$0x1];
	p0 =	sne.s32 s2, $0x0  }
0xee: {  	s3 =	rddreg [dreg:$0x2];
	[bflag:$0x3] =	sbarrier.arrive $0xFFFF;
	s2 =	simm.s32 @!p0 $0x1C03  }
0xef: {  	[timem:s3], [sflag:s2] =	dma.local @!p0 [hbm:s0], s1  }
0xf0: {  	s0 =	simm.s32 @!p0 $0x3  }
0xf1: {  	_ =	swait.ge @!p0 [sflag:s0], s1  }
0xf2: {  	s1 =	ssub.s32 @!p0 $0x0, s1;
	[sflag:s0] =	ssyncset.done @!p0 $0x0  }
0xf3: {  	[sflag:s0] =	ssyncadd.s32 @!p0 s1  }
0xf4: {  	[bflag:$0x3] =	sbarrier.arrive $0xFFFF  }
0xf5: {  	_ =	shalt  }

</sc_bundles>
